<compile_context>
chip_gen: v7x
topology: tpu7x:2x2x1
jax: 0.10.2.dev20260603
libtpu: 0.0.44.dev20260713+nightly
codegen_flags: <defaults>
</compile_context>

<pallas_src>
import functools

import jax
import jax.numpy as jnp
from jax import lax
from jax.experimental import pallas as pl
from jax.experimental.pallas import tpu as pltpu
from jax.experimental.pallas import tpu_sc as plsc

NUM_CONT = 13
NUM_CAT = 26
VOCAB = 100000
EMB_DIM = 16
BATCH = 16384
EMB_W = NUM_CAT * EMB_DIM
OUT_W = NUM_CONT + EMB_W

PACK = 128 // EMB_DIM
NSLAB = NUM_CAT * VOCAB // PACK

NC = 2
NS = 16
NW = NC * NS
ROWS_PER_W = BATCH // NW
C = 128
NCHUNK = ROWS_PER_W // C
NCHUNKS_TOTAL = BATCH // C
NG = C // 16

TC_BLOCK = 1024


def _gather_body(sid_hbm, off_hbm, tab_hbm, emb_hbm,
                 sid_v, off_v, slab_v, row_v, gsem, osem):
    core = lax.axis_index("c")
    sub = lax.axis_index("s")
    wid = sub * NC + core
    iota16 = lax.iota(jnp.int32, 16)

    def chunk_body(cblk, carry):
        chunk = wid * NCHUNK + cblk
        r0 = chunk * C

        pltpu.sync_copy(sid_hbm.at[chunk], sid_v)
        pltpu.sync_copy(off_hbm.at[chunk], off_v)

        def fire(g):
            p = g % 3
            for k in range(NG):
                iv = sid_v[g, pl.ds(16 * k, 16)]
                pltpu.async_copy(tab_hbm.at[iv],
                                 slab_v.at[p, pl.ds(16 * k, 16), :],
                                 gsem.at[p])

        fire(0)
        fire(1)

        def grp_body(g, c):
            @pl.when(g + 2 < NUM_CAT)
            def _():
                fire(g + 2)

            p = g % 3
            for k in range(NG):
                iv = sid_v[g, pl.ds(16 * k, 16)]
                pltpu.make_async_copy(tab_hbm.at[iv],
                                      slab_v.at[p, pl.ds(16 * k, 16), :],
                                      gsem.at[p]).wait()

            slab = slab_v.at[p]
            for k in range(NG):
                rvec = k * 16 + iota16
                flatv = g * 128 + k * 16 + iota16
                brow = lax.div(flatv, NUM_CAT)
                cbase = lax.rem(flatv, NUM_CAT) * EMB_DIM
                offv = off_v[g, pl.ds(16 * k, 16)]
                for cc in range(EMB_DIM):
                    val = plsc.load_gather(slab, [rvec, offv + cc])
                    plsc.store_scatter(row_v, [brow, cbase + cc], val)
            return c
        lax.fori_loop(0, NUM_CAT, grp_body, 0)

        pltpu.async_copy(row_v, emb_hbm.at[pl.ds(r0, C), :], osem)
        pltpu.make_async_copy(row_v, emb_hbm.at[pl.ds(r0, C), :],
                              osem).wait()
        return carry

    lax.fori_loop(0, NCHUNK, chunk_body, 0)


_gather_call = functools.partial(
    pl.kernel,
    mesh=plsc.VectorSubcoreMesh(core_axis_name="c", subcore_axis_name="s"),
    out_type=jax.ShapeDtypeStruct((BATCH, EMB_W), jnp.float32),
    compiler_params=pltpu.CompilerParams(needs_layout_passes=False),
    scratch_types=[
        pltpu.VMEM((NUM_CAT, C), jnp.int32),
        pltpu.VMEM((NUM_CAT, C), jnp.int32),
        pltpu.VMEM((3, C, 128), jnp.float32),
        pltpu.VMEM((C, EMB_W), jnp.float32),
        pltpu.SemaphoreType.DMA((3,)),
        pltpu.SemaphoreType.DMA,
    ],
)(_gather_body)


def kernel(x, tables):
    x = x.astype(jnp.int32)
    tab = tables.reshape(NSLAB, 128)
    flat = x[:, NUM_CONT:] + jnp.arange(
        NUM_CAT, dtype=jnp.int32)[None, :] * VOCAB
    sid = jnp.right_shift(flat, 3)
    off = jnp.left_shift(jnp.bitwise_and(flat, 7), 4)
    sid = sid.reshape(NCHUNKS_TOTAL, NUM_CAT, 128)
    off = off.reshape(NCHUNKS_TOTAL, NUM_CAT, 128)
    emb = _gather_call(sid, off, tab)
    cont = x[:, :NUM_CONT].astype(jnp.float32)
    return jnp.concatenate([cont, emb], axis=1)

# --- scband reference (transcript-rebuilt; emitter-appended) ---
"""Pipeline reference for scband-embedding-generator-26792005992685 (READ-ONLY COPY).

The authoritative reference and input builder live on the scoring server;
editing this copy changes nothing except your own understanding.
"""

import jax, jax.numpy as jnp
import numpy as np

NUM_CONT = 13
NUM_CAT = 26
VOCAB = 100000
EMB_DIM = 16
BATCH = 16384


def setup_inputs(seed: int = 0) -> dict:
    key = jax.random.key(seed)
    k_x, k_t = jax.random.split(key)
    x = jax.random.randint(k_x, (BATCH, NUM_CONT + NUM_CAT), 0, VOCAB, dtype=jnp.int64 if jax.config.jax_enable_x64 else jnp.int32)
    # 26 embedding tables of identical shape, stacked: [26, 100000, 16]
    tables = jax.random.normal(k_t, (NUM_CAT, VOCAB, EMB_DIM), dtype=jnp.float32) * 0.02
    return {"x": x, "tables": tables}


def reference(x, tables):
    # continuous_mask: first 13 columns are continuous, columns 13..38 are categorical
    cols = []
    for i in range(NUM_CONT):
        cols.append(x[:, i:i + 1].astype(jnp.float32))
    for j in range(NUM_CAT):
        idx = x[:, NUM_CONT + j]
        cols.append(jnp.take(tables[j], idx, axis=0))
    return jnp.concatenate(cols, axis=1)

if __name__ == "__main__":
    import jax
    _d = setup_inputs()
    print(jax.jit(kernel)(*tuple(_d.values())))

</pallas_src>

<mosaic_0001>
#map = affine_map<(d0, d1) -> (0, 0, 0)>
#map1 = affine_map<(d0, d1) -> (0, 0)>
module attributes {stable_mosaic.version = 14 : i64} {
  func.func @_gather_body(%arg0: i32, %arg1: i32, %arg2: memref<128x26x128xi32, #tpu.memory_space<hbm>>, %arg3: memref<128x26x128xi32, #tpu.memory_space<hbm>>, %arg4: memref<325000x128xf32, #tpu.memory_space<hbm>>, %arg5: memref<16384x416xf32, #tpu.memory_space<hbm>>, %arg6: memref<26x128xi32, #tpu.memory_space<vmem>>, %arg7: memref<26x128xi32, #tpu.memory_space<vmem>>, %arg8: memref<3x128x128xf32, #tpu.memory_space<vmem>>, %arg9: memref<128x416xf32, #tpu.memory_space<vmem>>, %arg10: memref<3x!tpu.dma_semaphore, #tpu.memory_space<semaphore_mem>>, %arg11: memref<!tpu.dma_semaphore, #tpu.memory_space<semaphore_mem>>) attributes {dimension_semantics = [#tpu.dimension_semantics<core_parallel>, #tpu.dimension_semantics<subcore_parallel>], iteration_bounds = array<i64: 2, 16>, scalar_prefetch = 0 : i64, scratch_operands = 6 : i64, tpu.core_type = #tpu.core_type<sc_vector_subcore>, window_params = [{transform_indices = #map}, {transform_indices = #map}, {transform_indices = #map1}, {transform_indices = #map1}]} {
    %mul3A = arith.constant 2 : i32
    %mul3A_0 = arith.muli %arg1, %mul3A : i32
    %add3A = arith.addi %mul3A_0, %arg0 : i32
    %iota3A = tpu.iota {dimensions = array<i32: 0>} : vector<16xi32>
    %scan3A = arith.constant 0 : i32
    %scan3A_1 = arith.constant 0 : i32
    %scan3A_2 = arith.constant 4 : i32
    %scan3A_3 = arith.addi %scan3A_1, %scan3A_2 : i32
    %scan3A_4 = arith.constant 1 : i32
    scf.for %scan3A_6 = %scan3A_1 to %scan3A_3 step %scan3A_4  : i32 {
      %mul3A_7 = arith.constant 4 : i32
      %mul3A_8 = arith.muli %add3A, %mul3A_7 : i32
      %add3A_9 = arith.addi %mul3A_8, %scan3A_6 : i32
      %mul3A_10 = arith.constant 128 : i32
      %mul3A_11 = arith.muli %add3A_9, %mul3A_10 : i32
      "tpu.region"() ({
        %run_scoped3A = tpu.sem_alloc : memref<!tpu.dma_semaphore, #tpu.memory_space<semaphore_mem>>
        %dma_start3A_263 = arith.constant 0 : i32
        %dma_start3A_264 = arith.constant 0 : i32
        %dma_start3A_265 = tpu.memref_slice %arg2[%add3A_9, %dma_start3A_263, %dma_start3A_264] : memref<128x26x128xi32, #tpu.memory_space<hbm>> -> memref<1x26x128xi32, #tpu.memory_space<hbm>>
        %dma_start3A_266 = tpu.memref_squeeze %dma_start3A_265 : memref<1x26x128xi32, #tpu.memory_space<hbm>> -> memref<26x128xi32, #tpu.memory_space<hbm>>
        %dma_start3A_267 = arith.constant 0 : i32
        %dma_start3A_268 = arith.constant 0 : i32
        %dma_start3A_269 = tpu.memref_slice %arg2[%add3A_9, %dma_start3A_267, %dma_start3A_268] : memref<128x26x128xi32, #tpu.memory_space<hbm>> -> memref<1x26x128xi32, #tpu.memory_space<hbm>>
        %dma_start3A_270 = tpu.memref_squeeze %dma_start3A_269 : memref<1x26x128xi32, #tpu.memory_space<hbm>> -> memref<26x128xi32, #tpu.memory_space<hbm>>
        tpu.enqueue_dma source(%dma_start3A_270 : memref<26x128xi32, #tpu.memory_space<hbm>>) target(%arg6 : memref<26x128xi32, #tpu.memory_space<vmem>>) target_semaphore(%run_scoped3A : memref<!tpu.dma_semaphore, #tpu.memory_space<semaphore_mem>>)
        %dma_wait3A_271 = arith.constant 0 : i32
        %dma_wait3A_272 = arith.constant 0 : i32
        %dma_wait3A_273 = tpu.memref_slice %arg2[%add3A_9, %dma_wait3A_271, %dma_wait3A_272] : memref<128x26x128xi32, #tpu.memory_space<hbm>> -> memref<1x26x128xi32, #tpu.memory_space<hbm>>
        %dma_wait3A_274 = tpu.memref_squeeze %dma_wait3A_273 : memref<1x26x128xi32, #tpu.memory_space<hbm>> -> memref<26x128xi32, #tpu.memory_space<hbm>>
        %dma_wait3A_275 = arith.constant 0 : i32
        %dma_wait3A_276 = arith.constant 0 : i32
        %dma_wait3A_277 = tpu.memref_slice %arg2[%add3A_9, %dma_wait3A_275, %dma_wait3A_276] : memref<128x26x128xi32, #tpu.memory_space<hbm>> -> memref<1x26x128xi32, #tpu.memory_space<hbm>>
        %dma_wait3A_278 = tpu.memref_squeeze %dma_wait3A_277 : memref<1x26x128xi32, #tpu.memory_space<hbm>> -> memref<26x128xi32, #tpu.memory_space<hbm>>
        tpu.wait_dma2 semaphore(%run_scoped3A : memref<!tpu.dma_semaphore, #tpu.memory_space<semaphore_mem>>) src(%dma_wait3A_278 : memref<26x128xi32, #tpu.memory_space<hbm>>) dst(%arg6 : memref<26x128xi32, #tpu.memory_space<vmem>>)
        tpu.yield
      }) : () -> ()
      "tpu.region"() ({
        %run_scoped3A = tpu.sem_alloc : memref<!tpu.dma_semaphore, #tpu.memory_space<semaphore_mem>>
        %dma_start3A_263 = arith.constant 0 : i32
        %dma_start3A_264 = arith.constant 0 : i32
        %dma_start3A_265 = tpu.memref_slice %arg3[%add3A_9, %dma_start3A_263, %dma_start3A_264] : memref<128x26x128xi32, #tpu.memory_space<hbm>> -> memref<1x26x128xi32, #tpu.memory_space<hbm>>
        %dma_start3A_266 = tpu.memref_squeeze %dma_start3A_265 : memref<1x26x128xi32, #tpu.memory_space<hbm>> -> memref<26x128xi32, #tpu.memory_space<hbm>>
        %dma_start3A_267 = arith.constant 0 : i32
        %dma_start3A_268 = arith.constant 0 : i32
        %dma_start3A_269 = tpu.memref_slice %arg3[%add3A_9, %dma_start3A_267, %dma_start3A_268] : memref<128x26x128xi32, #tpu.memory_space<hbm>> -> memref<1x26x128xi32, #tpu.memory_space<hbm>>
        %dma_start3A_270 = tpu.memref_squeeze %dma_start3A_269 : memref<1x26x128xi32, #tpu.memory_space<hbm>> -> memref<26x128xi32, #tpu.memory_space<hbm>>
        tpu.enqueue_dma source(%dma_start3A_270 : memref<26x128xi32, #tpu.memory_space<hbm>>) target(%arg7 : memref<26x128xi32, #tpu.memory_space<vmem>>) target_semaphore(%run_scoped3A : memref<!tpu.dma_semaphore, #tpu.memory_space<semaphore_mem>>)
        %dma_wait3A_271 = arith.constant 0 : i32
        %dma_wait3A_272 = arith.constant 0 : i32
        %dma_wait3A_273 = tpu.memref_slice %arg3[%add3A_9, %dma_wait3A_271, %dma_wait3A_272] : memref<128x26x128xi32, #tpu.memory_space<hbm>> -> memref<1x26x128xi32, #tpu.memory_space<hbm>>
        %dma_wait3A_274 = tpu.memref_squeeze %dma_wait3A_273 : memref<1x26x128xi32, #tpu.memory_space<hbm>> -> memref<26x128xi32, #tpu.memory_space<hbm>>
        %dma_wait3A_275 = arith.constant 0 : i32
        %dma_wait3A_276 = arith.constant 0 : i32
        %dma_wait3A_277 = tpu.memref_slice %arg3[%add3A_9, %dma_wait3A_275, %dma_wait3A_276] : memref<128x26x128xi32, #tpu.memory_space<hbm>> -> memref<1x26x128xi32, #tpu.memory_space<hbm>>
        %dma_wait3A_278 = tpu.memref_squeeze %dma_wait3A_277 : memref<1x26x128xi32, #tpu.memory_space<hbm>> -> memref<26x128xi32, #tpu.memory_space<hbm>>
        tpu.wait_dma2 semaphore(%run_scoped3A : memref<!tpu.dma_semaphore, #tpu.memory_space<semaphore_mem>>) src(%dma_wait3A_278 : memref<26x128xi32, #tpu.memory_space<hbm>>) dst(%arg7 : memref<26x128xi32, #tpu.memory_space<vmem>>)
        tpu.yield
      }) : () -> ()
      %get3A = arith.constant 0 : i32
      %get3A_12 = arith.index_cast %get3A : i32 to index
      %get3A_13 = arith.constant 0 : index
      %get3A_14 = tpu.vector_load %arg6[%get3A_12, %get3A_13] {strides = array<i32>} : memref<26x128xi32, #tpu.memory_space<vmem>>, vector<16xi32>,
      %dma_start3A = arith.constant 0 : i32
      %dma_start3A_15 = arith.constant 0 : i32
      %dma_start3A_16 = arith.constant 0 : i32
      %dma_start3A_17 = arith.constant 0 : i32
      %dma_start3A_18 = tpu.memref_slice %arg8[%dma_start3A, %dma_start3A_16, %dma_start3A_17] : memref<3x128x128xf32, #tpu.memory_space<vmem>> -> memref<1x16x128xf32, #tpu.memory_space<vmem>>
      %dma_start3A_19 = tpu.memref_squeeze %dma_start3A_18 : memref<1x16x128xf32, #tpu.memory_space<vmem>> -> memref<16x128xf32, #tpu.memory_space<vmem>>
      %dma_start3A_20 = arith.constant 0 : i32
      %dma_start3A_21 = arith.constant 0 : i32
      %dma_start3A_22 = tpu.memref_slice %arg4[%dma_start3A_20, %dma_start3A_21] : memref<325000x128xf32, #tpu.memory_space<hbm>> -> memref<325000x128xf32, #tpu.memory_space<hbm>>
      %dma_start3A_23 = tpu.memref_slice %arg10[%dma_start3A_15] : memref<3x!tpu.dma_semaphore, #tpu.memory_space<semaphore_mem>> -> memref<1x!tpu.dma_semaphore, #tpu.memory_space<semaphore_mem>>
      %dma_start3A_24 = tpu.memref_squeeze %dma_start3A_23 : memref<1x!tpu.dma_semaphore, #tpu.memory_space<semaphore_mem>> -> memref<!tpu.dma_semaphore, #tpu.memory_space<semaphore_mem>>
      tpu.enqueue_indirect_dma source(%dma_start3A_22 : memref<325000x128xf32, #tpu.memory_space<hbm>>) target(%dma_start3A_19 : memref<16x128xf32, #tpu.memory_space<vmem>>) offsets(%get3A_14 : vector<16xi32>) semaphore(%dma_start3A_24 : memref<!tpu.dma_semaphore, #tpu.memory_space<semaphore_mem>>)
      %get3A_25 = arith.constant 0 : i32
      %get3A_26 = arith.index_cast %get3A_25 : i32 to index
      %get3A_27 = arith.constant 16 : index
      %get3A_28 = tpu.vector_load %arg6[%get3A_26, %get3A_27] {strides = array<i32>} : memref<26x128xi32, #tpu.memory_space<vmem>>, vector<16xi32>,
      %dma_start3A_29 = arith.constant 0 : i32
      %dma_start3A_30 = arith.constant 0 : i32
      %dma_start3A_31 = arith.constant 16 : i32
      %dma_start3A_32 = arith.constant 0 : i32
      %dma_start3A_33 = tpu.memref_slice %arg8[%dma_start3A_29, %dma_start3A_31, %dma_start3A_32] : memref<3x128x128xf32, #tpu.memory_space<vmem>> -> memref<1x16x128xf32, #tpu.memory_space<vmem>>
      %dma_start3A_34 = tpu.memref_squeeze %dma_start3A_33 : memref<1x16x128xf32, #tpu.memory_space<vmem>> -> memref<16x128xf32, #tpu.memory_space<vmem>>
      %dma_start3A_35 = arith.constant 0 : i32
      %dma_start3A_36 = arith.constant 0 : i32
      %dma_start3A_37 = tpu.memref_slice %arg4[%dma_start3A_35, %dma_start3A_36] : memref<325000x128xf32, #tpu.memory_space<hbm>> -> memref<325000x128xf32, #tpu.memory_space<hbm>>
      %dma_start3A_38 = tpu.memref_slice %arg10[%dma_start3A_30] : memref<3x!tpu.dma_semaphore, #tpu.memory_space<semaphore_mem>> -> memref<1x!tpu.dma_semaphore, #tpu.memory_space<semaphore_mem>>
      %dma_start3A_39 = tpu.memref_squeeze %dma_start3A_38 : memref<1x!tpu.dma_semaphore, #tpu.memory_space<semaphore_mem>> -> memref<!tpu.dma_semaphore, #tpu.memory_space<semaphore_mem>>
      tpu.enqueue_indirect_dma source(%dma_start3A_37 : memref<325000x128xf32, #tpu.memory_space<hbm>>) target(%dma_start3A_34 : memref<16x128xf32, #tpu.memory_space<vmem>>) offsets(%get3A_28 : vector<16xi32>) semaphore(%dma_start3A_39 : memref<!tpu.dma_semaphore, #tpu.memory_space<semaphore_mem>>)
      %get3A_40 = arith.constant 0 : i32
      %get3A_41 = arith.index_cast %get3A_40 : i32 to index
      %get3A_42 = arith.constant 32 : index
      %get3A_43 = tpu.vector_load %arg6[%get3A_41, %get3A_42] {strides = array<i32>} : memref<26x128xi32, #tpu.memory_space<vmem>>, vector<16xi32>,
      %dma_start3A_44 = arith.constant 0 : i32
      %dma_start3A_45 = arith.constant 0 : i32
      %dma_start3A_46 = arith.constant 32 : i32
      %dma_start3A_47 = arith.constant 0 : i32
      %dma_start3A_48 = tpu.memref_slice %arg8[%dma_start3A_44, %dma_start3A_46, %dma_start3A_47] : memref<3x128x128xf32, #tpu.memory_space<vmem>> -> memref<1x16x128xf32, #tpu.memory_space<vmem>>
      %dma_start3A_49 = tpu.memref_squeeze %dma_start3A_48 : memref<1x16x128xf32, #tpu.memory_space<vmem>> -> memref<16x128xf32, #tpu.memory_space<vmem>>
      %dma_start3A_50 = arith.constant 0 : i32
      %dma_start3A_51 = arith.constant 0 : i32
      %dma_start3A_52 = tpu.memref_slice %arg4[%dma_start3A_50, %dma_start3A_51] : memref<325000x128xf32, #tpu.memory_space<hbm>> -> memref<325000x128xf32, #tpu.memory_space<hbm>>
      %dma_start3A_53 = tpu.memref_slice %arg10[%dma_start3A_45] : memref<3x!tpu.dma_semaphore, #tpu.memory_space<semaphore_mem>> -> memref<1x!tpu.dma_semaphore, #tpu.memory_space<semaphore_mem>>
      %dma_start3A_54 = tpu.memref_squeeze %dma_start3A_53 : memref<1x!tpu.dma_semaphore, #tpu.memory_space<semaphore_mem>> -> memref<!tpu.dma_semaphore, #tpu.memory_space<semaphore_mem>>
      tpu.enqueue_indirect_dma source(%dma_start3A_52 : memref<325000x128xf32, #tpu.memory_space<hbm>>) target(%dma_start3A_49 : memref<16x128xf32, #tpu.memory_space<vmem>>) offsets(%get3A_43 : vector<16xi32>) semaphore(%dma_start3A_54 : memref<!tpu.dma_semaphore, #tpu.memory_space<semaphore_mem>>)
      %get3A_55 = arith.constant 0 : i32
      %get3A_56 = arith.index_cast %get3A_55 : i32 to index
      %get3A_57 = arith.constant 48 : index
      %get3A_58 = tpu.vector_load %arg6[%get3A_56, %get3A_57] {strides = array<i32>} : memref<26x128xi32, #tpu.memory_space<vmem>>, vector<16xi32>,
      %dma_start3A_59 = arith.constant 0 : i32
      %dma_start3A_60 = arith.constant 0 : i32
      %dma_start3A_61 = arith.constant 48 : i32
      %dma_start3A_62 = arith.constant 0 : i32
      %dma_start3A_63 = tpu.memref_slice %arg8[%dma_start3A_59, %dma_start3A_61, %dma_start3A_62] : memref<3x128x128xf32, #tpu.memory_space<vmem>> -> memref<1x16x128xf32, #tpu.memory_space<vmem>>
      %dma_start3A_64 = tpu.memref_squeeze %dma_start3A_63 : memref<1x16x128xf32, #tpu.memory_space<vmem>> -> memref<16x128xf32, #tpu.memory_space<vmem>>
      %dma_start3A_65 = arith.constant 0 : i32
      %dma_start3A_66 = arith.constant 0 : i32
      %dma_start3A_67 = tpu.memref_slice %arg4[%dma_start3A_65, %dma_start3A_66] : memref<325000x128xf32, #tpu.memory_space<hbm>> -> memref<325000x128xf32, #tpu.memory_space<hbm>>
      %dma_start3A_68 = tpu.memref_slice %arg10[%dma_start3A_60] : memref<3x!tpu.dma_semaphore, #tpu.memory_space<semaphore_mem>> -> memref<1x!tpu.dma_semaphore, #tpu.memory_space<semaphore_mem>>
      %dma_start3A_69 = tpu.memref_squeeze %dma_start3A_68 : memref<1x!tpu.dma_semaphore, #tpu.memory_space<semaphore_mem>> -> memref<!tpu.dma_semaphore, #tpu.memory_space<semaphore_mem>>
      tpu.enqueue_indirect_dma source(%dma_start3A_67 : memref<325000x128xf32, #tpu.memory_space<hbm>>) target(%dma_start3A_64 : memref<16x128xf32, #tpu.memory_space<vmem>>) offsets(%get3A_58 : vector<16xi32>) semaphore(%dma_start3A_69 : memref<!tpu.dma_semaphore, #tpu.memory_space<semaphore_mem>>)
      %get3A_70 = arith.constant 0 : i32
      %get3A_71 = arith.index_cast %get3A_70 : i32 to index
      %get3A_72 = arith.constant 64 : index
      %get3A_73 = tpu.vector_load %arg6[%get3A_71, %get3A_72] {strides = array<i32>} : memref<26x128xi32, #tpu.memory_space<vmem>>, vector<16xi32>,
      %dma_start3A_74 = arith.constant 0 : i32
      %dma_start3A_75 = arith.constant 0 : i32
      %dma_start3A_76 = arith.constant 64 : i32
      %dma_start3A_77 = arith.constant 0 : i32
      %dma_start3A_78 = tpu.memref_slice %arg8[%dma_start3A_74, %dma_start3A_76, %dma_start3A_77] : memref<3x128x128xf32, #tpu.memory_space<vmem>> -> memref<1x16x128xf32, #tpu.memory_space<vmem>>
      %dma_start3A_79 = tpu.memref_squeeze %dma_start3A_78 : memref<1x16x128xf32, #tpu.memory_space<vmem>> -> memref<16x128xf32, #tpu.memory_space<vmem>>
      %dma_start3A_80 = arith.constant 0 : i32
      %dma_start3A_81 = arith.constant 0 : i32
      %dma_start3A_82 = tpu.memref_slice %arg4[%dma_start3A_80, %dma_start3A_81] : memref<325000x128xf32, #tpu.memory_space<hbm>> -> memref<325000x128xf32, #tpu.memory_space<hbm>>
      %dma_start3A_83 = tpu.memref_slice %arg10[%dma_start3A_75] : memref<3x!tpu.dma_semaphore, #tpu.memory_space<semaphore_mem>> -> memref<1x!tpu.dma_semaphore, #tpu.memory_space<semaphore_mem>>
      %dma_start3A_84 = tpu.memref_squeeze %dma_start3A_83 : memref<1x!tpu.dma_semaphore, #tpu.memory_space<semaphore_mem>> -> memref<!tpu.dma_semaphore, #tpu.memory_space<semaphore_mem>>
      tpu.enqueue_indirect_dma source(%dma_start3A_82 : memref<325000x128xf32, #tpu.memory_space<hbm>>) target(%dma_start3A_79 : memref<16x128xf32, #tpu.memory_space<vmem>>) offsets(%get3A_73 : vector<16xi32>) semaphore(%dma_start3A_84 : memref<!tpu.dma_semaphore, #tpu.memory_space<semaphore_mem>>)
      %get3A_85 = arith.constant 0 : i32
      %get3A_86 = arith.index_cast %get3A_85 : i32 to index
      %get3A_87 = arith.constant 80 : index
      %get3A_88 = tpu.vector_load %arg6[%get3A_86, %get3A_87] {strides = array<i32>} : memref<26x128xi32, #tpu.memory_space<vmem>>, vector<16xi32>,
      %dma_start3A_89 = arith.constant 0 : i32
      %dma_start3A_90 = arith.constant 0 : i32
      %dma_start3A_91 = arith.constant 80 : i32
      %dma_start3A_92 = arith.constant 0 : i32
      %dma_start3A_93 = tpu.memref_slice %arg8[%dma_start3A_89, %dma_start3A_91, %dma_start3A_92] : memref<3x128x128xf32, #tpu.memory_space<vmem>> -> memref<1x16x128xf32, #tpu.memory_space<vmem>>
      %dma_start3A_94 = tpu.memref_squeeze %dma_start3A_93 : memref<1x16x128xf32, #tpu.memory_space<vmem>> -> memref<16x128xf32, #tpu.memory_space<vmem>>
      %dma_start3A_95 = arith.constant 0 : i32
      %dma_start3A_96 = arith.constant 0 : i32
      %dma_start3A_97 = tpu.memref_slice %arg4[%dma_start3A_95, %dma_start3A_96] : memref<325000x128xf32, #tpu.memory_space<hbm>> -> memref<325000x128xf32, #tpu.memory_space<hbm>>
      %dma_start3A_98 = tpu.memref_slice %arg10[%dma_start3A_90] : memref<3x!tpu.dma_semaphore, #tpu.memory_space<semaphore_mem>> -> memref<1x!tpu.dma_semaphore, #tpu.memory_space<semaphore_mem>>
      %dma_start3A_99 = tpu.memref_squeeze %dma_start3A_98 : memref<1x!tpu.dma_semaphore, #tpu.memory_space<semaphore_mem>> -> memref<!tpu.dma_semaphore, #tpu.memory_space<semaphore_mem>>
      tpu.enqueue_indirect_dma source(%dma_start3A_97 : memref<325000x128xf32, #tpu.memory_space<hbm>>) target(%dma_start3A_94 : memref<16x128xf32, #tpu.memory_space<vmem>>) offsets(%get3A_88 : vector<16xi32>) semaphore(%dma_start3A_99 : memref<!tpu.dma_semaphore, #tpu.memory_space<semaphore_mem>>)
      %get3A_100 = arith.constant 0 : i32
      %get3A_101 = arith.index_cast %get3A_100 : i32 to index
      %get3A_102 = arith.constant 96 : index
      %get3A_103 = tpu.vector_load %arg6[%get3A_101, %get3A_102] {strides = array<i32>} : memref<26x128xi32, #tpu.memory_space<vmem>>, vector<16xi32>,
      %dma_start3A_104 = arith.constant 0 : i32
      %dma_start3A_105 = arith.constant 0 : i32
      %dma_start3A_106 = arith.constant 96 : i32
      %dma_start3A_107 = arith.constant 0 : i32
      %dma_start3A_108 = tpu.memref_slice %arg8[%dma_start3A_104, %dma_start3A_106, %dma_start3A_107] : memref<3x128x128xf32, #tpu.memory_space<vmem>> -> memref<1x16x128xf32, #tpu.memory_space<vmem>>
      %dma_start3A_109 = tpu.memref_squeeze %dma_start3A_108 : memref<1x16x128xf32, #tpu.memory_space<vmem>> -> memref<16x128xf32, #tpu.memory_space<vmem>>
      %dma_start3A_110 = arith.constant 0 : i32
      %dma_start3A_111 = arith.constant 0 : i32
      %dma_start3A_112 = tpu.memref_slice %arg4[%dma_start3A_110, %dma_start3A_111] : memref<325000x128xf32, #tpu.memory_space<hbm>> -> memref<325000x128xf32, #tpu.memory_space<hbm>>
      %dma_start3A_113 = tpu.memref_slice %arg10[%dma_start3A_105] : memref<3x!tpu.dma_semaphore, #tpu.memory_space<semaphore_mem>> -> memref<1x!tpu.dma_semaphore, #tpu.memory_space<semaphore_mem>>
      %dma_start3A_114 = tpu.memref_squeeze %dma_start3A_113 : memref<1x!tpu.dma_semaphore, #tpu.memory_space<semaphore_mem>> -> memref<!tpu.dma_semaphore, #tpu.memory_space<semaphore_mem>>
      tpu.enqueue_indirect_dma source(%dma_start3A_112 : memref<325000x128xf32, #tpu.memory_space<hbm>>) target(%dma_start3A_109 : memref<16x128xf32, #tpu.memory_space<vmem>>) offsets(%get3A_103 : vector<16xi32>) semaphore(%dma_start3A_114 : memref<!tpu.dma_semaphore, #tpu.memory_space<semaphore_mem>>)
      %get3A_115 = arith.constant 0 : i32
      %get3A_116 = arith.index_cast %get3A_115 : i32 to index
      %get3A_117 = arith.constant 112 : index
      %get3A_118 = tpu.vector_load %arg6[%get3A_116, %get3A_117] {strides = array<i32>} : memref<26x128xi32, #tpu.memory_space<vmem>>, vector<16xi32>,
      %dma_start3A_119 = arith.constant 0 : i32
      %dma_start3A_120 = arith.constant 0 : i32
      %dma_start3A_121 = arith.constant 112 : i32
      %dma_start3A_122 = arith.constant 0 : i32
      %dma_start3A_123 = tpu.memref_slice %arg8[%dma_start3A_119, %dma_start3A_121, %dma_start3A_122] : memref<3x128x128xf32, #tpu.memory_space<vmem>> -> memref<1x16x128xf32, #tpu.memory_space<vmem>>
      %dma_start3A_124 = tpu.memref_squeeze %dma_start3A_123 : memref<1x16x128xf32, #tpu.memory_space<vmem>> -> memref<16x128xf32, #tpu.memory_space<vmem>>
      %dma_start3A_125 = arith.constant 0 : i32
      %dma_start3A_126 = arith.constant 0 : i32
      %dma_start3A_127 = tpu.memref_slice %arg4[%dma_start3A_125, %dma_start3A_126] : memref<325000x128xf32, #tpu.memory_space<hbm>> -> memref<325000x128xf32, #tpu.memory_space<hbm>>
      %dma_start3A_128 = tpu.memref_slice %arg10[%dma_start3A_120] : memref<3x!tpu.dma_semaphore, #tpu.memory_space<semaphore_mem>> -> memref<1x!tpu.dma_semaphore, #tpu.memory_space<semaphore_mem>>
      %dma_start3A_129 = tpu.memref_squeeze %dma_start3A_128 : memref<1x!tpu.dma_semaphore, #tpu.memory_space<semaphore_mem>> -> memref<!tpu.dma_semaphore, #tpu.memory_space<semaphore_mem>>
      tpu.enqueue_indirect_dma source(%dma_start3A_127 : memref<325000x128xf32, #tpu.memory_space<hbm>>) target(%dma_start3A_124 : memref<16x128xf32, #tpu.memory_space<vmem>>) offsets(%get3A_118 : vector<16xi32>) semaphore(%dma_start3A_129 : memref<!tpu.dma_semaphore, #tpu.memory_space<semaphore_mem>>)
      %get3A_130 = arith.constant 1 : i32
      %get3A_131 = arith.index_cast %get3A_130 : i32 to index
      %get3A_132 = arith.constant 0 : index
      %get3A_133 = tpu.vector_load %arg6[%get3A_131, %get3A_132] {strides = array<i32>} : memref<26x128xi32, #tpu.memory_space<vmem>>, vector<16xi32>,
      %dma_start3A_134 = arith.constant 1 : i32
      %dma_start3A_135 = arith.constant 1 : i32
      %dma_start3A_136 = arith.constant 0 : i32
      %dma_start3A_137 = arith.constant 0 : i32
      %dma_start3A_138 = tpu.memref_slice %arg8[%dma_start3A_134, %dma_start3A_136, %dma_start3A_137] : memref<3x128x128xf32, #tpu.memory_space<vmem>> -> memref<1x16x128xf32, #tpu.memory_space<vmem>>
      %dma_start3A_139 = tpu.memref_squeeze %dma_start3A_138 : memref<1x16x128xf32, #tpu.memory_space<vmem>> -> memref<16x128xf32, #tpu.memory_space<vmem>>
      %dma_start3A_140 = arith.constant 0 : i32
      %dma_start3A_141 = arith.constant 0 : i32
      %dma_start3A_142 = tpu.memref_slice %arg4[%dma_start3A_140, %dma_start3A_141] : memref<325000x128xf32, #tpu.memory_space<hbm>> -> memref<325000x128xf32, #tpu.memory_space<hbm>>
      %dma_start3A_143 = tpu.memref_slice %arg10[%dma_start3A_135] : memref<3x!tpu.dma_semaphore, #tpu.memory_space<semaphore_mem>> -> memref<1x!tpu.dma_semaphore, #tpu.memory_space<semaphore_mem>>
      %dma_start3A_144 = tpu.memref_squeeze %dma_start3A_143 : memref<1x!tpu.dma_semaphore, #tpu.memory_space<semaphore_mem>> -> memref<!tpu.dma_semaphore, #tpu.memory_space<semaphore_mem>>
      tpu.enqueue_indirect_dma source(%dma_start3A_142 : memref<325000x128xf32, #tpu.memory_space<hbm>>) target(%dma_start3A_139 : memref<16x128xf32, #tpu.memory_space<vmem>>) offsets(%get3A_133 : vector<16xi32>) semaphore(%dma_start3A_144 : memref<!tpu.dma_semaphore, #tpu.memory_space<semaphore_mem>>)
      %get3A_145 = arith.constant 1 : i32
      %get3A_146 = arith.index_cast %get3A_145 : i32 to index
      %get3A_147 = arith.constant 16 : index
      %get3A_148 = tpu.vector_load %arg6[%get3A_146, %get3A_147] {strides = array<i32>} : memref<26x128xi32, #tpu.memory_space<vmem>>, vector<16xi32>,
      %dma_start3A_149 = arith.constant 1 : i32
      %dma_start3A_150 = arith.constant 1 : i32
      %dma_start3A_151 = arith.constant 16 : i32
      %dma_start3A_152 = arith.constant 0 : i32
      %dma_start3A_153 = tpu.memref_slice %arg8[%dma_start3A_149, %dma_start3A_151, %dma_start3A_152] : memref<3x128x128xf32, #tpu.memory_space<vmem>> -> memref<1x16x128xf32, #tpu.memory_space<vmem>>
      %dma_start3A_154 = tpu.memref_squeeze %dma_start3A_153 : memref<1x16x128xf32, #tpu.memory_space<vmem>> -> memref<16x128xf32, #tpu.memory_space<vmem>>
      %dma_start3A_155 = arith.constant 0 : i32
      %dma_start3A_156 = arith.constant 0 : i32
      %dma_start3A_157 = tpu.memref_slice %arg4[%dma_start3A_155, %dma_start3A_156] : memref<325000x128xf32, #tpu.memory_space<hbm>> -> memref<325000x128xf32, #tpu.memory_space<hbm>>
      %dma_start3A_158 = tpu.memref_slice %arg10[%dma_start3A_150] : memref<3x!tpu.dma_semaphore, #tpu.memory_space<semaphore_mem>> -> memref<1x!tpu.dma_semaphore, #tpu.memory_space<semaphore_mem>>
      %dma_start3A_159 = tpu.memref_squeeze %dma_start3A_158 : memref<1x!tpu.dma_semaphore, #tpu.memory_space<semaphore_mem>> -> memref<!tpu.dma_semaphore, #tpu.memory_space<semaphore_mem>>
      tpu.enqueue_indirect_dma source(%dma_start3A_157 : memref<325000x128xf32, #tpu.memory_space<hbm>>) target(%dma_start3A_154 : memref<16x128xf32, #tpu.memory_space<vmem>>) offsets(%get3A_148 : vector<16xi32>) semaphore(%dma_start3A_159 : memref<!tpu.dma_semaphore, #tpu.memory_space<semaphore_mem>>)
      %get3A_160 = arith.constant 1 : i32
      %get3A_161 = arith.index_cast %get3A_160 : i32 to index
      %get3A_162 = arith.constant 32 : index
      %get3A_163 = tpu.vector_load %arg6[%get3A_161, %get3A_162] {strides = array<i32>} : memref<26x128xi32, #tpu.memory_space<vmem>>, vector<16xi32>,
      %dma_start3A_164 = arith.constant 1 : i32
      %dma_start3A_165 = arith.constant 1 : i32
      %dma_start3A_166 = arith.constant 32 : i32
      %dma_start3A_167 = arith.constant 0 : i32
      %dma_start3A_168 = tpu.memref_slice %arg8[%dma_start3A_164, %dma_start3A_166, %dma_start3A_167] : memref<3x128x128xf32, #tpu.memory_space<vmem>> -> memref<1x16x128xf32, #tpu.memory_space<vmem>>
      %dma_start3A_169 = tpu.memref_squeeze %dma_start3A_168 : memref<1x16x128xf32, #tpu.memory_space<vmem>> -> memref<16x128xf32, #tpu.memory_space<vmem>>
      %dma_start3A_170 = arith.constant 0 : i32
      %dma_start3A_171 = arith.constant 0 : i32
      %dma_start3A_172 = tpu.memref_slice %arg4[%dma_start3A_170, %dma_start3A_171] : memref<325000x128xf32, #tpu.memory_space<hbm>> -> memref<325000x128xf32, #tpu.memory_space<hbm>>
      %dma_start3A_173 = tpu.memref_slice %arg10[%dma_start3A_165] : memref<3x!tpu.dma_semaphore, #tpu.memory_space<semaphore_mem>> -> memref<1x!tpu.dma_semaphore, #tpu.memory_space<semaphore_mem>>
      %dma_start3A_174 = tpu.memref_squeeze %dma_start3A_173 : memref<1x!tpu.dma_semaphore, #tpu.memory_space<semaphore_mem>> -> memref<!tpu.dma_semaphore, #tpu.memory_space<semaphore_mem>>
      tpu.enqueue_indirect_dma source(%dma_start3A_172 : memref<325000x128xf32, #tpu.memory_space<hbm>>) target(%dma_start3A_169 : memref<16x128xf32, #tpu.memory_space<vmem>>) offsets(%get3A_163 : vector<16xi32>) semaphore(%dma_start3A_174 : memref<!tpu.dma_semaphore, #tpu.memory_space<semaphore_mem>>)
      %get3A_175 = arith.constant 1 : i32
      %get3A_176 = arith.index_cast %get3A_175 : i32 to index
      %get3A_177 = arith.constant 48 : index
      %get3A_178 = tpu.vector_load %arg6[%get3A_176, %get3A_177] {strides = array<i32>} : memref<26x128xi32, #tpu.memory_space<vmem>>, vector<16xi32>,
      %dma_start3A_179 = arith.constant 1 : i32
      %dma_start3A_180 = arith.constant 1 : i32
      %dma_start3A_181 = arith.constant 48 : i32
      %dma_start3A_182 = arith.constant 0 : i32
      %dma_start3A_183 = tpu.memref_slice %arg8[%dma_start3A_179, %dma_start3A_181, %dma_start3A_182] : memref<3x128x128xf32, #tpu.memory_space<vmem>> -> memref<1x16x128xf32, #tpu.memory_space<vmem>>
      %dma_start3A_184 = tpu.memref_squeeze %dma_start3A_183 : memref<1x16x128xf32, #tpu.memory_space<vmem>> -> memref<16x128xf32, #tpu.memory_space<vmem>>
      %dma_start3A_185 = arith.constant 0 : i32
      %dma_start3A_186 = arith.constant 0 : i32
      %dma_start3A_187 = tpu.memref_slice %arg4[%dma_start3A_185, %dma_start3A_186] : memref<325000x128xf32, #tpu.memory_space<hbm>> -> memref<325000x128xf32, #tpu.memory_space<hbm>>
      %dma_start3A_188 = tpu.memref_slice %arg10[%dma_start3A_180] : memref<3x!tpu.dma_semaphore, #tpu.memory_space<semaphore_mem>> -> memref<1x!tpu.dma_semaphore, #tpu.memory_space<semaphore_mem>>
      %dma_start3A_189 = tpu.memref_squeeze %dma_start3A_188 : memref<1x!tpu.dma_semaphore, #tpu.memory_space<semaphore_mem>> -> memref<!tpu.dma_semaphore, #tpu.memory_space<semaphore_mem>>
      tpu.enqueue_indirect_dma source(%dma_start3A_187 : memref<325000x128xf32, #tpu.memory_space<hbm>>) target(%dma_start3A_184 : memref<16x128xf32, #tpu.memory_space<vmem>>) offsets(%get3A_178 : vector<16xi32>) semaphore(%dma_start3A_189 : memref<!tpu.dma_semaphore, #tpu.memory_space<semaphore_mem>>)
      %get3A_190 = arith.constant 1 : i32
      %get3A_191 = arith.index_cast %get3A_190 : i32 to index
      %get3A_192 = arith.constant 64 : index
      %get3A_193 = tpu.vector_load %arg6[%get3A_191, %get3A_192] {strides = array<i32>} : memref<26x128xi32, #tpu.memory_space<vmem>>, vector<16xi32>,
      %dma_start3A_194 = arith.constant 1 : i32
      %dma_start3A_195 = arith.constant 1 : i32
      %dma_start3A_196 = arith.constant 64 : i32
      %dma_start3A_197 = arith.constant 0 : i32
      %dma_start3A_198 = tpu.memref_slice %arg8[%dma_start3A_194, %dma_start3A_196, %dma_start3A_197] : memref<3x128x128xf32, #tpu.memory_space<vmem>> -> memref<1x16x128xf32, #tpu.memory_space<vmem>>
      %dma_start3A_199 = tpu.memref_squeeze %dma_start3A_198 : memref<1x16x128xf32, #tpu.memory_space<vmem>> -> memref<16x128xf32, #tpu.memory_space<vmem>>
      %dma_start3A_200 = arith.constant 0 : i32
      %dma_start3A_201 = arith.constant 0 : i32
      %dma_start3A_202 = tpu.memref_slice %arg4[%dma_start3A_200, %dma_start3A_201] : memref<325000x128xf32, #tpu.memory_space<hbm>> -> memref<325000x128xf32, #tpu.memory_space<hbm>>
      %dma_start3A_203 = tpu.memref_slice %arg10[%dma_start3A_195] : memref<3x!tpu.dma_semaphore, #tpu.memory_space<semaphore_mem>> -> memref<1x!tpu.dma_semaphore, #tpu.memory_space<semaphore_mem>>
      %dma_start3A_204 = tpu.memref_squeeze %dma_start3A_203 : memref<1x!tpu.dma_semaphore, #tpu.memory_space<semaphore_mem>> -> memref<!tpu.dma_semaphore, #tpu.memory_space<semaphore_mem>>
      tpu.enqueue_indirect_dma source(%dma_start3A_202 : memref<325000x128xf32, #tpu.memory_space<hbm>>) target(%dma_start3A_199 : memref<16x128xf32, #tpu.memory_space<vmem>>) offsets(%get3A_193 : vector<16xi32>) semaphore(%dma_start3A_204 : memref<!tpu.dma_semaphore, #tpu.memory_space<semaphore_mem>>)
      %get3A_205 = arith.constant 1 : i32
      %get3A_206 = arith.index_cast %get3A_205 : i32 to index
      %get3A_207 = arith.constant 80 : index
      %get3A_208 = tpu.vector_load %arg6[%get3A_206, %get3A_207] {strides = array<i32>} : memref<26x128xi32, #tpu.memory_space<vmem>>, vector<16xi32>,
      %dma_start3A_209 = arith.constant 1 : i32
      %dma_start3A_210 = arith.constant 1 : i32
      %dma_start3A_211 = arith.constant 80 : i32
      %dma_start3A_212 = arith.constant 0 : i32
      %dma_start3A_213 = tpu.memref_slice %arg8[%dma_start3A_209, %dma_start3A_211, %dma_start3A_212] : memref<3x128x128xf32, #tpu.memory_space<vmem>> -> memref<1x16x128xf32, #tpu.memory_space<vmem>>
      %dma_start3A_214 = tpu.memref_squeeze %dma_start3A_213 : memref<1x16x128xf32, #tpu.memory_space<vmem>> -> memref<16x128xf32, #tpu.memory_space<vmem>>
      %dma_start3A_215 = arith.constant 0 : i32
      %dma_start3A_216 = arith.constant 0 : i32
      %dma_start3A_217 = tpu.memref_slice %arg4[%dma_start3A_215, %dma_start3A_216] : memref<325000x128xf32, #tpu.memory_space<hbm>> -> memref<325000x128xf32, #tpu.memory_space<hbm>>
      %dma_start3A_218 = tpu.memref_slice %arg10[%dma_start3A_210] : memref<3x!tpu.dma_semaphore, #tpu.memory_space<semaphore_mem>> -> memref<1x!tpu.dma_semaphore, #tpu.memory_space<semaphore_mem>>
      %dma_start3A_219 = tpu.memref_squeeze %dma_start3A_218 : memref<1x!tpu.dma_semaphore, #tpu.memory_space<semaphore_mem>> -> memref<!tpu.dma_semaphore, #tpu.memory_space<semaphore_mem>>
      tpu.enqueue_indirect_dma source(%dma_start3A_217 : memref<325000x128xf32, #tpu.memory_space<hbm>>) target(%dma_start3A_214 : memref<16x128xf32, #tpu.memory_space<vmem>>) offsets(%get3A_208 : vector<16xi32>) semaphore(%dma_start3A_219 : memref<!tpu.dma_semaphore, #tpu.memory_space<semaphore_mem>>)
      %get3A_220 = arith.constant 1 : i32
      %get3A_221 = arith.index_cast %get3A_220 : i32 to index
      %get3A_222 = arith.constant 96 : index
      %get3A_223 = tpu.vector_load %arg6[%get3A_221, %get3A_222] {strides = array<i32>} : memref<26x128xi32, #tpu.memory_space<vmem>>, vector<16xi32>,
      %dma_start3A_224 = arith.constant 1 : i32
      %dma_start3A_225 = arith.constant 1 : i32
      %dma_start3A_226 = arith.constant 96 : i32
      %dma_start3A_227 = arith.constant 0 : i32
      %dma_start3A_228 = tpu.memref_slice %arg8[%dma_start3A_224, %dma_start3A_226, %dma_start3A_227] : memref<3x128x128xf32, #tpu.memory_space<vmem>> -> memref<1x16x128xf32, #tpu.memory_space<vmem>>
      %dma_start3A_229 = tpu.memref_squeeze %dma_start3A_228 : memref<1x16x128xf32, #tpu.memory_space<vmem>> -> memref<16x128xf32, #tpu.memory_space<vmem>>
      %dma_start3A_230 = arith.constant 0 : i32
      %dma_start3A_231 = arith.constant 0 : i32
      %dma_start3A_232 = tpu.memref_slice %arg4[%dma_start3A_230, %dma_start3A_231] : memref<325000x128xf32, #tpu.memory_space<hbm>> -> memref<325000x128xf32, #tpu.memory_space<hbm>>
      %dma_start3A_233 = tpu.memref_slice %arg10[%dma_start3A_225] : memref<3x!tpu.dma_semaphore, #tpu.memory_space<semaphore_mem>> -> memref<1x!tpu.dma_semaphore, #tpu.memory_space<semaphore_mem>>
      %dma_start3A_234 = tpu.memref_squeeze %dma_start3A_233 : memref<1x!tpu.dma_semaphore, #tpu.memory_space<semaphore_mem>> -> memref<!tpu.dma_semaphore, #tpu.memory_space<semaphore_mem>>
      tpu.enqueue_indirect_dma source(%dma_start3A_232 : memref<325000x128xf32, #tpu.memory_space<hbm>>) target(%dma_start3A_229 : memref<16x128xf32, #tpu.memory_space<vmem>>) offsets(%get3A_223 : vector<16xi32>) semaphore(%dma_start3A_234 : memref<!tpu.dma_semaphore, #tpu.memory_space<semaphore_mem>>)
      %get3A_235 = arith.constant 1 : i32
      %get3A_236 = arith.index_cast %get3A_235 : i32 to index
      %get3A_237 = arith.constant 112 : index
      %get3A_238 = tpu.vector_load %arg6[%get3A_236, %get3A_237] {strides = array<i32>} : memref<26x128xi32, #tpu.memory_space<vmem>>, vector<16xi32>,
      %dma_start3A_239 = arith.constant 1 : i32
      %dma_start3A_240 = arith.constant 1 : i32
      %dma_start3A_241 = arith.constant 112 : i32
      %dma_start3A_242 = arith.constant 0 : i32
      %dma_start3A_243 = tpu.memref_slice %arg8[%dma_start3A_239, %dma_start3A_241, %dma_start3A_242] : memref<3x128x128xf32, #tpu.memory_space<vmem>> -> memref<1x16x128xf32, #tpu.memory_space<vmem>>
      %dma_start3A_244 = tpu.memref_squeeze %dma_start3A_243 : memref<1x16x128xf32, #tpu.memory_space<vmem>> -> memref<16x128xf32, #tpu.memory_space<vmem>>
      %dma_start3A_245 = arith.constant 0 : i32
      %dma_start3A_246 = arith.constant 0 : i32
      %dma_start3A_247 = tpu.memref_slice %arg4[%dma_start3A_245, %dma_start3A_246] : memref<325000x128xf32, #tpu.memory_space<hbm>> -> memref<325000x128xf32, #tpu.memory_space<hbm>>
      %dma_start3A_248 = tpu.memref_slice %arg10[%dma_start3A_240] : memref<3x!tpu.dma_semaphore, #tpu.memory_space<semaphore_mem>> -> memref<1x!tpu.dma_semaphore, #tpu.memory_space<semaphore_mem>>
      %dma_start3A_249 = tpu.memref_squeeze %dma_start3A_248 : memref<1x!tpu.dma_semaphore, #tpu.memory_space<semaphore_mem>> -> memref<!tpu.dma_semaphore, #tpu.memory_space<semaphore_mem>>
      tpu.enqueue_indirect_dma source(%dma_start3A_247 : memref<325000x128xf32, #tpu.memory_space<hbm>>) target(%dma_start3A_244 : memref<16x128xf32, #tpu.memory_space<vmem>>) offsets(%get3A_238 : vector<16xi32>) semaphore(%dma_start3A_249 : memref<!tpu.dma_semaphore, #tpu.memory_space<semaphore_mem>>)
      %scan3A_250 = arith.constant 0 : i32
      %scan3A_251 = arith.constant 0 : i32
      %scan3A_252 = arith.constant 26 : i32
      %scan3A_253 = arith.addi %scan3A_251, %scan3A_252 : i32
      %scan3A_254 = arith.constant 1 : i32
      scf.for %scan3A_263 = %scan3A_251 to %scan3A_253 step %scan3A_254  : i32 {
        %add3A_264 = arith.constant 2 : i32
        %add3A_265 = arith.addi %scan3A_263, %add3A_264 : i32
        %lt3A = arith.constant 26 : i32
        %lt3A_266 = arith.cmpi slt, %add3A_265, %lt3A : i32
        %convert_element_type3A = arith.extui %lt3A_266 : i1 to i32
        %cond3A = arith.constant 0 : i32
        %cond3A_267 = arith.cmpi ne, %convert_element_type3A, %cond3A : i32
        scf.if %cond3A_267 {
          %add3A_1948 = arith.constant 2 : i32
          %add3A_1949 = arith.addi %scan3A_263, %add3A_1948 : i32
          %jit3A_1950 = arith.constant 3 : i32
          %eq3A_1951 = arith.constant 0 : i32
          %eq3A_1952 = arith.cmpi eq, %jit3A_1950, %eq3A_1951 : i32
          %jit3A_1953 = arith.constant 1 : i32
          %select_n3A_1954 = arith.select %eq3A_1952, %jit3A_1953, %jit3A_1950 : i32
          %rem3A_1955 = arith.remsi %add3A_1949, %select_n3A_1954 : i32
          %ne3A_1956 = arith.constant 0 : i32
          %ne3A_1957 = arith.cmpi ne, %rem3A_1955, %ne3A_1956 : i32
          %lt3A_1958 = arith.constant 0 : i32
          %lt3A_1959 = arith.cmpi slt, %rem3A_1955, %lt3A_1958 : i32
          %lt3A_1960 = arith.constant 0 : i32
          %lt3A_1961 = arith.cmpi slt, %select_n3A_1954, %lt3A_1960 : i32
          %ne3A_1962 = arith.xori %lt3A_1959, %lt3A_1961 : i1
          %and3A_1963 = arith.andi %ne3A_1962, %ne3A_1957 : i1
          %add3A_1964 = arith.addi %rem3A_1955, %select_n3A_1954 : i32
          %select_n3A_1965 = arith.select %and3A_1963, %add3A_1964, %rem3A_1955 : i32
          %get3A_1966 = arith.index_cast %add3A_1949 : i32 to index
          %get3A_1967 = arith.constant 0 : index
          %get3A_1968 = tpu.vector_load %arg6[%get3A_1966, %get3A_1967] {strides = array<i32>} : memref<26x128xi32, #tpu.memory_space<vmem>>, vector<16xi32>,
          %dma_start3A_1969 = arith.constant 0 : i32
          %dma_start3A_1970 = arith.constant 0 : i32
          %dma_start3A_1971 = tpu.memref_slice %arg8[%select_n3A_1965, %dma_start3A_1969, %dma_start3A_1970] : memref<3x128x128xf32, #tpu.memory_space<vmem>> -> memref<1x16x128xf32, #tpu.memory_space<vmem>>
          %dma_start3A_1972 = tpu.memref_squeeze %dma_start3A_1971 : memref<1x16x128xf32, #tpu.memory_space<vmem>> -> memref<16x128xf32, #tpu.memory_space<vmem>>
          %dma_start3A_1973 = arith.constant 0 : i32
          %dma_start3A_1974 = arith.constant 0 : i32
          %dma_start3A_1975 = tpu.memref_slice %arg4[%dma_start3A_1973, %dma_start3A_1974] : memref<325000x128xf32, #tpu.memory_space<hbm>> -> memref<325000x128xf32, #tpu.memory_space<hbm>>
          %dma_start3A_1976 = tpu.memref_slice %arg10[%select_n3A_1965] : memref<3x!tpu.dma_semaphore, #tpu.memory_space<semaphore_mem>> -> memref<1x!tpu.dma_semaphore, #tpu.memory_space<semaphore_mem>>
          %dma_start3A_1977 = tpu.memref_squeeze %dma_start3A_1976 : memref<1x!tpu.dma_semaphore, #tpu.memory_space<semaphore_mem>> -> memref<!tpu.dma_semaphore, #tpu.memory_space<semaphore_mem>>
          tpu.enqueue_indirect_dma source(%dma_start3A_1975 : memref<325000x128xf32, #tpu.memory_space<hbm>>) target(%dma_start3A_1972 : memref<16x128xf32, #tpu.memory_space<vmem>>) offsets(%get3A_1968 : vector<16xi32>) semaphore(%dma_start3A_1977 : memref<!tpu.dma_semaphore, #tpu.memory_space<semaphore_mem>>)
          %get3A_1978 = arith.index_cast %add3A_1949 : i32 to index
          %get3A_1979 = arith.constant 16 : index
          %get3A_1980 = tpu.vector_load %arg6[%get3A_1978, %get3A_1979] {strides = array<i32>} : memref<26x128xi32, #tpu.memory_space<vmem>>, vector<16xi32>,
          %dma_start3A_1981 = arith.constant 16 : i32
          %dma_start3A_1982 = arith.constant 0 : i32
          %dma_start3A_1983 = tpu.memref_slice %arg8[%select_n3A_1965, %dma_start3A_1981, %dma_start3A_1982] : memref<3x128x128xf32, #tpu.memory_space<vmem>> -> memref<1x16x128xf32, #tpu.memory_space<vmem>>
          %dma_start3A_1984 = tpu.memref_squeeze %dma_start3A_1983 : memref<1x16x128xf32, #tpu.memory_space<vmem>> -> memref<16x128xf32, #tpu.memory_space<vmem>>
          %dma_start3A_1985 = arith.constant 0 : i32
          %dma_start3A_1986 = arith.constant 0 : i32
          %dma_start3A_1987 = tpu.memref_slice %arg4[%dma_start3A_1985, %dma_start3A_1986] : memref<325000x128xf32, #tpu.memory_space<hbm>> -> memref<325000x128xf32, #tpu.memory_space<hbm>>
          %dma_start3A_1988 = tpu.memref_slice %arg10[%select_n3A_1965] : memref<3x!tpu.dma_semaphore, #tpu.memory_space<semaphore_mem>> -> memref<1x!tpu.dma_semaphore, #tpu.memory_space<semaphore_mem>>
          %dma_start3A_1989 = tpu.memref_squeeze %dma_start3A_1988 : memref<1x!tpu.dma_semaphore, #tpu.memory_space<semaphore_mem>> -> memref<!tpu.dma_semaphore, #tpu.memory_space<semaphore_mem>>
          tpu.enqueue_indirect_dma source(%dma_start3A_1987 : memref<325000x128xf32, #tpu.memory_space<hbm>>) target(%dma_start3A_1984 : memref<16x128xf32, #tpu.memory_space<vmem>>) offsets(%get3A_1980 : vector<16xi32>) semaphore(%dma_start3A_1989 : memref<!tpu.dma_semaphore, #tpu.memory_space<semaphore_mem>>)
          %get3A_1990 = arith.index_cast %add3A_1949 : i32 to index
          %get3A_1991 = arith.constant 32 : index
          %get3A_1992 = tpu.vector_load %arg6[%get3A_1990, %get3A_1991] {strides = array<i32>} : memref<26x128xi32, #tpu.memory_space<vmem>>, vector<16xi32>,
          %dma_start3A_1993 = arith.constant 32 : i32
          %dma_start3A_1994 = arith.constant 0 : i32
          %dma_start3A_1995 = tpu.memref_slice %arg8[%select_n3A_1965, %dma_start3A_1993, %dma_start3A_1994] : memref<3x128x128xf32, #tpu.memory_space<vmem>> -> memref<1x16x128xf32, #tpu.memory_space<vmem>>
          %dma_start3A_1996 = tpu.memref_squeeze %dma_start3A_1995 : memref<1x16x128xf32, #tpu.memory_space<vmem>> -> memref<16x128xf32, #tpu.memory_space<vmem>>
          %dma_start3A_1997 = arith.constant 0 : i32
          %dma_start3A_1998 = arith.constant 0 : i32
          %dma_start3A_1999 = tpu.memref_slice %arg4[%dma_start3A_1997, %dma_start3A_1998] : memref<325000x128xf32, #tpu.memory_space<hbm>> -> memref<325000x128xf32, #tpu.memory_space<hbm>>
          %dma_start3A_2000 = tpu.memref_slice %arg10[%select_n3A_1965] : memref<3x!tpu.dma_semaphore, #tpu.memory_space<semaphore_mem>> -> memref<1x!tpu.dma_semaphore, #tpu.memory_space<semaphore_mem>>
          %dma_start3A_2001 = tpu.memref_squeeze %dma_start3A_2000 : memref<1x!tpu.dma_semaphore, #tpu.memory_space<semaphore_mem>> -> memref<!tpu.dma_semaphore, #tpu.memory_space<semaphore_mem>>
          tpu.enqueue_indirect_dma source(%dma_start3A_1999 : memref<325000x128xf32, #tpu.memory_space<hbm>>) target(%dma_start3A_1996 : memref<16x128xf32, #tpu.memory_space<vmem>>) offsets(%get3A_1992 : vector<16xi32>) semaphore(%dma_start3A_2001 : memref<!tpu.dma_semaphore, #tpu.memory_space<semaphore_mem>>)
          %get3A_2002 = arith.index_cast %add3A_1949 : i32 to index
          %get3A_2003 = arith.constant 48 : index
          %get3A_2004 = tpu.vector_load %arg6[%get3A_2002, %get3A_2003] {strides = array<i32>} : memref<26x128xi32, #tpu.memory_space<vmem>>, vector<16xi32>,
          %dma_start3A_2005 = arith.constant 48 : i32
          %dma_start3A_2006 = arith.constant 0 : i32
          %dma_start3A_2007 = tpu.memref_slice %arg8[%select_n3A_1965, %dma_start3A_2005, %dma_start3A_2006] : memref<3x128x128xf32, #tpu.memory_space<vmem>> -> memref<1x16x128xf32, #tpu.memory_space<vmem>>
          %dma_start3A_2008 = tpu.memref_squeeze %dma_start3A_2007 : memref<1x16x128xf32, #tpu.memory_space<vmem>> -> memref<16x128xf32, #tpu.memory_space<vmem>>
          %dma_start3A_2009 = arith.constant 0 : i32
          %dma_start3A_2010 = arith.constant 0 : i32
          %dma_start3A_2011 = tpu.memref_slice %arg4[%dma_start3A_2009, %dma_start3A_2010] : memref<325000x128xf32, #tpu.memory_space<hbm>> -> memref<325000x128xf32, #tpu.memory_space<hbm>>
          %dma_start3A_2012 = tpu.memref_slice %arg10[%select_n3A_1965] : memref<3x!tpu.dma_semaphore, #tpu.memory_space<semaphore_mem>> -> memref<1x!tpu.dma_semaphore, #tpu.memory_space<semaphore_mem>>
          %dma_start3A_2013 = tpu.memref_squeeze %dma_start3A_2012 : memref<1x!tpu.dma_semaphore, #tpu.memory_space<semaphore_mem>> -> memref<!tpu.dma_semaphore, #tpu.memory_space<semaphore_mem>>
          tpu.enqueue_indirect_dma source(%dma_start3A_2011 : memref<325000x128xf32, #tpu.memory_space<hbm>>) target(%dma_start3A_2008 : memref<16x128xf32, #tpu.memory_space<vmem>>) offsets(%get3A_2004 : vector<16xi32>) semaphore(%dma_start3A_2013 : memref<!tpu.dma_semaphore, #tpu.memory_space<semaphore_mem>>)
          %get3A_2014 = arith.index_cast %add3A_1949 : i32 to index
          %get3A_2015 = arith.constant 64 : index
          %get3A_2016 = tpu.vector_load %arg6[%get3A_2014, %get3A_2015] {strides = array<i32>} : memref<26x128xi32, #tpu.memory_space<vmem>>, vector<16xi32>,
          %dma_start3A_2017 = arith.constant 64 : i32
          %dma_start3A_2018 = arith.constant 0 : i32
          %dma_start3A_2019 = tpu.memref_slice %arg8[%select_n3A_1965, %dma_start3A_2017, %dma_start3A_2018] : memref<3x128x128xf32, #tpu.memory_space<vmem>> -> memref<1x16x128xf32, #tpu.memory_space<vmem>>
          %dma_start3A_2020 = tpu.memref_squeeze %dma_start3A_2019 : memref<1x16x128xf32, #tpu.memory_space<vmem>> -> memref<16x128xf32, #tpu.memory_space<vmem>>
          %dma_start3A_2021 = arith.constant 0 : i32
          %dma_start3A_2022 = arith.constant 0 : i32
          %dma_start3A_2023 = tpu.memref_slice %arg4[%dma_start3A_2021, %dma_start3A_2022] : memref<325000x128xf32, #tpu.memory_space<hbm>> -> memref<325000x128xf32, #tpu.memory_space<hbm>>
          %dma_start3A_2024 = tpu.memref_slice %arg10[%select_n3A_1965] : memref<3x!tpu.dma_semaphore, #tpu.memory_space<semaphore_mem>> -> memref<1x!tpu.dma_semaphore, #tpu.memory_space<semaphore_mem>>
          %dma_start3A_2025 = tpu.memref_squeeze %dma_start3A_2024 : memref<1x!tpu.dma_semaphore, #tpu.memory_space<semaphore_mem>> -> memref<!tpu.dma_semaphore, #tpu.memory_space<semaphore_mem>>
          tpu.enqueue_indirect_dma source(%dma_start3A_2023 : memref<325000x128xf32, #tpu.memory_space<hbm>>) target(%dma_start3A_2020 : memref<16x128xf32, #tpu.memory_space<vmem>>) offsets(%get3A_2016 : vector<16xi32>) semaphore(%dma_start3A_2025 : memref<!tpu.dma_semaphore, #tpu.memory_space<semaphore_mem>>)
          %get3A_2026 = arith.index_cast %add3A_1949 : i32 to index
          %get3A_2027 = arith.constant 80 : index
          %get3A_2028 = tpu.vector_load %arg6[%get3A_2026, %get3A_2027] {strides = array<i32>} : memref<26x128xi32, #tpu.memory_space<vmem>>, vector<16xi32>,
          %dma_start3A_2029 = arith.constant 80 : i32
          %dma_start3A_2030 = arith.constant 0 : i32
          %dma_start3A_2031 = tpu.memref_slice %arg8[%select_n3A_1965, %dma_start3A_2029, %dma_start3A_2030] : memref<3x128x128xf32, #tpu.memory_space<vmem>> -> memref<1x16x128xf32, #tpu.memory_space<vmem>>
          %dma_start3A_2032 = tpu.memref_squeeze %dma_start3A_2031 : memref<1x16x128xf32, #tpu.memory_space<vmem>> -> memref<16x128xf32, #tpu.memory_space<vmem>>
          %dma_start3A_2033 = arith.constant 0 : i32
          %dma_start3A_2034 = arith.constant 0 : i32
          %dma_start3A_2035 = tpu.memref_slice %arg4[%dma_start3A_2033, %dma_start3A_2034] : memref<325000x128xf32, #tpu.memory_space<hbm>> -> memref<325000x128xf32, #tpu.memory_space<hbm>>
          %dma_start3A_2036 = tpu.memref_slice %arg10[%select_n3A_1965] : memref<3x!tpu.dma_semaphore, #tpu.memory_space<semaphore_mem>> -> memref<1x!tpu.dma_semaphore, #tpu.memory_space<semaphore_mem>>
          %dma_start3A_2037 = tpu.memref_squeeze %dma_start3A_2036 : memref<1x!tpu.dma_semaphore, #tpu.memory_space<semaphore_mem>> -> memref<!tpu.dma_semaphore, #tpu.memory_space<semaphore_mem>>
          tpu.enqueue_indirect_dma source(%dma_start3A_2035 : memref<325000x128xf32, #tpu.memory_space<hbm>>) target(%dma_start3A_2032 : memref<16x128xf32, #tpu.memory_space<vmem>>) offsets(%get3A_2028 : vector<16xi32>) semaphore(%dma_start3A_2037 : memref<!tpu.dma_semaphore, #tpu.memory_space<semaphore_mem>>)
          %get3A_2038 = arith.index_cast %add3A_1949 : i32 to index
          %get3A_2039 = arith.constant 96 : index
          %get3A_2040 = tpu.vector_load %arg6[%get3A_2038, %get3A_2039] {strides = array<i32>} : memref<26x128xi32, #tpu.memory_space<vmem>>, vector<16xi32>,
          %dma_start3A_2041 = arith.constant 96 : i32
          %dma_start3A_2042 = arith.constant 0 : i32
          %dma_start3A_2043 = tpu.memref_slice %arg8[%select_n3A_1965, %dma_start3A_2041, %dma_start3A_2042] : memref<3x128x128xf32, #tpu.memory_space<vmem>> -> memref<1x16x128xf32, #tpu.memory_space<vmem>>
          %dma_start3A_2044 = tpu.memref_squeeze %dma_start3A_2043 : memref<1x16x128xf32, #tpu.memory_space<vmem>> -> memref<16x128xf32, #tpu.memory_space<vmem>>
          %dma_start3A_2045 = arith.constant 0 : i32
          %dma_start3A_2046 = arith.constant 0 : i32
          %dma_start3A_2047 = tpu.memref_slice %arg4[%dma_start3A_2045, %dma_start3A_2046] : memref<325000x128xf32, #tpu.memory_space<hbm>> -> memref<325000x128xf32, #tpu.memory_space<hbm>>
          %dma_start3A_2048 = tpu.memref_slice %arg10[%select_n3A_1965] : memref<3x!tpu.dma_semaphore, #tpu.memory_space<semaphore_mem>> -> memref<1x!tpu.dma_semaphore, #tpu.memory_space<semaphore_mem>>
          %dma_start3A_2049 = tpu.memref_squeeze %dma_start3A_2048 : memref<1x!tpu.dma_semaphore, #tpu.memory_space<semaphore_mem>> -> memref<!tpu.dma_semaphore, #tpu.memory_space<semaphore_mem>>
          tpu.enqueue_indirect_dma source(%dma_start3A_2047 : memref<325000x128xf32, #tpu.memory_space<hbm>>) target(%dma_start3A_2044 : memref<16x128xf32, #tpu.memory_space<vmem>>) offsets(%get3A_2040 : vector<16xi32>) semaphore(%dma_start3A_2049 : memref<!tpu.dma_semaphore, #tpu.memory_space<semaphore_mem>>)
          %get3A_2050 = arith.index_cast %add3A_1949 : i32 to index
          %get3A_2051 = arith.constant 112 : index
          %get3A_2052 = tpu.vector_load %arg6[%get3A_2050, %get3A_2051] {strides = array<i32>} : memref<26x128xi32, #tpu.memory_space<vmem>>, vector<16xi32>,
          %dma_start3A_2053 = arith.constant 112 : i32
          %dma_start3A_2054 = arith.constant 0 : i32
          %dma_start3A_2055 = tpu.memref_slice %arg8[%select_n3A_1965, %dma_start3A_2053, %dma_start3A_2054] : memref<3x128x128xf32, #tpu.memory_space<vmem>> -> memref<1x16x128xf32, #tpu.memory_space<vmem>>
          %dma_start3A_2056 = tpu.memref_squeeze %dma_start3A_2055 : memref<1x16x128xf32, #tpu.memory_space<vmem>> -> memref<16x128xf32, #tpu.memory_space<vmem>>
          %dma_start3A_2057 = arith.constant 0 : i32
          %dma_start3A_2058 = arith.constant 0 : i32
          %dma_start3A_2059 = tpu.memref_slice %arg4[%dma_start3A_2057, %dma_start3A_2058] : memref<325000x128xf32, #tpu.memory_space<hbm>> -> memref<325000x128xf32, #tpu.memory_space<hbm>>
          %dma_start3A_2060 = tpu.memref_slice %arg10[%select_n3A_1965] : memref<3x!tpu.dma_semaphore, #tpu.memory_space<semaphore_mem>> -> memref<1x!tpu.dma_semaphore, #tpu.memory_space<semaphore_mem>>
          %dma_start3A_2061 = tpu.memref_squeeze %dma_start3A_2060 : memref<1x!tpu.dma_semaphore, #tpu.memory_space<semaphore_mem>> -> memref<!tpu.dma_semaphore, #tpu.memory_space<semaphore_mem>>
          tpu.enqueue_indirect_dma source(%dma_start3A_2059 : memref<325000x128xf32, #tpu.memory_space<hbm>>) target(%dma_start3A_2056 : memref<16x128xf32, #tpu.memory_space<vmem>>) offsets(%get3A_2052 : vector<16xi32>) semaphore(%dma_start3A_2061 : memref<!tpu.dma_semaphore, #tpu.memory_space<semaphore_mem>>)
        } else {
        }
        %jit3A = arith.constant 3 : i32
        %eq3A = arith.constant 0 : i32
        %eq3A_268 = arith.cmpi eq, %jit3A, %eq3A : i32
        %jit3A_269 = arith.constant 1 : i32
        %select_n3A = arith.select %eq3A_268, %jit3A_269, %jit3A : i32
        %rem3A = arith.remsi %scan3A_263, %select_n3A : i32
        %ne3A = arith.constant 0 : i32
        %ne3A_270 = arith.cmpi ne, %rem3A, %ne3A : i32
        %lt3A_271 = arith.constant 0 : i32
        %lt3A_272 = arith.cmpi slt, %rem3A, %lt3A_271 : i32
        %lt3A_273 = arith.constant 0 : i32
        %lt3A_274 = arith.cmpi slt, %select_n3A, %lt3A_273 : i32
        %ne3A_275 = arith.xori %lt3A_272, %lt3A_274 : i1
        %and3A = arith.andi %ne3A_275, %ne3A_270 : i1
        %add3A_276 = arith.addi %rem3A, %select_n3A : i32
        %select_n3A_277 = arith.select %and3A, %add3A_276, %rem3A : i32
        %get3A_278 = arith.index_cast %scan3A_263 : i32 to index
        %get3A_279 = arith.constant 0 : index
        %get3A_280 = tpu.vector_load %arg6[%get3A_278, %get3A_279] {strides = array<i32>} : memref<26x128xi32, #tpu.memory_space<vmem>>, vector<16xi32>,
        %dma_wait3A_281 = arith.constant 0 : i32
        %dma_wait3A_282 = arith.constant 0 : i32
        %dma_wait3A_283 = tpu.memref_slice %arg8[%select_n3A_277, %dma_wait3A_281, %dma_wait3A_282] : memref<3x128x128xf32, #tpu.memory_space<vmem>> -> memref<1x16x128xf32, #tpu.memory_space<vmem>>
        %dma_wait3A_284 = tpu.memref_squeeze %dma_wait3A_283 : memref<1x16x128xf32, #tpu.memory_space<vmem>> -> memref<16x128xf32, #tpu.memory_space<vmem>>
        %dma_wait3A_285 = arith.constant 0 : i32
        %dma_wait3A_286 = arith.constant 0 : i32
        %dma_wait3A_287 = tpu.memref_slice %arg4[%dma_wait3A_285, %dma_wait3A_286] : memref<325000x128xf32, #tpu.memory_space<hbm>> -> memref<325000x128xf32, #tpu.memory_space<hbm>>
        %dma_wait3A_288 = tpu.memref_slice %arg10[%select_n3A_277] : memref<3x!tpu.dma_semaphore, #tpu.memory_space<semaphore_mem>> -> memref<1x!tpu.dma_semaphore, #tpu.memory_space<semaphore_mem>>
        %dma_wait3A_289 = tpu.memref_squeeze %dma_wait3A_288 : memref<1x!tpu.dma_semaphore, #tpu.memory_space<semaphore_mem>> -> memref<!tpu.dma_semaphore, #tpu.memory_space<semaphore_mem>>
        tpu.wait_indirect_dma semaphore(%dma_wait3A_289 : memref<!tpu.dma_semaphore, #tpu.memory_space<semaphore_mem>>) src(%dma_wait3A_287 : memref<325000x128xf32, #tpu.memory_space<hbm>>) dst(%dma_wait3A_284 : memref<16x128xf32, #tpu.memory_space<vmem>>)
        %get3A_290 = arith.index_cast %scan3A_263 : i32 to index
        %get3A_291 = arith.constant 16 : index
        %get3A_292 = tpu.vector_load %arg6[%get3A_290, %get3A_291] {strides = array<i32>} : memref<26x128xi32, #tpu.memory_space<vmem>>, vector<16xi32>,
        %dma_wait3A_293 = arith.constant 16 : i32
        %dma_wait3A_294 = arith.constant 0 : i32
        %dma_wait3A_295 = tpu.memref_slice %arg8[%select_n3A_277, %dma_wait3A_293, %dma_wait3A_294] : memref<3x128x128xf32, #tpu.memory_space<vmem>> -> memref<1x16x128xf32, #tpu.memory_space<vmem>>
        %dma_wait3A_296 = tpu.memref_squeeze %dma_wait3A_295 : memref<1x16x128xf32, #tpu.memory_space<vmem>> -> memref<16x128xf32, #tpu.memory_space<vmem>>
        %dma_wait3A_297 = arith.constant 0 : i32
        %dma_wait3A_298 = arith.constant 0 : i32
        %dma_wait3A_299 = tpu.memref_slice %arg4[%dma_wait3A_297, %dma_wait3A_298] : memref<325000x128xf32, #tpu.memory_space<hbm>> -> memref<325000x128xf32, #tpu.memory_space<hbm>>
        %dma_wait3A_300 = tpu.memref_slice %arg10[%select_n3A_277] : memref<3x!tpu.dma_semaphore, #tpu.memory_space<semaphore_mem>> -> memref<1x!tpu.dma_semaphore, #tpu.memory_space<semaphore_mem>>
        %dma_wait3A_301 = tpu.memref_squeeze %dma_wait3A_300 : memref<1x!tpu.dma_semaphore, #tpu.memory_space<semaphore_mem>> -> memref<!tpu.dma_semaphore, #tpu.memory_space<semaphore_mem>>
        tpu.wait_indirect_dma semaphore(%dma_wait3A_301 : memref<!tpu.dma_semaphore, #tpu.memory_space<semaphore_mem>>) src(%dma_wait3A_299 : memref<325000x128xf32, #tpu.memory_space<hbm>>) dst(%dma_wait3A_296 : memref<16x128xf32, #tpu.memory_space<vmem>>)
        %get3A_302 = arith.index_cast %scan3A_263 : i32 to index
        %get3A_303 = arith.constant 32 : index
        %get3A_304 = tpu.vector_load %arg6[%get3A_302, %get3A_303] {strides = array<i32>} : memref<26x128xi32, #tpu.memory_space<vmem>>, vector<16xi32>,
        %dma_wait3A_305 = arith.constant 32 : i32
        %dma_wait3A_306 = arith.constant 0 : i32
        %dma_wait3A_307 = tpu.memref_slice %arg8[%select_n3A_277, %dma_wait3A_305, %dma_wait3A_306] : memref<3x128x128xf32, #tpu.memory_space<vmem>> -> memref<1x16x128xf32, #tpu.memory_space<vmem>>
        %dma_wait3A_308 = tpu.memref_squeeze %dma_wait3A_307 : memref<1x16x128xf32, #tpu.memory_space<vmem>> -> memref<16x128xf32, #tpu.memory_space<vmem>>
        %dma_wait3A_309 = arith.constant 0 : i32
        %dma_wait3A_310 = arith.constant 0 : i32
        %dma_wait3A_311 = tpu.memref_slice %arg4[%dma_wait3A_309, %dma_wait3A_310] : memref<325000x128xf32, #tpu.memory_space<hbm>> -> memref<325000x128xf32, #tpu.memory_space<hbm>>
        %dma_wait3A_312 = tpu.memref_slice %arg10[%select_n3A_277] : memref<3x!tpu.dma_semaphore, #tpu.memory_space<semaphore_mem>> -> memref<1x!tpu.dma_semaphore, #tpu.memory_space<semaphore_mem>>
        %dma_wait3A_313 = tpu.memref_squeeze %dma_wait3A_312 : memref<1x!tpu.dma_semaphore, #tpu.memory_space<semaphore_mem>> -> memref<!tpu.dma_semaphore, #tpu.memory_space<semaphore_mem>>
        tpu.wait_indirect_dma semaphore(%dma_wait3A_313 : memref<!tpu.dma_semaphore, #tpu.memory_space<semaphore_mem>>) src(%dma_wait3A_311 : memref<325000x128xf32, #tpu.memory_space<hbm>>) dst(%dma_wait3A_308 : memref<16x128xf32, #tpu.memory_space<vmem>>)
        %get3A_314 = arith.index_cast %scan3A_263 : i32 to index
        %get3A_315 = arith.constant 48 : index
        %get3A_316 = tpu.vector_load %arg6[%get3A_314, %get3A_315] {strides = array<i32>} : memref<26x128xi32, #tpu.memory_space<vmem>>, vector<16xi32>,
        %dma_wait3A_317 = arith.constant 48 : i32
        %dma_wait3A_318 = arith.constant 0 : i32
        %dma_wait3A_319 = tpu.memref_slice %arg8[%select_n3A_277, %dma_wait3A_317, %dma_wait3A_318] : memref<3x128x128xf32, #tpu.memory_space<vmem>> -> memref<1x16x128xf32, #tpu.memory_space<vmem>>
        %dma_wait3A_320 = tpu.memref_squeeze %dma_wait3A_319 : memref<1x16x128xf32, #tpu.memory_space<vmem>> -> memref<16x128xf32, #tpu.memory_space<vmem>>
        %dma_wait3A_321 = arith.constant 0 : i32
        %dma_wait3A_322 = arith.constant 0 : i32
        %dma_wait3A_323 = tpu.memref_slice %arg4[%dma_wait3A_321, %dma_wait3A_322] : memref<325000x128xf32, #tpu.memory_space<hbm>> -> memref<325000x128xf32, #tpu.memory_space<hbm>>
        %dma_wait3A_324 = tpu.memref_slice %arg10[%select_n3A_277] : memref<3x!tpu.dma_semaphore, #tpu.memory_space<semaphore_mem>> -> memref<1x!tpu.dma_semaphore, #tpu.memory_space<semaphore_mem>>
        %dma_wait3A_325 = tpu.memref_squeeze %dma_wait3A_324 : memref<1x!tpu.dma_semaphore, #tpu.memory_space<semaphore_mem>> -> memref<!tpu.dma_semaphore, #tpu.memory_space<semaphore_mem>>
        tpu.wait_indirect_dma semaphore(%dma_wait3A_325 : memref<!tpu.dma_semaphore, #tpu.memory_space<semaphore_mem>>) src(%dma_wait3A_323 : memref<325000x128xf32, #tpu.memory_space<hbm>>) dst(%dma_wait3A_320 : memref<16x128xf32, #tpu.memory_space<vmem>>)
        %get3A_326 = arith.index_cast %scan3A_263 : i32 to index
        %get3A_327 = arith.constant 64 : index
        %get3A_328 = tpu.vector_load %arg6[%get3A_326, %get3A_327] {strides = array<i32>} : memref<26x128xi32, #tpu.memory_space<vmem>>, vector<16xi32>,
        %dma_wait3A_329 = arith.constant 64 : i32
        %dma_wait3A_330 = arith.constant 0 : i32
        %dma_wait3A_331 = tpu.memref_slice %arg8[%select_n3A_277, %dma_wait3A_329, %dma_wait3A_330] : memref<3x128x128xf32, #tpu.memory_space<vmem>> -> memref<1x16x128xf32, #tpu.memory_space<vmem>>
        %dma_wait3A_332 = tpu.memref_squeeze %dma_wait3A_331 : memref<1x16x128xf32, #tpu.memory_space<vmem>> -> memref<16x128xf32, #tpu.memory_space<vmem>>
        %dma_wait3A_333 = arith.constant 0 : i32
        %dma_wait3A_334 = arith.constant 0 : i32
        %dma_wait3A_335 = tpu.memref_slice %arg4[%dma_wait3A_333, %dma_wait3A_334] : memref<325000x128xf32, #tpu.memory_space<hbm>> -> memref<325000x128xf32, #tpu.memory_space<hbm>>
        %dma_wait3A_336 = tpu.memref_slice %arg10[%select_n3A_277] : memref<3x!tpu.dma_semaphore, #tpu.memory_space<semaphore_mem>> -> memref<1x!tpu.dma_semaphore, #tpu.memory_space<semaphore_mem>>
        %dma_wait3A_337 = tpu.memref_squeeze %dma_wait3A_336 : memref<1x!tpu.dma_semaphore, #tpu.memory_space<semaphore_mem>> -> memref<!tpu.dma_semaphore, #tpu.memory_space<semaphore_mem>>
        tpu.wait_indirect_dma semaphore(%dma_wait3A_337 : memref<!tpu.dma_semaphore, #tpu.memory_space<semaphore_mem>>) src(%dma_wait3A_335 : memref<325000x128xf32, #tpu.memory_space<hbm>>) dst(%dma_wait3A_332 : memref<16x128xf32, #tpu.memory_space<vmem>>)
        %get3A_338 = arith.index_cast %scan3A_263 : i32 to index
        %get3A_339 = arith.constant 80 : index
        %get3A_340 = tpu.vector_load %arg6[%get3A_338, %get3A_339] {strides = array<i32>} : memref<26x128xi32, #tpu.memory_space<vmem>>, vector<16xi32>,
        %dma_wait3A_341 = arith.constant 80 : i32
        %dma_wait3A_342 = arith.constant 0 : i32
        %dma_wait3A_343 = tpu.memref_slice %arg8[%select_n3A_277, %dma_wait3A_341, %dma_wait3A_342] : memref<3x128x128xf32, #tpu.memory_space<vmem>> -> memref<1x16x128xf32, #tpu.memory_space<vmem>>
        %dma_wait3A_344 = tpu.memref_squeeze %dma_wait3A_343 : memref<1x16x128xf32, #tpu.memory_space<vmem>> -> memref<16x128xf32, #tpu.memory_space<vmem>>
        %dma_wait3A_345 = arith.constant 0 : i32
        %dma_wait3A_346 = arith.constant 0 : i32
        %dma_wait3A_347 = tpu.memref_slice %arg4[%dma_wait3A_345, %dma_wait3A_346] : memref<325000x128xf32, #tpu.memory_space<hbm>> -> memref<325000x128xf32, #tpu.memory_space<hbm>>
        %dma_wait3A_348 = tpu.memref_slice %arg10[%select_n3A_277] : memref<3x!tpu.dma_semaphore, #tpu.memory_space<semaphore_mem>> -> memref<1x!tpu.dma_semaphore, #tpu.memory_space<semaphore_mem>>
        %dma_wait3A_349 = tpu.memref_squeeze %dma_wait3A_348 : memref<1x!tpu.dma_semaphore, #tpu.memory_space<semaphore_mem>> -> memref<!tpu.dma_semaphore, #tpu.memory_space<semaphore_mem>>
        tpu.wait_indirect_dma semaphore(%dma_wait3A_349 : memref<!tpu.dma_semaphore, #tpu.memory_space<semaphore_mem>>) src(%dma_wait3A_347 : memref<325000x128xf32, #tpu.memory_space<hbm>>) dst(%dma_wait3A_344 : memref<16x128xf32, #tpu.memory_space<vmem>>)
        %get3A_350 = arith.index_cast %scan3A_263 : i32 to index
        %get3A_351 = arith.constant 96 : index
        %get3A_352 = tpu.vector_load %arg6[%get3A_350, %get3A_351] {strides = array<i32>} : memref<26x128xi32, #tpu.memory_space<vmem>>, vector<16xi32>,
        %dma_wait3A_353 = arith.constant 96 : i32
        %dma_wait3A_354 = arith.constant 0 : i32
        %dma_wait3A_355 = tpu.memref_slice %arg8[%select_n3A_277, %dma_wait3A_353, %dma_wait3A_354] : memref<3x128x128xf32, #tpu.memory_space<vmem>> -> memref<1x16x128xf32, #tpu.memory_space<vmem>>
        %dma_wait3A_356 = tpu.memref_squeeze %dma_wait3A_355 : memref<1x16x128xf32, #tpu.memory_space<vmem>> -> memref<16x128xf32, #tpu.memory_space<vmem>>
        %dma_wait3A_357 = arith.constant 0 : i32
        %dma_wait3A_358 = arith.constant 0 : i32
        %dma_wait3A_359 = tpu.memref_slice %arg4[%dma_wait3A_357, %dma_wait3A_358] : memref<325000x128xf32, #tpu.memory_space<hbm>> -> memref<325000x128xf32, #tpu.memory_space<hbm>>
        %dma_wait3A_360 = tpu.memref_slice %arg10[%select_n3A_277] : memref<3x!tpu.dma_semaphore, #tpu.memory_space<semaphore_mem>> -> memref<1x!tpu.dma_semaphore, #tpu.memory_space<semaphore_mem>>
        %dma_wait3A_361 = tpu.memref_squeeze %dma_wait3A_360 : memref<1x!tpu.dma_semaphore, #tpu.memory_space<semaphore_mem>> -> memref<!tpu.dma_semaphore, #tpu.memory_space<semaphore_mem>>
        tpu.wait_indirect_dma semaphore(%dma_wait3A_361 : memref<!tpu.dma_semaphore, #tpu.memory_space<semaphore_mem>>) src(%dma_wait3A_359 : memref<325000x128xf32, #tpu.memory_space<hbm>>) dst(%dma_wait3A_356 : memref<16x128xf32, #tpu.memory_space<vmem>>)
        %get3A_362 = arith.index_cast %scan3A_263 : i32 to index
        %get3A_363 = arith.constant 112 : index
        %get3A_364 = tpu.vector_load %arg6[%get3A_362, %get3A_363] {strides = array<i32>} : memref<26x128xi32, #tpu.memory_space<vmem>>, vector<16xi32>,
        %dma_wait3A_365 = arith.constant 112 : i32
        %dma_wait3A_366 = arith.constant 0 : i32
        %dma_wait3A_367 = tpu.memref_slice %arg8[%select_n3A_277, %dma_wait3A_365, %dma_wait3A_366] : memref<3x128x128xf32, #tpu.memory_space<vmem>> -> memref<1x16x128xf32, #tpu.memory_space<vmem>>
        %dma_wait3A_368 = tpu.memref_squeeze %dma_wait3A_367 : memref<1x16x128xf32, #tpu.memory_space<vmem>> -> memref<16x128xf32, #tpu.memory_space<vmem>>
        %dma_wait3A_369 = arith.constant 0 : i32
        %dma_wait3A_370 = arith.constant 0 : i32
        %dma_wait3A_371 = tpu.memref_slice %arg4[%dma_wait3A_369, %dma_wait3A_370] : memref<325000x128xf32, #tpu.memory_space<hbm>> -> memref<325000x128xf32, #tpu.memory_space<hbm>>
        %dma_wait3A_372 = tpu.memref_slice %arg10[%select_n3A_277] : memref<3x!tpu.dma_semaphore, #tpu.memory_space<semaphore_mem>> -> memref<1x!tpu.dma_semaphore, #tpu.memory_space<semaphore_mem>>
        %dma_wait3A_373 = tpu.memref_squeeze %dma_wait3A_372 : memref<1x!tpu.dma_semaphore, #tpu.memory_space<semaphore_mem>> -> memref<!tpu.dma_semaphore, #tpu.memory_space<semaphore_mem>>
        tpu.wait_indirect_dma semaphore(%dma_wait3A_373 : memref<!tpu.dma_semaphore, #tpu.memory_space<semaphore_mem>>) src(%dma_wait3A_371 : memref<325000x128xf32, #tpu.memory_space<hbm>>) dst(%dma_wait3A_368 : memref<16x128xf32, #tpu.memory_space<vmem>>)
        %add3A_374 = arith.constant 0 : i32
        %add3A_375 = vector.broadcast %add3A_374 : i32 to vector<16xi32>
        %add3A_376 = arith.addi %add3A_375, %iota3A : vector<16xi32>
        %mul3A_377 = arith.constant 128 : i32
        %mul3A_378 = arith.muli %scan3A_263, %mul3A_377 : i32
        %add3A_379 = arith.constant 0 : i32
        %add3A_380 = arith.addi %mul3A_378, %add3A_379 : i32
        %add3A_381 = vector.broadcast %add3A_380 : i32 to vector<16xi32>
        %add3A_382 = arith.addi %add3A_381, %iota3A : vector<16xi32>
        %div3A = arith.constant 26 : i32
        %div3A_383 = vector.broadcast %div3A : i32 to vector<16xi32>
        %div3A_384 = arith.divsi %add3A_382, %div3A_383 : vector<16xi32>
        %rem3A_385 = arith.constant 26 : i32
        %rem3A_386 = vector.broadcast %rem3A_385 : i32 to vector<16xi32>
        %rem3A_387 = arith.remsi %add3A_382, %rem3A_386 : vector<16xi32>
        %mul3A_388 = arith.constant 16 : i32
        %mul3A_389 = vector.broadcast %mul3A_388 : i32 to vector<16xi32>
        %mul3A_390 = arith.muli %rem3A_387, %mul3A_389 : vector<16xi32>
        %get3A_391 = arith.index_cast %scan3A_263 : i32 to index
        %get3A_392 = arith.constant 0 : index
        %get3A_393 = tpu.vector_load %arg7[%get3A_391, %get3A_392] {strides = array<i32>} : memref<26x128xi32, #tpu.memory_space<vmem>>, vector<16xi32>,
        %add3A_394 = arith.constant 0 : i32
        %add3A_395 = vector.broadcast %add3A_394 : i32 to vector<16xi32>
        %add3A_396 = arith.addi %get3A_393, %add3A_395 : vector<16xi32>
        %gather3A = arith.constant 0 : i32
        %gather3A_397 = arith.constant 0 : i32
        %gather3A_398 = tpu.memref_slice %arg8[%select_n3A_277, %gather3A, %gather3A_397] : memref<3x128x128xf32, #tpu.memory_space<vmem>> -> memref<1x128x128xf32, #tpu.memory_space<vmem>>
        %gather3A_399 = tpu.memref_squeeze %gather3A_398 : memref<1x128x128xf32, #tpu.memory_space<vmem>> -> memref<128x128xf32, #tpu.memory_space<vmem>>
        %gather3A_400 = tpu.vector_load_idx %gather3A_399[%add3A_376, %add3A_396] : memref<128x128xf32, #tpu.memory_space<vmem>>[vector<16xi32>, vector<16xi32>], vector<16xf32>,
        %add3A_401 = arith.constant 0 : i32
        %add3A_402 = vector.broadcast %add3A_401 : i32 to vector<16xi32>
        %add3A_403 = arith.addi %mul3A_390, %add3A_402 : vector<16xi32>
        tpu.vector_store_idx %arg9[%div3A_384, %add3A_403], %gather3A_400 : memref<128x416xf32, #tpu.memory_space<vmem>>[vector<16xi32>, vector<16xi32>], vector<16xf32>,
        %add3A_404 = arith.constant 1 : i32
        %add3A_405 = vector.broadcast %add3A_404 : i32 to vector<16xi32>
        %add3A_406 = arith.addi %get3A_393, %add3A_405 : vector<16xi32>
        %gather3A_407 = arith.constant 0 : i32
        %gather3A_408 = arith.constant 0 : i32
        %gather3A_409 = tpu.memref_slice %arg8[%select_n3A_277, %gather3A_407, %gather3A_408] : memref<3x128x128xf32, #tpu.memory_space<vmem>> -> memref<1x128x128xf32, #tpu.memory_space<vmem>>
        %gather3A_410 = tpu.memref_squeeze %gather3A_409 : memref<1x128x128xf32, #tpu.memory_space<vmem>> -> memref<128x128xf32, #tpu.memory_space<vmem>>
        %gather3A_411 = tpu.vector_load_idx %gather3A_410[%add3A_376, %add3A_406] : memref<128x128xf32, #tpu.memory_space<vmem>>[vector<16xi32>, vector<16xi32>], vector<16xf32>,
        %add3A_412 = arith.constant 1 : i32
        %add3A_413 = vector.broadcast %add3A_412 : i32 to vector<16xi32>
        %add3A_414 = arith.addi %mul3A_390, %add3A_413 : vector<16xi32>
        tpu.vector_store_idx %arg9[%div3A_384, %add3A_414], %gather3A_411 : memref<128x416xf32, #tpu.memory_space<vmem>>[vector<16xi32>, vector<16xi32>], vector<16xf32>,
        %add3A_415 = arith.constant 2 : i32
        %add3A_416 = vector.broadcast %add3A_415 : i32 to vector<16xi32>
        %add3A_417 = arith.addi %get3A_393, %add3A_416 : vector<16xi32>
        %gather3A_418 = arith.constant 0 : i32
        %gather3A_419 = arith.constant 0 : i32
        %gather3A_420 = tpu.memref_slice %arg8[%select_n3A_277, %gather3A_418, %gather3A_419] : memref<3x128x128xf32, #tpu.memory_space<vmem>> -> memref<1x128x128xf32, #tpu.memory_space<vmem>>
        %gather3A_421 = tpu.memref_squeeze %gather3A_420 : memref<1x128x128xf32, #tpu.memory_space<vmem>> -> memref<128x128xf32, #tpu.memory_space<vmem>>
        %gather3A_422 = tpu.vector_load_idx %gather3A_421[%add3A_376, %add3A_417] : memref<128x128xf32, #tpu.memory_space<vmem>>[vector<16xi32>, vector<16xi32>], vector<16xf32>,
        %add3A_423 = arith.constant 2 : i32
        %add3A_424 = vector.broadcast %add3A_423 : i32 to vector<16xi32>
        %add3A_425 = arith.addi %mul3A_390, %add3A_424 : vector<16xi32>
        tpu.vector_store_idx %arg9[%div3A_384, %add3A_425], %gather3A_422 : memref<128x416xf32, #tpu.memory_space<vmem>>[vector<16xi32>, vector<16xi32>], vector<16xf32>,
        %add3A_426 = arith.constant 3 : i32
        %add3A_427 = vector.broadcast %add3A_426 : i32 to vector<16xi32>
        %add3A_428 = arith.addi %get3A_393, %add3A_427 : vector<16xi32>
        %gather3A_429 = arith.constant 0 : i32
        %gather3A_430 = arith.constant 0 : i32
        %gather3A_431 = tpu.memref_slice %arg8[%select_n3A_277, %gather3A_429, %gather3A_430] : memref<3x128x128xf32, #tpu.memory_space<vmem>> -> memref<1x128x128xf32, #tpu.memory_space<vmem>>
        %gather3A_432 = tpu.memref_squeeze %gather3A_431 : memref<1x128x128xf32, #tpu.memory_space<vmem>> -> memref<128x128xf32, #tpu.memory_space<vmem>>
        %gather3A_433 = tpu.vector_load_idx %gather3A_432[%add3A_376, %add3A_428] : memref<128x128xf32, #tpu.memory_space<vmem>>[vector<16xi32>, vector<16xi32>], vector<16xf32>,
        %add3A_434 = arith.constant 3 : i32
        %add3A_435 = vector.broadcast %add3A_434 : i32 to vector<16xi32>
        %add3A_436 = arith.addi %mul3A_390, %add3A_435 : vector<16xi32>
        tpu.vector_store_idx %arg9[%div3A_384, %add3A_436], %gather3A_433 : memref<128x416xf32, #tpu.memory_space<vmem>>[vector<16xi32>, vector<16xi32>], vector<16xf32>,
        %add3A_437 = arith.constant 4 : i32
        %add3A_438 = vector.broadcast %add3A_437 : i32 to vector<16xi32>
        %add3A_439 = arith.addi %get3A_393, %add3A_438 : vector<16xi32>
        %gather3A_440 = arith.constant 0 : i32
        %gather3A_441 = arith.constant 0 : i32
        %gather3A_442 = tpu.memref_slice %arg8[%select_n3A_277, %gather3A_440, %gather3A_441] : memref<3x128x128xf32, #tpu.memory_space<vmem>> -> memref<1x128x128xf32, #tpu.memory_space<vmem>>
        %gather3A_443 = tpu.memref_squeeze %gather3A_442 : memref<1x128x128xf32, #tpu.memory_space<vmem>> -> memref<128x128xf32, #tpu.memory_space<vmem>>
        %gather3A_444 = tpu.vector_load_idx %gather3A_443[%add3A_376, %add3A_439] : memref<128x128xf32, #tpu.memory_space<vmem>>[vector<16xi32>, vector<16xi32>], vector<16xf32>,
        %add3A_445 = arith.constant 4 : i32
        %add3A_446 = vector.broadcast %add3A_445 : i32 to vector<16xi32>
        %add3A_447 = arith.addi %mul3A_390, %add3A_446 : vector<16xi32>
        tpu.vector_store_idx %arg9[%div3A_384, %add3A_447], %gather3A_444 : memref<128x416xf32, #tpu.memory_space<vmem>>[vector<16xi32>, vector<16xi32>], vector<16xf32>,
        %add3A_448 = arith.constant 5 : i32
        %add3A_449 = vector.broadcast %add3A_448 : i32 to vector<16xi32>
        %add3A_450 = arith.addi %get3A_393, %add3A_449 : vector<16xi32>
        %gather3A_451 = arith.constant 0 : i32
        %gather3A_452 = arith.constant 0 : i32
        %gather3A_453 = tpu.memref_slice %arg8[%select_n3A_277, %gather3A_451, %gather3A_452] : memref<3x128x128xf32, #tpu.memory_space<vmem>> -> memref<1x128x128xf32, #tpu.memory_space<vmem>>
        %gather3A_454 = tpu.memref_squeeze %gather3A_453 : memref<1x128x128xf32, #tpu.memory_space<vmem>> -> memref<128x128xf32, #tpu.memory_space<vmem>>
        %gather3A_455 = tpu.vector_load_idx %gather3A_454[%add3A_376, %add3A_450] : memref<128x128xf32, #tpu.memory_space<vmem>>[vector<16xi32>, vector<16xi32>], vector<16xf32>,
        %add3A_456 = arith.constant 5 : i32
        %add3A_457 = vector.broadcast %add3A_456 : i32 to vector<16xi32>
        %add3A_458 = arith.addi %mul3A_390, %add3A_457 : vector<16xi32>
        tpu.vector_store_idx %arg9[%div3A_384, %add3A_458], %gather3A_455 : memref<128x416xf32, #tpu.memory_space<vmem>>[vector<16xi32>, vector<16xi32>], vector<16xf32>,
        %add3A_459 = arith.constant 6 : i32
        %add3A_460 = vector.broadcast %add3A_459 : i32 to vector<16xi32>
        %add3A_461 = arith.addi %get3A_393, %add3A_460 : vector<16xi32>
        %gather3A_462 = arith.constant 0 : i32
        %gather3A_463 = arith.constant 0 : i32
        %gather3A_464 = tpu.memref_slice %arg8[%select_n3A_277, %gather3A_462, %gather3A_463] : memref<3x128x128xf32, #tpu.memory_space<vmem>> -> memref<1x128x128xf32, #tpu.memory_space<vmem>>
        %gather3A_465 = tpu.memref_squeeze %gather3A_464 : memref<1x128x128xf32, #tpu.memory_space<vmem>> -> memref<128x128xf32, #tpu.memory_space<vmem>>
        %gather3A_466 = tpu.vector_load_idx %gather3A_465[%add3A_376, %add3A_461] : memref<128x128xf32, #tpu.memory_space<vmem>>[vector<16xi32>, vector<16xi32>], vector<16xf32>,
        %add3A_467 = arith.constant 6 : i32
        %add3A_468 = vector.broadcast %add3A_467 : i32 to vector<16xi32>
        %add3A_469 = arith.addi %mul3A_390, %add3A_468 : vector<16xi32>
        tpu.vector_store_idx %arg9[%div3A_384, %add3A_469], %gather3A_466 : memref<128x416xf32, #tpu.memory_space<vmem>>[vector<16xi32>, vector<16xi32>], vector<16xf32>,
        %add3A_470 = arith.constant 7 : i32
        %add3A_471 = vector.broadcast %add3A_470 : i32 to vector<16xi32>
        %add3A_472 = arith.addi %get3A_393, %add3A_471 : vector<16xi32>
        %gather3A_473 = arith.constant 0 : i32
        %gather3A_474 = arith.constant 0 : i32
        %gather3A_475 = tpu.memref_slice %arg8[%select_n3A_277, %gather3A_473, %gather3A_474] : memref<3x128x128xf32, #tpu.memory_space<vmem>> -> memref<1x128x128xf32, #tpu.memory_space<vmem>>
        %gather3A_476 = tpu.memref_squeeze %gather3A_475 : memref<1x128x128xf32, #tpu.memory_space<vmem>> -> memref<128x128xf32, #tpu.memory_space<vmem>>
        %gather3A_477 = tpu.vector_load_idx %gather3A_476[%add3A_376, %add3A_472] : memref<128x128xf32, #tpu.memory_space<vmem>>[vector<16xi32>, vector<16xi32>], vector<16xf32>,
        %add3A_478 = arith.constant 7 : i32
        %add3A_479 = vector.broadcast %add3A_478 : i32 to vector<16xi32>
        %add3A_480 = arith.addi %mul3A_390, %add3A_479 : vector<16xi32>
        tpu.vector_store_idx %arg9[%div3A_384, %add3A_480], %gather3A_477 : memref<128x416xf32, #tpu.memory_space<vmem>>[vector<16xi32>, vector<16xi32>], vector<16xf32>,
        %add3A_481 = arith.constant 8 : i32
        %add3A_482 = vector.broadcast %add3A_481 : i32 to vector<16xi32>
        %add3A_483 = arith.addi %get3A_393, %add3A_482 : vector<16xi32>
        %gather3A_484 = arith.constant 0 : i32
        %gather3A_485 = arith.constant 0 : i32
        %gather3A_486 = tpu.memref_slice %arg8[%select_n3A_277, %gather3A_484, %gather3A_485] : memref<3x128x128xf32, #tpu.memory_space<vmem>> -> memref<1x128x128xf32, #tpu.memory_space<vmem>>
        %gather3A_487 = tpu.memref_squeeze %gather3A_486 : memref<1x128x128xf32, #tpu.memory_space<vmem>> -> memref<128x128xf32, #tpu.memory_space<vmem>>
        %gather3A_488 = tpu.vector_load_idx %gather3A_487[%add3A_376, %add3A_483] : memref<128x128xf32, #tpu.memory_space<vmem>>[vector<16xi32>, vector<16xi32>], vector<16xf32>,
        %add3A_489 = arith.constant 8 : i32
        %add3A_490 = vector.broadcast %add3A_489 : i32 to vector<16xi32>
        %add3A_491 = arith.addi %mul3A_390, %add3A_490 : vector<16xi32>
        tpu.vector_store_idx %arg9[%div3A_384, %add3A_491], %gather3A_488 : memref<128x416xf32, #tpu.memory_space<vmem>>[vector<16xi32>, vector<16xi32>], vector<16xf32>,
        %add3A_492 = arith.constant 9 : i32
        %add3A_493 = vector.broadcast %add3A_492 : i32 to vector<16xi32>
        %add3A_494 = arith.addi %get3A_393, %add3A_493 : vector<16xi32>
        %gather3A_495 = arith.constant 0 : i32
        %gather3A_496 = arith.constant 0 : i32
        %gather3A_497 = tpu.memref_slice %arg8[%select_n3A_277, %gather3A_495, %gather3A_496] : memref<3x128x128xf32, #tpu.memory_space<vmem>> -> memref<1x128x128xf32, #tpu.memory_space<vmem>>
        %gather3A_498 = tpu.memref_squeeze %gather3A_497 : memref<1x128x128xf32, #tpu.memory_space<vmem>> -> memref<128x128xf32, #tpu.memory_space<vmem>>
        %gather3A_499 = tpu.vector_load_idx %gather3A_498[%add3A_376, %add3A_494] : memref<128x128xf32, #tpu.memory_space<vmem>>[vector<16xi32>, vector<16xi32>], vector<16xf32>,
        %add3A_500 = arith.constant 9 : i32
        %add3A_501 = vector.broadcast %add3A_500 : i32 to vector<16xi32>
        %add3A_502 = arith.addi %mul3A_390, %add3A_501 : vector<16xi32>
        tpu.vector_store_idx %arg9[%div3A_384, %add3A_502], %gather3A_499 : memref<128x416xf32, #tpu.memory_space<vmem>>[vector<16xi32>, vector<16xi32>], vector<16xf32>,
        %add3A_503 = arith.constant 10 : i32
        %add3A_504 = vector.broadcast %add3A_503 : i32 to vector<16xi32>
        %add3A_505 = arith.addi %get3A_393, %add3A_504 : vector<16xi32>
        %gather3A_506 = arith.constant 0 : i32
        %gather3A_507 = arith.constant 0 : i32
        %gather3A_508 = tpu.memref_slice %arg8[%select_n3A_277, %gather3A_506, %gather3A_507] : memref<3x128x128xf32, #tpu.memory_space<vmem>> -> memref<1x128x128xf32, #tpu.memory_space<vmem>>
        %gather3A_509 = tpu.memref_squeeze %gather3A_508 : memref<1x128x128xf32, #tpu.memory_space<vmem>> -> memref<128x128xf32, #tpu.memory_space<vmem>>
        %gather3A_510 = tpu.vector_load_idx %gather3A_509[%add3A_376, %add3A_505] : memref<128x128xf32, #tpu.memory_space<vmem>>[vector<16xi32>, vector<16xi32>], vector<16xf32>,
        %add3A_511 = arith.constant 10 : i32
        %add3A_512 = vector.broadcast %add3A_511 : i32 to vector<16xi32>
        %add3A_513 = arith.addi %mul3A_390, %add3A_512 : vector<16xi32>
        tpu.vector_store_idx %arg9[%div3A_384, %add3A_513], %gather3A_510 : memref<128x416xf32, #tpu.memory_space<vmem>>[vector<16xi32>, vector<16xi32>], vector<16xf32>,
        %add3A_514 = arith.constant 11 : i32
        %add3A_515 = vector.broadcast %add3A_514 : i32 to vector<16xi32>
        %add3A_516 = arith.addi %get3A_393, %add3A_515 : vector<16xi32>
        %gather3A_517 = arith.constant 0 : i32
        %gather3A_518 = arith.constant 0 : i32
        %gather3A_519 = tpu.memref_slice %arg8[%select_n3A_277, %gather3A_517, %gather3A_518] : memref<3x128x128xf32, #tpu.memory_space<vmem>> -> memref<1x128x128xf32, #tpu.memory_space<vmem>>
        %gather3A_520 = tpu.memref_squeeze %gather3A_519 : memref<1x128x128xf32, #tpu.memory_space<vmem>> -> memref<128x128xf32, #tpu.memory_space<vmem>>
        %gather3A_521 = tpu.vector_load_idx %gather3A_520[%add3A_376, %add3A_516] : memref<128x128xf32, #tpu.memory_space<vmem>>[vector<16xi32>, vector<16xi32>], vector<16xf32>,
        %add3A_522 = arith.constant 11 : i32
        %add3A_523 = vector.broadcast %add3A_522 : i32 to vector<16xi32>
        %add3A_524 = arith.addi %mul3A_390, %add3A_523 : vector<16xi32>
        tpu.vector_store_idx %arg9[%div3A_384, %add3A_524], %gather3A_521 : memref<128x416xf32, #tpu.memory_space<vmem>>[vector<16xi32>, vector<16xi32>], vector<16xf32>,
        %add3A_525 = arith.constant 12 : i32
        %add3A_526 = vector.broadcast %add3A_525 : i32 to vector<16xi32>
        %add3A_527 = arith.addi %get3A_393, %add3A_526 : vector<16xi32>
        %gather3A_528 = arith.constant 0 : i32
        %gather3A_529 = arith.constant 0 : i32
        %gather3A_530 = tpu.memref_slice %arg8[%select_n3A_277, %gather3A_528, %gather3A_529] : memref<3x128x128xf32, #tpu.memory_space<vmem>> -> memref<1x128x128xf32, #tpu.memory_space<vmem>>
        %gather3A_531 = tpu.memref_squeeze %gather3A_530 : memref<1x128x128xf32, #tpu.memory_space<vmem>> -> memref<128x128xf32, #tpu.memory_space<vmem>>
        %gather3A_532 = tpu.vector_load_idx %gather3A_531[%add3A_376, %add3A_527] : memref<128x128xf32, #tpu.memory_space<vmem>>[vector<16xi32>, vector<16xi32>], vector<16xf32>,
        %add3A_533 = arith.constant 12 : i32
        %add3A_534 = vector.broadcast %add3A_533 : i32 to vector<16xi32>
        %add3A_535 = arith.addi %mul3A_390, %add3A_534 : vector<16xi32>
        tpu.vector_store_idx %arg9[%div3A_384, %add3A_535], %gather3A_532 : memref<128x416xf32, #tpu.memory_space<vmem>>[vector<16xi32>, vector<16xi32>], vector<16xf32>,
        %add3A_536 = arith.constant 13 : i32
        %add3A_537 = vector.broadcast %add3A_536 : i32 to vector<16xi32>
        %add3A_538 = arith.addi %get3A_393, %add3A_537 : vector<16xi32>
        %gather3A_539 = arith.constant 0 : i32
        %gather3A_540 = arith.constant 0 : i32
        %gather3A_541 = tpu.memref_slice %arg8[%select_n3A_277, %gather3A_539, %gather3A_540] : memref<3x128x128xf32, #tpu.memory_space<vmem>> -> memref<1x128x128xf32, #tpu.memory_space<vmem>>
        %gather3A_542 = tpu.memref_squeeze %gather3A_541 : memref<1x128x128xf32, #tpu.memory_space<vmem>> -> memref<128x128xf32, #tpu.memory_space<vmem>>
        %gather3A_543 = tpu.vector_load_idx %gather3A_542[%add3A_376, %add3A_538] : memref<128x128xf32, #tpu.memory_space<vmem>>[vector<16xi32>, vector<16xi32>], vector<16xf32>,
        %add3A_544 = arith.constant 13 : i32
        %add3A_545 = vector.broadcast %add3A_544 : i32 to vector<16xi32>
        %add3A_546 = arith.addi %mul3A_390, %add3A_545 : vector<16xi32>
        tpu.vector_store_idx %arg9[%div3A_384, %add3A_546], %gather3A_543 : memref<128x416xf32, #tpu.memory_space<vmem>>[vector<16xi32>, vector<16xi32>], vector<16xf32>,
        %add3A_547 = arith.constant 14 : i32
        %add3A_548 = vector.broadcast %add3A_547 : i32 to vector<16xi32>
        %add3A_549 = arith.addi %get3A_393, %add3A_548 : vector<16xi32>
        %gather3A_550 = arith.constant 0 : i32
        %gather3A_551 = arith.constant 0 : i32
        %gather3A_552 = tpu.memref_slice %arg8[%select_n3A_277, %gather3A_550, %gather3A_551] : memref<3x128x128xf32, #tpu.memory_space<vmem>> -> memref<1x128x128xf32, #tpu.memory_space<vmem>>
        %gather3A_553 = tpu.memref_squeeze %gather3A_552 : memref<1x128x128xf32, #tpu.memory_space<vmem>> -> memref<128x128xf32, #tpu.memory_space<vmem>>
        %gather3A_554 = tpu.vector_load_idx %gather3A_553[%add3A_376, %add3A_549] : memref<128x128xf32, #tpu.memory_space<vmem>>[vector<16xi32>, vector<16xi32>], vector<16xf32>,
        %add3A_555 = arith.constant 14 : i32
        %add3A_556 = vector.broadcast %add3A_555 : i32 to vector<16xi32>
        %add3A_557 = arith.addi %mul3A_390, %add3A_556 : vector<16xi32>
        tpu.vector_store_idx %arg9[%div3A_384, %add3A_557], %gather3A_554 : memref<128x416xf32, #tpu.memory_space<vmem>>[vector<16xi32>, vector<16xi32>], vector<16xf32>,
        %add3A_558 = arith.constant 15 : i32
        %add3A_559 = vector.broadcast %add3A_558 : i32 to vector<16xi32>
        %add3A_560 = arith.addi %get3A_393, %add3A_559 : vector<16xi32>
        %gather3A_561 = arith.constant 0 : i32
        %gather3A_562 = arith.constant 0 : i32
        %gather3A_563 = tpu.memref_slice %arg8[%select_n3A_277, %gather3A_561, %gather3A_562] : memref<3x128x128xf32, #tpu.memory_space<vmem>> -> memref<1x128x128xf32, #tpu.memory_space<vmem>>
        %gather3A_564 = tpu.memref_squeeze %gather3A_563 : memref<1x128x128xf32, #tpu.memory_space<vmem>> -> memref<128x128xf32, #tpu.memory_space<vmem>>
        %gather3A_565 = tpu.vector_load_idx %gather3A_564[%add3A_376, %add3A_560] : memref<128x128xf32, #tpu.memory_space<vmem>>[vector<16xi32>, vector<16xi32>], vector<16xf32>,
        %add3A_566 = arith.constant 15 : i32
        %add3A_567 = vector.broadcast %add3A_566 : i32 to vector<16xi32>
        %add3A_568 = arith.addi %mul3A_390, %add3A_567 : vector<16xi32>
        tpu.vector_store_idx %arg9[%div3A_384, %add3A_568], %gather3A_565 : memref<128x416xf32, #tpu.memory_space<vmem>>[vector<16xi32>, vector<16xi32>], vector<16xf32>,
        %add3A_569 = arith.constant 16 : i32
        %add3A_570 = vector.broadcast %add3A_569 : i32 to vector<16xi32>
        %add3A_571 = arith.addi %add3A_570, %iota3A : vector<16xi32>
        %mul3A_572 = arith.constant 128 : i32
        %mul3A_573 = arith.muli %scan3A_263, %mul3A_572 : i32
        %add3A_574 = arith.constant 16 : i32
        %add3A_575 = arith.addi %mul3A_573, %add3A_574 : i32
        %add3A_576 = vector.broadcast %add3A_575 : i32 to vector<16xi32>
        %add3A_577 = arith.addi %add3A_576, %iota3A : vector<16xi32>
        %div3A_578 = arith.constant 26 : i32
        %div3A_579 = vector.broadcast %div3A_578 : i32 to vector<16xi32>
        %div3A_580 = arith.divsi %add3A_577, %div3A_579 : vector<16xi32>
        %rem3A_581 = arith.constant 26 : i32
        %rem3A_582 = vector.broadcast %rem3A_581 : i32 to vector<16xi32>
        %rem3A_583 = arith.remsi %add3A_577, %rem3A_582 : vector<16xi32>
        %mul3A_584 = arith.constant 16 : i32
        %mul3A_585 = vector.broadcast %mul3A_584 : i32 to vector<16xi32>
        %mul3A_586 = arith.muli %rem3A_583, %mul3A_585 : vector<16xi32>
        %get3A_587 = arith.index_cast %scan3A_263 : i32 to index
        %get3A_588 = arith.constant 16 : index
        %get3A_589 = tpu.vector_load %arg7[%get3A_587, %get3A_588] {strides = array<i32>} : memref<26x128xi32, #tpu.memory_space<vmem>>, vector<16xi32>,
        %add3A_590 = arith.constant 0 : i32
        %add3A_591 = vector.broadcast %add3A_590 : i32 to vector<16xi32>
        %add3A_592 = arith.addi %get3A_589, %add3A_591 : vector<16xi32>
        %gather3A_593 = arith.constant 0 : i32
        %gather3A_594 = arith.constant 0 : i32
        %gather3A_595 = tpu.memref_slice %arg8[%select_n3A_277, %gather3A_593, %gather3A_594] : memref<3x128x128xf32, #tpu.memory_space<vmem>> -> memref<1x128x128xf32, #tpu.memory_space<vmem>>
        %gather3A_596 = tpu.memref_squeeze %gather3A_595 : memref<1x128x128xf32, #tpu.memory_space<vmem>> -> memref<128x128xf32, #tpu.memory_space<vmem>>
        %gather3A_597 = tpu.vector_load_idx %gather3A_596[%add3A_571, %add3A_592] : memref<128x128xf32, #tpu.memory_space<vmem>>[vector<16xi32>, vector<16xi32>], vector<16xf32>,
        %add3A_598 = arith.constant 0 : i32
        %add3A_599 = vector.broadcast %add3A_598 : i32 to vector<16xi32>
        %add3A_600 = arith.addi %mul3A_586, %add3A_599 : vector<16xi32>
        tpu.vector_store_idx %arg9[%div3A_580, %add3A_600], %gather3A_597 : memref<128x416xf32, #tpu.memory_space<vmem>>[vector<16xi32>, vector<16xi32>], vector<16xf32>,
        %add3A_601 = arith.constant 1 : i32
        %add3A_602 = vector.broadcast %add3A_601 : i32 to vector<16xi32>
        %add3A_603 = arith.addi %get3A_589, %add3A_602 : vector<16xi32>
        %gather3A_604 = arith.constant 0 : i32
        %gather3A_605 = arith.constant 0 : i32
        %gather3A_606 = tpu.memref_slice %arg8[%select_n3A_277, %gather3A_604, %gather3A_605] : memref<3x128x128xf32, #tpu.memory_space<vmem>> -> memref<1x128x128xf32, #tpu.memory_space<vmem>>
        %gather3A_607 = tpu.memref_squeeze %gather3A_606 : memref<1x128x128xf32, #tpu.memory_space<vmem>> -> memref<128x128xf32, #tpu.memory_space<vmem>>
        %gather3A_608 = tpu.vector_load_idx %gather3A_607[%add3A_571, %add3A_603] : memref<128x128xf32, #tpu.memory_space<vmem>>[vector<16xi32>, vector<16xi32>], vector<16xf32>,
        %add3A_609 = arith.constant 1 : i32
        %add3A_610 = vector.broadcast %add3A_609 : i32 to vector<16xi32>
        %add3A_611 = arith.addi %mul3A_586, %add3A_610 : vector<16xi32>
        tpu.vector_store_idx %arg9[%div3A_580, %add3A_611], %gather3A_608 : memref<128x416xf32, #tpu.memory_space<vmem>>[vector<16xi32>, vector<16xi32>], vector<16xf32>,
        %add3A_612 = arith.constant 2 : i32
        %add3A_613 = vector.broadcast %add3A_612 : i32 to vector<16xi32>
        %add3A_614 = arith.addi %get3A_589, %add3A_613 : vector<16xi32>
        %gather3A_615 = arith.constant 0 : i32
        %gather3A_616 = arith.constant 0 : i32
        %gather3A_617 = tpu.memref_slice %arg8[%select_n3A_277, %gather3A_615, %gather3A_616] : memref<3x128x128xf32, #tpu.memory_space<vmem>> -> memref<1x128x128xf32, #tpu.memory_space<vmem>>
        %gather3A_618 = tpu.memref_squeeze %gather3A_617 : memref<1x128x128xf32, #tpu.memory_space<vmem>> -> memref<128x128xf32, #tpu.memory_space<vmem>>
        %gather3A_619 = tpu.vector_load_idx %gather3A_618[%add3A_571, %add3A_614] : memref<128x128xf32, #tpu.memory_space<vmem>>[vector<16xi32>, vector<16xi32>], vector<16xf32>,
        %add3A_620 = arith.constant 2 : i32
        %add3A_621 = vector.broadcast %add3A_620 : i32 to vector<16xi32>
        %add3A_622 = arith.addi %mul3A_586, %add3A_621 : vector<16xi32>
        tpu.vector_store_idx %arg9[%div3A_580, %add3A_622], %gather3A_619 : memref<128x416xf32, #tpu.memory_space<vmem>>[vector<16xi32>, vector<16xi32>], vector<16xf32>,
        %add3A_623 = arith.constant 3 : i32
        %add3A_624 = vector.broadcast %add3A_623 : i32 to vector<16xi32>
        %add3A_625 = arith.addi %get3A_589, %add3A_624 : vector<16xi32>
        %gather3A_626 = arith.constant 0 : i32
        %gather3A_627 = arith.constant 0 : i32
        %gather3A_628 = tpu.memref_slice %arg8[%select_n3A_277, %gather3A_626, %gather3A_627] : memref<3x128x128xf32, #tpu.memory_space<vmem>> -> memref<1x128x128xf32, #tpu.memory_space<vmem>>
        %gather3A_629 = tpu.memref_squeeze %gather3A_628 : memref<1x128x128xf32, #tpu.memory_space<vmem>> -> memref<128x128xf32, #tpu.memory_space<vmem>>
        %gather3A_630 = tpu.vector_load_idx %gather3A_629[%add3A_571, %add3A_625] : memref<128x128xf32, #tpu.memory_space<vmem>>[vector<16xi32>, vector<16xi32>], vector<16xf32>,
        %add3A_631 = arith.constant 3 : i32
        %add3A_632 = vector.broadcast %add3A_631 : i32 to vector<16xi32>
        %add3A_633 = arith.addi %mul3A_586, %add3A_632 : vector<16xi32>
        tpu.vector_store_idx %arg9[%div3A_580, %add3A_633], %gather3A_630 : memref<128x416xf32, #tpu.memory_space<vmem>>[vector<16xi32>, vector<16xi32>], vector<16xf32>,
        %add3A_634 = arith.constant 4 : i32
        %add3A_635 = vector.broadcast %add3A_634 : i32 to vector<16xi32>
        %add3A_636 = arith.addi %get3A_589, %add3A_635 : vector<16xi32>
        %gather3A_637 = arith.constant 0 : i32
        %gather3A_638 = arith.constant 0 : i32
        %gather3A_639 = tpu.memref_slice %arg8[%select_n3A_277, %gather3A_637, %gather3A_638] : memref<3x128x128xf32, #tpu.memory_space<vmem>> -> memref<1x128x128xf32, #tpu.memory_space<vmem>>
        %gather3A_640 = tpu.memref_squeeze %gather3A_639 : memref<1x128x128xf32, #tpu.memory_space<vmem>> -> memref<128x128xf32, #tpu.memory_space<vmem>>
        %gather3A_641 = tpu.vector_load_idx %gather3A_640[%add3A_571, %add3A_636] : memref<128x128xf32, #tpu.memory_space<vmem>>[vector<16xi32>, vector<16xi32>], vector<16xf32>,
        %add3A_642 = arith.constant 4 : i32
        %add3A_643 = vector.broadcast %add3A_642 : i32 to vector<16xi32>
        %add3A_644 = arith.addi %mul3A_586, %add3A_643 : vector<16xi32>
        tpu.vector_store_idx %arg9[%div3A_580, %add3A_644], %gather3A_641 : memref<128x416xf32, #tpu.memory_space<vmem>>[vector<16xi32>, vector<16xi32>], vector<16xf32>,
        %add3A_645 = arith.constant 5 : i32
        %add3A_646 = vector.broadcast %add3A_645 : i32 to vector<16xi32>
        %add3A_647 = arith.addi %get3A_589, %add3A_646 : vector<16xi32>
        %gather3A_648 = arith.constant 0 : i32
        %gather3A_649 = arith.constant 0 : i32
        %gather3A_650 = tpu.memref_slice %arg8[%select_n3A_277, %gather3A_648, %gather3A_649] : memref<3x128x128xf32, #tpu.memory_space<vmem>> -> memref<1x128x128xf32, #tpu.memory_space<vmem>>
        %gather3A_651 = tpu.memref_squeeze %gather3A_650 : memref<1x128x128xf32, #tpu.memory_space<vmem>> -> memref<128x128xf32, #tpu.memory_space<vmem>>
        %gather3A_652 = tpu.vector_load_idx %gather3A_651[%add3A_571, %add3A_647] : memref<128x128xf32, #tpu.memory_space<vmem>>[vector<16xi32>, vector<16xi32>], vector<16xf32>,
        %add3A_653 = arith.constant 5 : i32
        %add3A_654 = vector.broadcast %add3A_653 : i32 to vector<16xi32>
        %add3A_655 = arith.addi %mul3A_586, %add3A_654 : vector<16xi32>
        tpu.vector_store_idx %arg9[%div3A_580, %add3A_655], %gather3A_652 : memref<128x416xf32, #tpu.memory_space<vmem>>[vector<16xi32>, vector<16xi32>], vector<16xf32>,
        %add3A_656 = arith.constant 6 : i32
        %add3A_657 = vector.broadcast %add3A_656 : i32 to vector<16xi32>
        %add3A_658 = arith.addi %get3A_589, %add3A_657 : vector<16xi32>
        %gather3A_659 = arith.constant 0 : i32
        %gather3A_660 = arith.constant 0 : i32
        %gather3A_661 = tpu.memref_slice %arg8[%select_n3A_277, %gather3A_659, %gather3A_660] : memref<3x128x128xf32, #tpu.memory_space<vmem>> -> memref<1x128x128xf32, #tpu.memory_space<vmem>>
        %gather3A_662 = tpu.memref_squeeze %gather3A_661 : memref<1x128x128xf32, #tpu.memory_space<vmem>> -> memref<128x128xf32, #tpu.memory_space<vmem>>
        %gather3A_663 = tpu.vector_load_idx %gather3A_662[%add3A_571, %add3A_658] : memref<128x128xf32, #tpu.memory_space<vmem>>[vector<16xi32>, vector<16xi32>], vector<16xf32>,
        %add3A_664 = arith.constant 6 : i32
        %add3A_665 = vector.broadcast %add3A_664 : i32 to vector<16xi32>
        %add3A_666 = arith.addi %mul3A_586, %add3A_665 : vector<16xi32>
        tpu.vector_store_idx %arg9[%div3A_580, %add3A_666], %gather3A_663 : memref<128x416xf32, #tpu.memory_space<vmem>>[vector<16xi32>, vector<16xi32>], vector<16xf32>,
        %add3A_667 = arith.constant 7 : i32
        %add3A_668 = vector.broadcast %add3A_667 : i32 to vector<16xi32>
        %add3A_669 = arith.addi %get3A_589, %add3A_668 : vector<16xi32>
        %gather3A_670 = arith.constant 0 : i32
        %gather3A_671 = arith.constant 0 : i32
        %gather3A_672 = tpu.memref_slice %arg8[%select_n3A_277, %gather3A_670, %gather3A_671] : memref<3x128x128xf32, #tpu.memory_space<vmem>> -> memref<1x128x128xf32, #tpu.memory_space<vmem>>
        %gather3A_673 = tpu.memref_squeeze %gather3A_672 : memref<1x128x128xf32, #tpu.memory_space<vmem>> -> memref<128x128xf32, #tpu.memory_space<vmem>>
        %gather3A_674 = tpu.vector_load_idx %gather3A_673[%add3A_571, %add3A_669] : memref<128x128xf32, #tpu.memory_space<vmem>>[vector<16xi32>, vector<16xi32>], vector<16xf32>,
        %add3A_675 = arith.constant 7 : i32
        %add3A_676 = vector.broadcast %add3A_675 : i32 to vector<16xi32>
        %add3A_677 = arith.addi %mul3A_586, %add3A_676 : vector<16xi32>
        tpu.vector_store_idx %arg9[%div3A_580, %add3A_677], %gather3A_674 : memref<128x416xf32, #tpu.memory_space<vmem>>[vector<16xi32>, vector<16xi32>], vector<16xf32>,
        %add3A_678 = arith.constant 8 : i32
        %add3A_679 = vector.broadcast %add3A_678 : i32 to vector<16xi32>
        %add3A_680 = arith.addi %get3A_589, %add3A_679 : vector<16xi32>
        %gather3A_681 = arith.constant 0 : i32
        %gather3A_682 = arith.constant 0 : i32
        %gather3A_683 = tpu.memref_slice %arg8[%select_n3A_277, %gather3A_681, %gather3A_682] : memref<3x128x128xf32, #tpu.memory_space<vmem>> -> memref<1x128x128xf32, #tpu.memory_space<vmem>>
        %gather3A_684 = tpu.memref_squeeze %gather3A_683 : memref<1x128x128xf32, #tpu.memory_space<vmem>> -> memref<128x128xf32, #tpu.memory_space<vmem>>
        %gather3A_685 = tpu.vector_load_idx %gather3A_684[%add3A_571, %add3A_680] : memref<128x128xf32, #tpu.memory_space<vmem>>[vector<16xi32>, vector<16xi32>], vector<16xf32>,
        %add3A_686 = arith.constant 8 : i32
        %add3A_687 = vector.broadcast %add3A_686 : i32 to vector<16xi32>
        %add3A_688 = arith.addi %mul3A_586, %add3A_687 : vector<16xi32>
        tpu.vector_store_idx %arg9[%div3A_580, %add3A_688], %gather3A_685 : memref<128x416xf32, #tpu.memory_space<vmem>>[vector<16xi32>, vector<16xi32>], vector<16xf32>,
        %add3A_689 = arith.constant 9 : i32
        %add3A_690 = vector.broadcast %add3A_689 : i32 to vector<16xi32>
        %add3A_691 = arith.addi %get3A_589, %add3A_690 : vector<16xi32>
        %gather3A_692 = arith.constant 0 : i32
        %gather3A_693 = arith.constant 0 : i32
        %gather3A_694 = tpu.memref_slice %arg8[%select_n3A_277, %gather3A_692, %gather3A_693] : memref<3x128x128xf32, #tpu.memory_space<vmem>> -> memref<1x128x128xf32, #tpu.memory_space<vmem>>
        %gather3A_695 = tpu.memref_squeeze %gather3A_694 : memref<1x128x128xf32, #tpu.memory_space<vmem>> -> memref<128x128xf32, #tpu.memory_space<vmem>>
        %gather3A_696 = tpu.vector_load_idx %gather3A_695[%add3A_571, %add3A_691] : memref<128x128xf32, #tpu.memory_space<vmem>>[vector<16xi32>, vector<16xi32>], vector<16xf32>,
        %add3A_697 = arith.constant 9 : i32
        %add3A_698 = vector.broadcast %add3A_697 : i32 to vector<16xi32>
        %add3A_699 = arith.addi %mul3A_586, %add3A_698 : vector<16xi32>
        tpu.vector_store_idx %arg9[%div3A_580, %add3A_699], %gather3A_696 : memref<128x416xf32, #tpu.memory_space<vmem>>[vector<16xi32>, vector<16xi32>], vector<16xf32>,
        %add3A_700 = arith.constant 10 : i32
        %add3A_701 = vector.broadcast %add3A_700 : i32 to vector<16xi32>
        %add3A_702 = arith.addi %get3A_589, %add3A_701 : vector<16xi32>
        %gather3A_703 = arith.constant 0 : i32
        %gather3A_704 = arith.constant 0 : i32
        %gather3A_705 = tpu.memref_slice %arg8[%select_n3A_277, %gather3A_703, %gather3A_704] : memref<3x128x128xf32, #tpu.memory_space<vmem>> -> memref<1x128x128xf32, #tpu.memory_space<vmem>>
        %gather3A_706 = tpu.memref_squeeze %gather3A_705 : memref<1x128x128xf32, #tpu.memory_space<vmem>> -> memref<128x128xf32, #tpu.memory_space<vmem>>
        %gather3A_707 = tpu.vector_load_idx %gather3A_706[%add3A_571, %add3A_702] : memref<128x128xf32, #tpu.memory_space<vmem>>[vector<16xi32>, vector<16xi32>], vector<16xf32>,
        %add3A_708 = arith.constant 10 : i32
        %add3A_709 = vector.broadcast %add3A_708 : i32 to vector<16xi32>
        %add3A_710 = arith.addi %mul3A_586, %add3A_709 : vector<16xi32>
        tpu.vector_store_idx %arg9[%div3A_580, %add3A_710], %gather3A_707 : memref<128x416xf32, #tpu.memory_space<vmem>>[vector<16xi32>, vector<16xi32>], vector<16xf32>,
        %add3A_711 = arith.constant 11 : i32
        %add3A_712 = vector.broadcast %add3A_711 : i32 to vector<16xi32>
        %add3A_713 = arith.addi %get3A_589, %add3A_712 : vector<16xi32>
        %gather3A_714 = arith.constant 0 : i32
        %gather3A_715 = arith.constant 0 : i32
        %gather3A_716 = tpu.memref_slice %arg8[%select_n3A_277, %gather3A_714, %gather3A_715] : memref<3x128x128xf32, #tpu.memory_space<vmem>> -> memref<1x128x128xf32, #tpu.memory_space<vmem>>
        %gather3A_717 = tpu.memref_squeeze %gather3A_716 : memref<1x128x128xf32, #tpu.memory_space<vmem>> -> memref<128x128xf32, #tpu.memory_space<vmem>>
        %gather3A_718 = tpu.vector_load_idx %gather3A_717[%add3A_571, %add3A_713] : memref<128x128xf32, #tpu.memory_space<vmem>>[vector<16xi32>, vector<16xi32>], vector<16xf32>,
        %add3A_719 = arith.constant 11 : i32
        %add3A_720 = vector.broadcast %add3A_719 : i32 to vector<16xi32>
        %add3A_721 = arith.addi %mul3A_586, %add3A_720 : vector<16xi32>
        tpu.vector_store_idx %arg9[%div3A_580, %add3A_721], %gather3A_718 : memref<128x416xf32, #tpu.memory_space<vmem>>[vector<16xi32>, vector<16xi32>], vector<16xf32>,
        %add3A_722 = arith.constant 12 : i32
        %add3A_723 = vector.broadcast %add3A_722 : i32 to vector<16xi32>
        %add3A_724 = arith.addi %get3A_589, %add3A_723 : vector<16xi32>
        %gather3A_725 = arith.constant 0 : i32
        %gather3A_726 = arith.constant 0 : i32
        %gather3A_727 = tpu.memref_slice %arg8[%select_n3A_277, %gather3A_725, %gather3A_726] : memref<3x128x128xf32, #tpu.memory_space<vmem>> -> memref<1x128x128xf32, #tpu.memory_space<vmem>>
        %gather3A_728 = tpu.memref_squeeze %gather3A_727 : memref<1x128x128xf32, #tpu.memory_space<vmem>> -> memref<128x128xf32, #tpu.memory_space<vmem>>
        %gather3A_729 = tpu.vector_load_idx %gather3A_728[%add3A_571, %add3A_724] : memref<128x128xf32, #tpu.memory_space<vmem>>[vector<16xi32>, vector<16xi32>], vector<16xf32>,
        %add3A_730 = arith.constant 12 : i32
        %add3A_731 = vector.broadcast %add3A_730 : i32 to vector<16xi32>
        %add3A_732 = arith.addi %mul3A_586, %add3A_731 : vector<16xi32>
        tpu.vector_store_idx %arg9[%div3A_580, %add3A_732], %gather3A_729 : memref<128x416xf32, #tpu.memory_space<vmem>>[vector<16xi32>, vector<16xi32>], vector<16xf32>,
        %add3A_733 = arith.constant 13 : i32
        %add3A_734 = vector.broadcast %add3A_733 : i32 to vector<16xi32>
        %add3A_735 = arith.addi %get3A_589, %add3A_734 : vector<16xi32>
        %gather3A_736 = arith.constant 0 : i32
        %gather3A_737 = arith.constant 0 : i32
        %gather3A_738 = tpu.memref_slice %arg8[%select_n3A_277, %gather3A_736, %gather3A_737] : memref<3x128x128xf32, #tpu.memory_space<vmem>> -> memref<1x128x128xf32, #tpu.memory_space<vmem>>
        %gather3A_739 = tpu.memref_squeeze %gather3A_738 : memref<1x128x128xf32, #tpu.memory_space<vmem>> -> memref<128x128xf32, #tpu.memory_space<vmem>>
        %gather3A_740 = tpu.vector_load_idx %gather3A_739[%add3A_571, %add3A_735] : memref<128x128xf32, #tpu.memory_space<vmem>>[vector<16xi32>, vector<16xi32>], vector<16xf32>,
        %add3A_741 = arith.constant 13 : i32
        %add3A_742 = vector.broadcast %add3A_741 : i32 to vector<16xi32>
        %add3A_743 = arith.addi %mul3A_586, %add3A_742 : vector<16xi32>
        tpu.vector_store_idx %arg9[%div3A_580, %add3A_743], %gather3A_740 : memref<128x416xf32, #tpu.memory_space<vmem>>[vector<16xi32>, vector<16xi32>], vector<16xf32>,
        %add3A_744 = arith.constant 14 : i32
        %add3A_745 = vector.broadcast %add3A_744 : i32 to vector<16xi32>
        %add3A_746 = arith.addi %get3A_589, %add3A_745 : vector<16xi32>
        %gather3A_747 = arith.constant 0 : i32
        %gather3A_748 = arith.constant 0 : i32
        %gather3A_749 = tpu.memref_slice %arg8[%select_n3A_277, %gather3A_747, %gather3A_748] : memref<3x128x128xf32, #tpu.memory_space<vmem>> -> memref<1x128x128xf32, #tpu.memory_space<vmem>>
        %gather3A_750 = tpu.memref_squeeze %gather3A_749 : memref<1x128x128xf32, #tpu.memory_space<vmem>> -> memref<128x128xf32, #tpu.memory_space<vmem>>
        %gather3A_751 = tpu.vector_load_idx %gather3A_750[%add3A_571, %add3A_746] : memref<128x128xf32, #tpu.memory_space<vmem>>[vector<16xi32>, vector<16xi32>], vector<16xf32>,
        %add3A_752 = arith.constant 14 : i32
        %add3A_753 = vector.broadcast %add3A_752 : i32 to vector<16xi32>
        %add3A_754 = arith.addi %mul3A_586, %add3A_753 : vector<16xi32>
        tpu.vector_store_idx %arg9[%div3A_580, %add3A_754], %gather3A_751 : memref<128x416xf32, #tpu.memory_space<vmem>>[vector<16xi32>, vector<16xi32>], vector<16xf32>,
        %add3A_755 = arith.constant 15 : i32
        %add3A_756 = vector.broadcast %add3A_755 : i32 to vector<16xi32>
        %add3A_757 = arith.addi %get3A_589, %add3A_756 : vector<16xi32>
        %gather3A_758 = arith.constant 0 : i32
        %gather3A_759 = arith.constant 0 : i32
        %gather3A_760 = tpu.memref_slice %arg8[%select_n3A_277, %gather3A_758, %gather3A_759] : memref<3x128x128xf32, #tpu.memory_space<vmem>> -> memref<1x128x128xf32, #tpu.memory_space<vmem>>
        %gather3A_761 = tpu.memref_squeeze %gather3A_760 : memref<1x128x128xf32, #tpu.memory_space<vmem>> -> memref<128x128xf32, #tpu.memory_space<vmem>>
        %gather3A_762 = tpu.vector_load_idx %gather3A_761[%add3A_571, %add3A_757] : memref<128x128xf32, #tpu.memory_space<vmem>>[vector<16xi32>, vector<16xi32>], vector<16xf32>,
        %add3A_763 = arith.constant 15 : i32
        %add3A_764 = vector.broadcast %add3A_763 : i32 to vector<16xi32>
        %add3A_765 = arith.addi %mul3A_586, %add3A_764 : vector<16xi32>
        tpu.vector_store_idx %arg9[%div3A_580, %add3A_765], %gather3A_762 : memref<128x416xf32, #tpu.memory_space<vmem>>[vector<16xi32>, vector<16xi32>], vector<16xf32>,
        %add3A_766 = arith.constant 32 : i32
        %add3A_767 = vector.broadcast %add3A_766 : i32 to vector<16xi32>
        %add3A_768 = arith.addi %add3A_767, %iota3A : vector<16xi32>
        %mul3A_769 = arith.constant 128 : i32
        %mul3A_770 = arith.muli %scan3A_263, %mul3A_769 : i32
        %add3A_771 = arith.constant 32 : i32
        %add3A_772 = arith.addi %mul3A_770, %add3A_771 : i32
        %add3A_773 = vector.broadcast %add3A_772 : i32 to vector<16xi32>
        %add3A_774 = arith.addi %add3A_773, %iota3A : vector<16xi32>
        %div3A_775 = arith.constant 26 : i32
        %div3A_776 = vector.broadcast %div3A_775 : i32 to vector<16xi32>
        %div3A_777 = arith.divsi %add3A_774, %div3A_776 : vector<16xi32>
        %rem3A_778 = arith.constant 26 : i32
        %rem3A_779 = vector.broadcast %rem3A_778 : i32 to vector<16xi32>
        %rem3A_780 = arith.remsi %add3A_774, %rem3A_779 : vector<16xi32>
        %mul3A_781 = arith.constant 16 : i32
        %mul3A_782 = vector.broadcast %mul3A_781 : i32 to vector<16xi32>
        %mul3A_783 = arith.muli %rem3A_780, %mul3A_782 : vector<16xi32>
        %get3A_784 = arith.index_cast %scan3A_263 : i32 to index
        %get3A_785 = arith.constant 32 : index
        %get3A_786 = tpu.vector_load %arg7[%get3A_784, %get3A_785] {strides = array<i32>} : memref<26x128xi32, #tpu.memory_space<vmem>>, vector<16xi32>,
        %add3A_787 = arith.constant 0 : i32
        %add3A_788 = vector.broadcast %add3A_787 : i32 to vector<16xi32>
        %add3A_789 = arith.addi %get3A_786, %add3A_788 : vector<16xi32>
        %gather3A_790 = arith.constant 0 : i32
        %gather3A_791 = arith.constant 0 : i32
        %gather3A_792 = tpu.memref_slice %arg8[%select_n3A_277, %gather3A_790, %gather3A_791] : memref<3x128x128xf32, #tpu.memory_space<vmem>> -> memref<1x128x128xf32, #tpu.memory_space<vmem>>
        %gather3A_793 = tpu.memref_squeeze %gather3A_792 : memref<1x128x128xf32, #tpu.memory_space<vmem>> -> memref<128x128xf32, #tpu.memory_space<vmem>>
        %gather3A_794 = tpu.vector_load_idx %gather3A_793[%add3A_768, %add3A_789] : memref<128x128xf32, #tpu.memory_space<vmem>>[vector<16xi32>, vector<16xi32>], vector<16xf32>,
        %add3A_795 = arith.constant 0 : i32
        %add3A_796 = vector.broadcast %add3A_795 : i32 to vector<16xi32>
        %add3A_797 = arith.addi %mul3A_783, %add3A_796 : vector<16xi32>
        tpu.vector_store_idx %arg9[%div3A_777, %add3A_797], %gather3A_794 : memref<128x416xf32, #tpu.memory_space<vmem>>[vector<16xi32>, vector<16xi32>], vector<16xf32>,
        %add3A_798 = arith.constant 1 : i32
        %add3A_799 = vector.broadcast %add3A_798 : i32 to vector<16xi32>
        %add3A_800 = arith.addi %get3A_786, %add3A_799 : vector<16xi32>
        %gather3A_801 = arith.constant 0 : i32
        %gather3A_802 = arith.constant 0 : i32
        %gather3A_803 = tpu.memref_slice %arg8[%select_n3A_277, %gather3A_801, %gather3A_802] : memref<3x128x128xf32, #tpu.memory_space<vmem>> -> memref<1x128x128xf32, #tpu.memory_space<vmem>>
        %gather3A_804 = tpu.memref_squeeze %gather3A_803 : memref<1x128x128xf32, #tpu.memory_space<vmem>> -> memref<128x128xf32, #tpu.memory_space<vmem>>
        %gather3A_805 = tpu.vector_load_idx %gather3A_804[%add3A_768, %add3A_800] : memref<128x128xf32, #tpu.memory_space<vmem>>[vector<16xi32>, vector<16xi32>], vector<16xf32>,
        %add3A_806 = arith.constant 1 : i32
        %add3A_807 = vector.broadcast %add3A_806 : i32 to vector<16xi32>
        %add3A_808 = arith.addi %mul3A_783, %add3A_807 : vector<16xi32>
        tpu.vector_store_idx %arg9[%div3A_777, %add3A_808], %gather3A_805 : memref<128x416xf32, #tpu.memory_space<vmem>>[vector<16xi32>, vector<16xi32>], vector<16xf32>,
        %add3A_809 = arith.constant 2 : i32
        %add3A_810 = vector.broadcast %add3A_809 : i32 to vector<16xi32>
        %add3A_811 = arith.addi %get3A_786, %add3A_810 : vector<16xi32>
        %gather3A_812 = arith.constant 0 : i32
        %gather3A_813 = arith.constant 0 : i32
        %gather3A_814 = tpu.memref_slice %arg8[%select_n3A_277, %gather3A_812, %gather3A_813] : memref<3x128x128xf32, #tpu.memory_space<vmem>> -> memref<1x128x128xf32, #tpu.memory_space<vmem>>
        %gather3A_815 = tpu.memref_squeeze %gather3A_814 : memref<1x128x128xf32, #tpu.memory_space<vmem>> -> memref<128x128xf32, #tpu.memory_space<vmem>>
        %gather3A_816 = tpu.vector_load_idx %gather3A_815[%add3A_768, %add3A_811] : memref<128x128xf32, #tpu.memory_space<vmem>>[vector<16xi32>, vector<16xi32>], vector<16xf32>,
        %add3A_817 = arith.constant 2 : i32
        %add3A_818 = vector.broadcast %add3A_817 : i32 to vector<16xi32>
        %add3A_819 = arith.addi %mul3A_783, %add3A_818 : vector<16xi32>
        tpu.vector_store_idx %arg9[%div3A_777, %add3A_819], %gather3A_816 : memref<128x416xf32, #tpu.memory_space<vmem>>[vector<16xi32>, vector<16xi32>], vector<16xf32>,
        %add3A_820 = arith.constant 3 : i32
        %add3A_821 = vector.broadcast %add3A_820 : i32 to vector<16xi32>
        %add3A_822 = arith.addi %get3A_786, %add3A_821 : vector<16xi32>
        %gather3A_823 = arith.constant 0 : i32
        %gather3A_824 = arith.constant 0 : i32
        %gather3A_825 = tpu.memref_slice %arg8[%select_n3A_277, %gather3A_823, %gather3A_824] : memref<3x128x128xf32, #tpu.memory_space<vmem>> -> memref<1x128x128xf32, #tpu.memory_space<vmem>>
        %gather3A_826 = tpu.memref_squeeze %gather3A_825 : memref<1x128x128xf32, #tpu.memory_space<vmem>> -> memref<128x128xf32, #tpu.memory_space<vmem>>
        %gather3A_827 = tpu.vector_load_idx %gather3A_826[%add3A_768, %add3A_822] : memref<128x128xf32, #tpu.memory_space<vmem>>[vector<16xi32>, vector<16xi32>], vector<16xf32>,
        %add3A_828 = arith.constant 3 : i32
        %add3A_829 = vector.broadcast %add3A_828 : i32 to vector<16xi32>
        %add3A_830 = arith.addi %mul3A_783, %add3A_829 : vector<16xi32>
        tpu.vector_store_idx %arg9[%div3A_777, %add3A_830], %gather3A_827 : memref<128x416xf32, #tpu.memory_space<vmem>>[vector<16xi32>, vector<16xi32>], vector<16xf32>,
        %add3A_831 = arith.constant 4 : i32
        %add3A_832 = vector.broadcast %add3A_831 : i32 to vector<16xi32>
        %add3A_833 = arith.addi %get3A_786, %add3A_832 : vector<16xi32>
        %gather3A_834 = arith.constant 0 : i32
        %gather3A_835 = arith.constant 0 : i32
        %gather3A_836 = tpu.memref_slice %arg8[%select_n3A_277, %gather3A_834, %gather3A_835] : memref<3x128x128xf32, #tpu.memory_space<vmem>> -> memref<1x128x128xf32, #tpu.memory_space<vmem>>
        %gather3A_837 = tpu.memref_squeeze %gather3A_836 : memref<1x128x128xf32, #tpu.memory_space<vmem>> -> memref<128x128xf32, #tpu.memory_space<vmem>>
        %gather3A_838 = tpu.vector_load_idx %gather3A_837[%add3A_768, %add3A_833] : memref<128x128xf32, #tpu.memory_space<vmem>>[vector<16xi32>, vector<16xi32>], vector<16xf32>,
        %add3A_839 = arith.constant 4 : i32
        %add3A_840 = vector.broadcast %add3A_839 : i32 to vector<16xi32>
        %add3A_841 = arith.addi %mul3A_783, %add3A_840 : vector<16xi32>
        tpu.vector_store_idx %arg9[%div3A_777, %add3A_841], %gather3A_838 : memref<128x416xf32, #tpu.memory_space<vmem>>[vector<16xi32>, vector<16xi32>], vector<16xf32>,
        %add3A_842 = arith.constant 5 : i32
        %add3A_843 = vector.broadcast %add3A_842 : i32 to vector<16xi32>
        %add3A_844 = arith.addi %get3A_786, %add3A_843 : vector<16xi32>
        %gather3A_845 = arith.constant 0 : i32
        %gather3A_846 = arith.constant 0 : i32
        %gather3A_847 = tpu.memref_slice %arg8[%select_n3A_277, %gather3A_845, %gather3A_846] : memref<3x128x128xf32, #tpu.memory_space<vmem>> -> memref<1x128x128xf32, #tpu.memory_space<vmem>>
        %gather3A_848 = tpu.memref_squeeze %gather3A_847 : memref<1x128x128xf32, #tpu.memory_space<vmem>> -> memref<128x128xf32, #tpu.memory_space<vmem>>
        %gather3A_849 = tpu.vector_load_idx %gather3A_848[%add3A_768, %add3A_844] : memref<128x128xf32, #tpu.memory_space<vmem>>[vector<16xi32>, vector<16xi32>], vector<16xf32>,
        %add3A_850 = arith.constant 5 : i32
        %add3A_851 = vector.broadcast %add3A_850 : i32 to vector<16xi32>
        %add3A_852 = arith.addi %mul3A_783, %add3A_851 : vector<16xi32>
        tpu.vector_store_idx %arg9[%div3A_777, %add3A_852], %gather3A_849 : memref<128x416xf32, #tpu.memory_space<vmem>>[vector<16xi32>, vector<16xi32>], vector<16xf32>,
        %add3A_853 = arith.constant 6 : i32
        %add3A_854 = vector.broadcast %add3A_853 : i32 to vector<16xi32>
        %add3A_855 = arith.addi %get3A_786, %add3A_854 : vector<16xi32>
        %gather3A_856 = arith.constant 0 : i32
        %gather3A_857 = arith.constant 0 : i32
        %gather3A_858 = tpu.memref_slice %arg8[%select_n3A_277, %gather3A_856, %gather3A_857] : memref<3x128x128xf32, #tpu.memory_space<vmem>> -> memref<1x128x128xf32, #tpu.memory_space<vmem>>
        %gather3A_859 = tpu.memref_squeeze %gather3A_858 : memref<1x128x128xf32, #tpu.memory_space<vmem>> -> memref<128x128xf32, #tpu.memory_space<vmem>>
        %gather3A_860 = tpu.vector_load_idx %gather3A_859[%add3A_768, %add3A_855] : memref<128x128xf32, #tpu.memory_space<vmem>>[vector<16xi32>, vector<16xi32>], vector<16xf32>,
        %add3A_861 = arith.constant 6 : i32
        %add3A_862 = vector.broadcast %add3A_861 : i32 to vector<16xi32>
        %add3A_863 = arith.addi %mul3A_783, %add3A_862 : vector<16xi32>
        tpu.vector_store_idx %arg9[%div3A_777, %add3A_863], %gather3A_860 : memref<128x416xf32, #tpu.memory_space<vmem>>[vector<16xi32>, vector<16xi32>], vector<16xf32>,
        %add3A_864 = arith.constant 7 : i32
        %add3A_865 = vector.broadcast %add3A_864 : i32 to vector<16xi32>
        %add3A_866 = arith.addi %get3A_786, %add3A_865 : vector<16xi32>
        %gather3A_867 = arith.constant 0 : i32
        %gather3A_868 = arith.constant 0 : i32
        %gather3A_869 = tpu.memref_slice %arg8[%select_n3A_277, %gather3A_867, %gather3A_868] : memref<3x128x128xf32, #tpu.memory_space<vmem>> -> memref<1x128x128xf32, #tpu.memory_space<vmem>>
        %gather3A_870 = tpu.memref_squeeze %gather3A_869 : memref<1x128x128xf32, #tpu.memory_space<vmem>> -> memref<128x128xf32, #tpu.memory_space<vmem>>
        %gather3A_871 = tpu.vector_load_idx %gather3A_870[%add3A_768, %add3A_866] : memref<128x128xf32, #tpu.memory_space<vmem>>[vector<16xi32>, vector<16xi32>], vector<16xf32>,
        %add3A_872 = arith.constant 7 : i32
        %add3A_873 = vector.broadcast %add3A_872 : i32 to vector<16xi32>
        %add3A_874 = arith.addi %mul3A_783, %add3A_873 : vector<16xi32>
        tpu.vector_store_idx %arg9[%div3A_777, %add3A_874], %gather3A_871 : memref<128x416xf32, #tpu.memory_space<vmem>>[vector<16xi32>, vector<16xi32>], vector<16xf32>,
        %add3A_875 = arith.constant 8 : i32
        %add3A_876 = vector.broadcast %add3A_875 : i32 to vector<16xi32>
        %add3A_877 = arith.addi %get3A_786, %add3A_876 : vector<16xi32>
        %gather3A_878 = arith.constant 0 : i32
        %gather3A_879 = arith.constant 0 : i32
        %gather3A_880 = tpu.memref_slice %arg8[%select_n3A_277, %gather3A_878, %gather3A_879] : memref<3x128x128xf32, #tpu.memory_space<vmem>> -> memref<1x128x128xf32, #tpu.memory_space<vmem>>
        %gather3A_881 = tpu.memref_squeeze %gather3A_880 : memref<1x128x128xf32, #tpu.memory_space<vmem>> -> memref<128x128xf32, #tpu.memory_space<vmem>>
        %gather3A_882 = tpu.vector_load_idx %gather3A_881[%add3A_768, %add3A_877] : memref<128x128xf32, #tpu.memory_space<vmem>>[vector<16xi32>, vector<16xi32>], vector<16xf32>,
        %add3A_883 = arith.constant 8 : i32
        %add3A_884 = vector.broadcast %add3A_883 : i32 to vector<16xi32>
        %add3A_885 = arith.addi %mul3A_783, %add3A_884 : vector<16xi32>
        tpu.vector_store_idx %arg9[%div3A_777, %add3A_885], %gather3A_882 : memref<128x416xf32, #tpu.memory_space<vmem>>[vector<16xi32>, vector<16xi32>], vector<16xf32>,
        %add3A_886 = arith.constant 9 : i32
        %add3A_887 = vector.broadcast %add3A_886 : i32 to vector<16xi32>
        %add3A_888 = arith.addi %get3A_786, %add3A_887 : vector<16xi32>
        %gather3A_889 = arith.constant 0 : i32
        %gather3A_890 = arith.constant 0 : i32
        %gather3A_891 = tpu.memref_slice %arg8[%select_n3A_277, %gather3A_889, %gather3A_890] : memref<3x128x128xf32, #tpu.memory_space<vmem>> -> memref<1x128x128xf32, #tpu.memory_space<vmem>>
        %gather3A_892 = tpu.memref_squeeze %gather3A_891 : memref<1x128x128xf32, #tpu.memory_space<vmem>> -> memref<128x128xf32, #tpu.memory_space<vmem>>
        %gather3A_893 = tpu.vector_load_idx %gather3A_892[%add3A_768, %add3A_888] : memref<128x128xf32, #tpu.memory_space<vmem>>[vector<16xi32>, vector<16xi32>], vector<16xf32>,
        %add3A_894 = arith.constant 9 : i32
        %add3A_895 = vector.broadcast %add3A_894 : i32 to vector<16xi32>
        %add3A_896 = arith.addi %mul3A_783, %add3A_895 : vector<16xi32>
        tpu.vector_store_idx %arg9[%div3A_777, %add3A_896], %gather3A_893 : memref<128x416xf32, #tpu.memory_space<vmem>>[vector<16xi32>, vector<16xi32>], vector<16xf32>,
        %add3A_897 = arith.constant 10 : i32
        %add3A_898 = vector.broadcast %add3A_897 : i32 to vector<16xi32>
        %add3A_899 = arith.addi %get3A_786, %add3A_898 : vector<16xi32>
        %gather3A_900 = arith.constant 0 : i32
        %gather3A_901 = arith.constant 0 : i32
        %gather3A_902 = tpu.memref_slice %arg8[%select_n3A_277, %gather3A_900, %gather3A_901] : memref<3x128x128xf32, #tpu.memory_space<vmem>> -> memref<1x128x128xf32, #tpu.memory_space<vmem>>
        %gather3A_903 = tpu.memref_squeeze %gather3A_902 : memref<1x128x128xf32, #tpu.memory_space<vmem>> -> memref<128x128xf32, #tpu.memory_space<vmem>>
        %gather3A_904 = tpu.vector_load_idx %gather3A_903[%add3A_768, %add3A_899] : memref<128x128xf32, #tpu.memory_space<vmem>>[vector<16xi32>, vector<16xi32>], vector<16xf32>,
        %add3A_905 = arith.constant 10 : i32
        %add3A_906 = vector.broadcast %add3A_905 : i32 to vector<16xi32>
        %add3A_907 = arith.addi %mul3A_783, %add3A_906 : vector<16xi32>
        tpu.vector_store_idx %arg9[%div3A_777, %add3A_907], %gather3A_904 : memref<128x416xf32, #tpu.memory_space<vmem>>[vector<16xi32>, vector<16xi32>], vector<16xf32>,
        %add3A_908 = arith.constant 11 : i32
        %add3A_909 = vector.broadcast %add3A_908 : i32 to vector<16xi32>
        %add3A_910 = arith.addi %get3A_786, %add3A_909 : vector<16xi32>
        %gather3A_911 = arith.constant 0 : i32
        %gather3A_912 = arith.constant 0 : i32
        %gather3A_913 = tpu.memref_slice %arg8[%select_n3A_277, %gather3A_911, %gather3A_912] : memref<3x128x128xf32, #tpu.memory_space<vmem>> -> memref<1x128x128xf32, #tpu.memory_space<vmem>>
        %gather3A_914 = tpu.memref_squeeze %gather3A_913 : memref<1x128x128xf32, #tpu.memory_space<vmem>> -> memref<128x128xf32, #tpu.memory_space<vmem>>
        %gather3A_915 = tpu.vector_load_idx %gather3A_914[%add3A_768, %add3A_910] : memref<128x128xf32, #tpu.memory_space<vmem>>[vector<16xi32>, vector<16xi32>], vector<16xf32>,
        %add3A_916 = arith.constant 11 : i32
        %add3A_917 = vector.broadcast %add3A_916 : i32 to vector<16xi32>
        %add3A_918 = arith.addi %mul3A_783, %add3A_917 : vector<16xi32>
        tpu.vector_store_idx %arg9[%div3A_777, %add3A_918], %gather3A_915 : memref<128x416xf32, #tpu.memory_space<vmem>>[vector<16xi32>, vector<16xi32>], vector<16xf32>,
        %add3A_919 = arith.constant 12 : i32
        %add3A_920 = vector.broadcast %add3A_919 : i32 to vector<16xi32>
        %add3A_921 = arith.addi %get3A_786, %add3A_920 : vector<16xi32>
        %gather3A_922 = arith.constant 0 : i32
        %gather3A_923 = arith.constant 0 : i32
        %gather3A_924 = tpu.memref_slice %arg8[%select_n3A_277, %gather3A_922, %gather3A_923] : memref<3x128x128xf32, #tpu.memory_space<vmem>> -> memref<1x128x128xf32, #tpu.memory_space<vmem>>
        %gather3A_925 = tpu.memref_squeeze %gather3A_924 : memref<1x128x128xf32, #tpu.memory_space<vmem>> -> memref<128x128xf32, #tpu.memory_space<vmem>>
        %gather3A_926 = tpu.vector_load_idx %gather3A_925[%add3A_768, %add3A_921] : memref<128x128xf32, #tpu.memory_space<vmem>>[vector<16xi32>, vector<16xi32>], vector<16xf32>,
        %add3A_927 = arith.constant 12 : i32
        %add3A_928 = vector.broadcast %add3A_927 : i32 to vector<16xi32>
        %add3A_929 = arith.addi %mul3A_783, %add3A_928 : vector<16xi32>
        tpu.vector_store_idx %arg9[%div3A_777, %add3A_929], %gather3A_926 : memref<128x416xf32, #tpu.memory_space<vmem>>[vector<16xi32>, vector<16xi32>], vector<16xf32>,
        %add3A_930 = arith.constant 13 : i32
        %add3A_931 = vector.broadcast %add3A_930 : i32 to vector<16xi32>
        %add3A_932 = arith.addi %get3A_786, %add3A_931 : vector<16xi32>
        %gather3A_933 = arith.constant 0 : i32
        %gather3A_934 = arith.constant 0 : i32
        %gather3A_935 = tpu.memref_slice %arg8[%select_n3A_277, %gather3A_933, %gather3A_934] : memref<3x128x128xf32, #tpu.memory_space<vmem>> -> memref<1x128x128xf32, #tpu.memory_space<vmem>>
        %gather3A_936 = tpu.memref_squeeze %gather3A_935 : memref<1x128x128xf32, #tpu.memory_space<vmem>> -> memref<128x128xf32, #tpu.memory_space<vmem>>
        %gather3A_937 = tpu.vector_load_idx %gather3A_936[%add3A_768, %add3A_932] : memref<128x128xf32, #tpu.memory_space<vmem>>[vector<16xi32>, vector<16xi32>], vector<16xf32>,
        %add3A_938 = arith.constant 13 : i32
        %add3A_939 = vector.broadcast %add3A_938 : i32 to vector<16xi32>
        %add3A_940 = arith.addi %mul3A_783, %add3A_939 : vector<16xi32>
        tpu.vector_store_idx %arg9[%div3A_777, %add3A_940], %gather3A_937 : memref<128x416xf32, #tpu.memory_space<vmem>>[vector<16xi32>, vector<16xi32>], vector<16xf32>,
        %add3A_941 = arith.constant 14 : i32
        %add3A_942 = vector.broadcast %add3A_941 : i32 to vector<16xi32>
        %add3A_943 = arith.addi %get3A_786, %add3A_942 : vector<16xi32>
        %gather3A_944 = arith.constant 0 : i32
        %gather3A_945 = arith.constant 0 : i32
        %gather3A_946 = tpu.memref_slice %arg8[%select_n3A_277, %gather3A_944, %gather3A_945] : memref<3x128x128xf32, #tpu.memory_space<vmem>> -> memref<1x128x128xf32, #tpu.memory_space<vmem>>
        %gather3A_947 = tpu.memref_squeeze %gather3A_946 : memref<1x128x128xf32, #tpu.memory_space<vmem>> -> memref<128x128xf32, #tpu.memory_space<vmem>>
        %gather3A_948 = tpu.vector_load_idx %gather3A_947[%add3A_768, %add3A_943] : memref<128x128xf32, #tpu.memory_space<vmem>>[vector<16xi32>, vector<16xi32>], vector<16xf32>,
        %add3A_949 = arith.constant 14 : i32
        %add3A_950 = vector.broadcast %add3A_949 : i32 to vector<16xi32>
        %add3A_951 = arith.addi %mul3A_783, %add3A_950 : vector<16xi32>
        tpu.vector_store_idx %arg9[%div3A_777, %add3A_951], %gather3A_948 : memref<128x416xf32, #tpu.memory_space<vmem>>[vector<16xi32>, vector<16xi32>], vector<16xf32>,
        %add3A_952 = arith.constant 15 : i32
        %add3A_953 = vector.broadcast %add3A_952 : i32 to vector<16xi32>
        %add3A_954 = arith.addi %get3A_786, %add3A_953 : vector<16xi32>
        %gather3A_955 = arith.constant 0 : i32
        %gather3A_956 = arith.constant 0 : i32
        %gather3A_957 = tpu.memref_slice %arg8[%select_n3A_277, %gather3A_955, %gather3A_956] : memref<3x128x128xf32, #tpu.memory_space<vmem>> -> memref<1x128x128xf32, #tpu.memory_space<vmem>>
        %gather3A_958 = tpu.memref_squeeze %gather3A_957 : memref<1x128x128xf32, #tpu.memory_space<vmem>> -> memref<128x128xf32, #tpu.memory_space<vmem>>
        %gather3A_959 = tpu.vector_load_idx %gather3A_958[%add3A_768, %add3A_954] : memref<128x128xf32, #tpu.memory_space<vmem>>[vector<16xi32>, vector<16xi32>], vector<16xf32>,
        %add3A_960 = arith.constant 15 : i32
        %add3A_961 = vector.broadcast %add3A_960 : i32 to vector<16xi32>
        %add3A_962 = arith.addi %mul3A_783, %add3A_961 : vector<16xi32>
        tpu.vector_store_idx %arg9[%div3A_777, %add3A_962], %gather3A_959 : memref<128x416xf32, #tpu.memory_space<vmem>>[vector<16xi32>, vector<16xi32>], vector<16xf32>,
        %add3A_963 = arith.constant 48 : i32
        %add3A_964 = vector.broadcast %add3A_963 : i32 to vector<16xi32>
        %add3A_965 = arith.addi %add3A_964, %iota3A : vector<16xi32>
        %mul3A_966 = arith.constant 128 : i32
        %mul3A_967 = arith.muli %scan3A_263, %mul3A_966 : i32
        %add3A_968 = arith.constant 48 : i32
        %add3A_969 = arith.addi %mul3A_967, %add3A_968 : i32
        %add3A_970 = vector.broadcast %add3A_969 : i32 to vector<16xi32>
        %add3A_971 = arith.addi %add3A_970, %iota3A : vector<16xi32>
        %div3A_972 = arith.constant 26 : i32
        %div3A_973 = vector.broadcast %div3A_972 : i32 to vector<16xi32>
        %div3A_974 = arith.divsi %add3A_971, %div3A_973 : vector<16xi32>
        %rem3A_975 = arith.constant 26 : i32
        %rem3A_976 = vector.broadcast %rem3A_975 : i32 to vector<16xi32>
        %rem3A_977 = arith.remsi %add3A_971, %rem3A_976 : vector<16xi32>
        %mul3A_978 = arith.constant 16 : i32
        %mul3A_979 = vector.broadcast %mul3A_978 : i32 to vector<16xi32>
        %mul3A_980 = arith.muli %rem3A_977, %mul3A_979 : vector<16xi32>
        %get3A_981 = arith.index_cast %scan3A_263 : i32 to index
        %get3A_982 = arith.constant 48 : index
        %get3A_983 = tpu.vector_load %arg7[%get3A_981, %get3A_982] {strides = array<i32>} : memref<26x128xi32, #tpu.memory_space<vmem>>, vector<16xi32>,
        %add3A_984 = arith.constant 0 : i32
        %add3A_985 = vector.broadcast %add3A_984 : i32 to vector<16xi32>
        %add3A_986 = arith.addi %get3A_983, %add3A_985 : vector<16xi32>
        %gather3A_987 = arith.constant 0 : i32
        %gather3A_988 = arith.constant 0 : i32
        %gather3A_989 = tpu.memref_slice %arg8[%select_n3A_277, %gather3A_987, %gather3A_988] : memref<3x128x128xf32, #tpu.memory_space<vmem>> -> memref<1x128x128xf32, #tpu.memory_space<vmem>>
        %gather3A_990 = tpu.memref_squeeze %gather3A_989 : memref<1x128x128xf32, #tpu.memory_space<vmem>> -> memref<128x128xf32, #tpu.memory_space<vmem>>
        %gather3A_991 = tpu.vector_load_idx %gather3A_990[%add3A_965, %add3A_986] : memref<128x128xf32, #tpu.memory_space<vmem>>[vector<16xi32>, vector<16xi32>], vector<16xf32>,
        %add3A_992 = arith.constant 0 : i32
        %add3A_993 = vector.broadcast %add3A_992 : i32 to vector<16xi32>
        %add3A_994 = arith.addi %mul3A_980, %add3A_993 : vector<16xi32>
        tpu.vector_store_idx %arg9[%div3A_974, %add3A_994], %gather3A_991 : memref<128x416xf32, #tpu.memory_space<vmem>>[vector<16xi32>, vector<16xi32>], vector<16xf32>,
        %add3A_995 = arith.constant 1 : i32
        %add3A_996 = vector.broadcast %add3A_995 : i32 to vector<16xi32>
        %add3A_997 = arith.addi %get3A_983, %add3A_996 : vector<16xi32>
        %gather3A_998 = arith.constant 0 : i32
        %gather3A_999 = arith.constant 0 : i32
        %gather3A_1000 = tpu.memref_slice %arg8[%select_n3A_277, %gather3A_998, %gather3A_999] : memref<3x128x128xf32, #tpu.memory_space<vmem>> -> memref<1x128x128xf32, #tpu.memory_space<vmem>>
        %gather3A_1001 = tpu.memref_squeeze %gather3A_1000 : memref<1x128x128xf32, #tpu.memory_space<vmem>> -> memref<128x128xf32, #tpu.memory_space<vmem>>
        %gather3A_1002 = tpu.vector_load_idx %gather3A_1001[%add3A_965, %add3A_997] : memref<128x128xf32, #tpu.memory_space<vmem>>[vector<16xi32>, vector<16xi32>], vector<16xf32>,
        %add3A_1003 = arith.constant 1 : i32
        %add3A_1004 = vector.broadcast %add3A_1003 : i32 to vector<16xi32>
        %add3A_1005 = arith.addi %mul3A_980, %add3A_1004 : vector<16xi32>
        tpu.vector_store_idx %arg9[%div3A_974, %add3A_1005], %gather3A_1002 : memref<128x416xf32, #tpu.memory_space<vmem>>[vector<16xi32>, vector<16xi32>], vector<16xf32>,
        %add3A_1006 = arith.constant 2 : i32
        %add3A_1007 = vector.broadcast %add3A_1006 : i32 to vector<16xi32>
        %add3A_1008 = arith.addi %get3A_983, %add3A_1007 : vector<16xi32>
        %gather3A_1009 = arith.constant 0 : i32
        %gather3A_1010 = arith.constant 0 : i32
        %gather3A_1011 = tpu.memref_slice %arg8[%select_n3A_277, %gather3A_1009, %gather3A_1010] : memref<3x128x128xf32, #tpu.memory_space<vmem>> -> memref<1x128x128xf32, #tpu.memory_space<vmem>>
        %gather3A_1012 = tpu.memref_squeeze %gather3A_1011 : memref<1x128x128xf32, #tpu.memory_space<vmem>> -> memref<128x128xf32, #tpu.memory_space<vmem>>
        %gather3A_1013 = tpu.vector_load_idx %gather3A_1012[%add3A_965, %add3A_1008] : memref<128x128xf32, #tpu.memory_space<vmem>>[vector<16xi32>, vector<16xi32>], vector<16xf32>,
        %add3A_1014 = arith.constant 2 : i32
        %add3A_1015 = vector.broadcast %add3A_1014 : i32 to vector<16xi32>
        %add3A_1016 = arith.addi %mul3A_980, %add3A_1015 : vector<16xi32>
        tpu.vector_store_idx %arg9[%div3A_974, %add3A_1016], %gather3A_1013 : memref<128x416xf32, #tpu.memory_space<vmem>>[vector<16xi32>, vector<16xi32>], vector<16xf32>,
        %add3A_1017 = arith.constant 3 : i32
        %add3A_1018 = vector.broadcast %add3A_1017 : i32 to vector<16xi32>
        %add3A_1019 = arith.addi %get3A_983, %add3A_1018 : vector<16xi32>
        %gather3A_1020 = arith.constant 0 : i32
        %gather3A_1021 = arith.constant 0 : i32
        %gather3A_1022 = tpu.memref_slice %arg8[%select_n3A_277, %gather3A_1020, %gather3A_1021] : memref<3x128x128xf32, #tpu.memory_space<vmem>> -> memref<1x128x128xf32, #tpu.memory_space<vmem>>
        %gather3A_1023 = tpu.memref_squeeze %gather3A_1022 : memref<1x128x128xf32, #tpu.memory_space<vmem>> -> memref<128x128xf32, #tpu.memory_space<vmem>>
        %gather3A_1024 = tpu.vector_load_idx %gather3A_1023[%add3A_965, %add3A_1019] : memref<128x128xf32, #tpu.memory_space<vmem>>[vector<16xi32>, vector<16xi32>], vector<16xf32>,
        %add3A_1025 = arith.constant 3 : i32
        %add3A_1026 = vector.broadcast %add3A_1025 : i32 to vector<16xi32>
        %add3A_1027 = arith.addi %mul3A_980, %add3A_1026 : vector<16xi32>
        tpu.vector_store_idx %arg9[%div3A_974, %add3A_1027], %gather3A_1024 : memref<128x416xf32, #tpu.memory_space<vmem>>[vector<16xi32>, vector<16xi32>], vector<16xf32>,
        %add3A_1028 = arith.constant 4 : i32
        %add3A_1029 = vector.broadcast %add3A_1028 : i32 to vector<16xi32>
        %add3A_1030 = arith.addi %get3A_983, %add3A_1029 : vector<16xi32>
        %gather3A_1031 = arith.constant 0 : i32
        %gather3A_1032 = arith.constant 0 : i32
        %gather3A_1033 = tpu.memref_slice %arg8[%select_n3A_277, %gather3A_1031, %gather3A_1032] : memref<3x128x128xf32, #tpu.memory_space<vmem>> -> memref<1x128x128xf32, #tpu.memory_space<vmem>>
        %gather3A_1034 = tpu.memref_squeeze %gather3A_1033 : memref<1x128x128xf32, #tpu.memory_space<vmem>> -> memref<128x128xf32, #tpu.memory_space<vmem>>
        %gather3A_1035 = tpu.vector_load_idx %gather3A_1034[%add3A_965, %add3A_1030] : memref<128x128xf32, #tpu.memory_space<vmem>>[vector<16xi32>, vector<16xi32>], vector<16xf32>,
        %add3A_1036 = arith.constant 4 : i32
        %add3A_1037 = vector.broadcast %add3A_1036 : i32 to vector<16xi32>
        %add3A_1038 = arith.addi %mul3A_980, %add3A_1037 : vector<16xi32>
        tpu.vector_store_idx %arg9[%div3A_974, %add3A_1038], %gather3A_1035 : memref<128x416xf32, #tpu.memory_space<vmem>>[vector<16xi32>, vector<16xi32>], vector<16xf32>,
        %add3A_1039 = arith.constant 5 : i32
        %add3A_1040 = vector.broadcast %add3A_1039 : i32 to vector<16xi32>
        %add3A_1041 = arith.addi %get3A_983, %add3A_1040 : vector<16xi32>
        %gather3A_1042 = arith.constant 0 : i32
        %gather3A_1043 = arith.constant 0 : i32
        %gather3A_1044 = tpu.memref_slice %arg8[%select_n3A_277, %gather3A_1042, %gather3A_1043] : memref<3x128x128xf32, #tpu.memory_space<vmem>> -> memref<1x128x128xf32, #tpu.memory_space<vmem>>
        %gather3A_1045 = tpu.memref_squeeze %gather3A_1044 : memref<1x128x128xf32, #tpu.memory_space<vmem>> -> memref<128x128xf32, #tpu.memory_space<vmem>>
        %gather3A_1046 = tpu.vector_load_idx %gather3A_1045[%add3A_965, %add3A_1041] : memref<128x128xf32, #tpu.memory_space<vmem>>[vector<16xi32>, vector<16xi32>], vector<16xf32>,
        %add3A_1047 = arith.constant 5 : i32
        %add3A_1048 = vector.broadcast %add3A_1047 : i32 to vector<16xi32>
        %add3A_1049 = arith.addi %mul3A_980, %add3A_1048 : vector<16xi32>
        tpu.vector_store_idx %arg9[%div3A_974, %add3A_1049], %gather3A_1046 : memref<128x416xf32, #tpu.memory_space<vmem>>[vector<16xi32>, vector<16xi32>], vector<16xf32>,
        %add3A_1050 = arith.constant 6 : i32
        %add3A_1051 = vector.broadcast %add3A_1050 : i32 to vector<16xi32>
        %add3A_1052 = arith.addi %get3A_983, %add3A_1051 : vector<16xi32>
        %gather3A_1053 = arith.constant 0 : i32
        %gather3A_1054 = arith.constant 0 : i32
        %gather3A_1055 = tpu.memref_slice %arg8[%select_n3A_277, %gather3A_1053, %gather3A_1054] : memref<3x128x128xf32, #tpu.memory_space<vmem>> -> memref<1x128x128xf32, #tpu.memory_space<vmem>>
        %gather3A_1056 = tpu.memref_squeeze %gather3A_1055 : memref<1x128x128xf32, #tpu.memory_space<vmem>> -> memref<128x128xf32, #tpu.memory_space<vmem>>
        %gather3A_1057 = tpu.vector_load_idx %gather3A_1056[%add3A_965, %add3A_1052] : memref<128x128xf32, #tpu.memory_space<vmem>>[vector<16xi32>, vector<16xi32>], vector<16xf32>,
        %add3A_1058 = arith.constant 6 : i32
        %add3A_1059 = vector.broadcast %add3A_1058 : i32 to vector<16xi32>
        %add3A_1060 = arith.addi %mul3A_980, %add3A_1059 : vector<16xi32>
        tpu.vector_store_idx %arg9[%div3A_974, %add3A_1060], %gather3A_1057 : memref<128x416xf32, #tpu.memory_space<vmem>>[vector<16xi32>, vector<16xi32>], vector<16xf32>,
        %add3A_1061 = arith.constant 7 : i32
        %add3A_1062 = vector.broadcast %add3A_1061 : i32 to vector<16xi32>
        %add3A_1063 = arith.addi %get3A_983, %add3A_1062 : vector<16xi32>
        %gather3A_1064 = arith.constant 0 : i32
        %gather3A_1065 = arith.constant 0 : i32
        %gather3A_1066 = tpu.memref_slice %arg8[%select_n3A_277, %gather3A_1064, %gather3A_1065] : memref<3x128x128xf32, #tpu.memory_space<vmem>> -> memref<1x128x128xf32, #tpu.memory_space<vmem>>
        %gather3A_1067 = tpu.memref_squeeze %gather3A_1066 : memref<1x128x128xf32, #tpu.memory_space<vmem>> -> memref<128x128xf32, #tpu.memory_space<vmem>>
        %gather3A_1068 = tpu.vector_load_idx %gather3A_1067[%add3A_965, %add3A_1063] : memref<128x128xf32, #tpu.memory_space<vmem>>[vector<16xi32>, vector<16xi32>], vector<16xf32>,
        %add3A_1069 = arith.constant 7 : i32
        %add3A_1070 = vector.broadcast %add3A_1069 : i32 to vector<16xi32>
        %add3A_1071 = arith.addi %mul3A_980, %add3A_1070 : vector<16xi32>
        tpu.vector_store_idx %arg9[%div3A_974, %add3A_1071], %gather3A_1068 : memref<128x416xf32, #tpu.memory_space<vmem>>[vector<16xi32>, vector<16xi32>], vector<16xf32>,
        %add3A_1072 = arith.constant 8 : i32
        %add3A_1073 = vector.broadcast %add3A_1072 : i32 to vector<16xi32>
        %add3A_1074 = arith.addi %get3A_983, %add3A_1073 : vector<16xi32>
        %gather3A_1075 = arith.constant 0 : i32
        %gather3A_1076 = arith.constant 0 : i32
        %gather3A_1077 = tpu.memref_slice %arg8[%select_n3A_277, %gather3A_1075, %gather3A_1076] : memref<3x128x128xf32, #tpu.memory_space<vmem>> -> memref<1x128x128xf32, #tpu.memory_space<vmem>>
        %gather3A_1078 = tpu.memref_squeeze %gather3A_1077 : memref<1x128x128xf32, #tpu.memory_space<vmem>> -> memref<128x128xf32, #tpu.memory_space<vmem>>
        %gather3A_1079 = tpu.vector_load_idx %gather3A_1078[%add3A_965, %add3A_1074] : memref<128x128xf32, #tpu.memory_space<vmem>>[vector<16xi32>, vector<16xi32>], vector<16xf32>,
        %add3A_1080 = arith.constant 8 : i32
        %add3A_1081 = vector.broadcast %add3A_1080 : i32 to vector<16xi32>
        %add3A_1082 = arith.addi %mul3A_980, %add3A_1081 : vector<16xi32>
        tpu.vector_store_idx %arg9[%div3A_974, %add3A_1082], %gather3A_1079 : memref<128x416xf32, #tpu.memory_space<vmem>>[vector<16xi32>, vector<16xi32>], vector<16xf32>,
        %add3A_1083 = arith.constant 9 : i32
        %add3A_1084 = vector.broadcast %add3A_1083 : i32 to vector<16xi32>
        %add3A_1085 = arith.addi %get3A_983, %add3A_1084 : vector<16xi32>
        %gather3A_1086 = arith.constant 0 : i32
        %gather3A_1087 = arith.constant 0 : i32
        %gather3A_1088 = tpu.memref_slice %arg8[%select_n3A_277, %gather3A_1086, %gather3A_1087] : memref<3x128x128xf32, #tpu.memory_space<vmem>> -> memref<1x128x128xf32, #tpu.memory_space<vmem>>
        %gather3A_1089 = tpu.memref_squeeze %gather3A_1088 : memref<1x128x128xf32, #tpu.memory_space<vmem>> -> memref<128x128xf32, #tpu.memory_space<vmem>>
        %gather3A_1090 = tpu.vector_load_idx %gather3A_1089[%add3A_965, %add3A_1085] : memref<128x128xf32, #tpu.memory_space<vmem>>[vector<16xi32>, vector<16xi32>], vector<16xf32>,
        %add3A_1091 = arith.constant 9 : i32
        %add3A_1092 = vector.broadcast %add3A_1091 : i32 to vector<16xi32>
        %add3A_1093 = arith.addi %mul3A_980, %add3A_1092 : vector<16xi32>
        tpu.vector_store_idx %arg9[%div3A_974, %add3A_1093], %gather3A_1090 : memref<128x416xf32, #tpu.memory_space<vmem>>[vector<16xi32>, vector<16xi32>], vector<16xf32>,
        %add3A_1094 = arith.constant 10 : i32
        %add3A_1095 = vector.broadcast %add3A_1094 : i32 to vector<16xi32>
        %add3A_1096 = arith.addi %get3A_983, %add3A_1095 : vector<16xi32>
        %gather3A_1097 = arith.constant 0 : i32
        %gather3A_1098 = arith.constant 0 : i32
        %gather3A_1099 = tpu.memref_slice %arg8[%select_n3A_277, %gather3A_1097, %gather3A_1098] : memref<3x128x128xf32, #tpu.memory_space<vmem>> -> memref<1x128x128xf32, #tpu.memory_space<vmem>>
        %gather3A_1100 = tpu.memref_squeeze %gather3A_1099 : memref<1x128x128xf32, #tpu.memory_space<vmem>> -> memref<128x128xf32, #tpu.memory_space<vmem>>
        %gather3A_1101 = tpu.vector_load_idx %gather3A_1100[%add3A_965, %add3A_1096] : memref<128x128xf32, #tpu.memory_space<vmem>>[vector<16xi32>, vector<16xi32>], vector<16xf32>,
        %add3A_1102 = arith.constant 10 : i32
        %add3A_1103 = vector.broadcast %add3A_1102 : i32 to vector<16xi32>
        %add3A_1104 = arith.addi %mul3A_980, %add3A_1103 : vector<16xi32>
        tpu.vector_store_idx %arg9[%div3A_974, %add3A_1104], %gather3A_1101 : memref<128x416xf32, #tpu.memory_space<vmem>>[vector<16xi32>, vector<16xi32>], vector<16xf32>,
        %add3A_1105 = arith.constant 11 : i32
        %add3A_1106 = vector.broadcast %add3A_1105 : i32 to vector<16xi32>
        %add3A_1107 = arith.addi %get3A_983, %add3A_1106 : vector<16xi32>
        %gather3A_1108 = arith.constant 0 : i32
        %gather3A_1109 = arith.constant 0 : i32
        %gather3A_1110 = tpu.memref_slice %arg8[%select_n3A_277, %gather3A_1108, %gather3A_1109] : memref<3x128x128xf32, #tpu.memory_space<vmem>> -> memref<1x128x128xf32, #tpu.memory_space<vmem>>
        %gather3A_1111 = tpu.memref_squeeze %gather3A_1110 : memref<1x128x128xf32, #tpu.memory_space<vmem>> -> memref<128x128xf32, #tpu.memory_space<vmem>>
        %gather3A_1112 = tpu.vector_load_idx %gather3A_1111[%add3A_965, %add3A_1107] : memref<128x128xf32, #tpu.memory_space<vmem>>[vector<16xi32>, vector<16xi32>], vector<16xf32>,
        %add3A_1113 = arith.constant 11 : i32
        %add3A_1114 = vector.broadcast %add3A_1113 : i32 to vector<16xi32>
        %add3A_1115 = arith.addi %mul3A_980, %add3A_1114 : vector<16xi32>
        tpu.vector_store_idx %arg9[%div3A_974, %add3A_1115], %gather3A_1112 : memref<128x416xf32, #tpu.memory_space<vmem>>[vector<16xi32>, vector<16xi32>], vector<16xf32>,
        %add3A_1116 = arith.constant 12 : i32
        %add3A_1117 = vector.broadcast %add3A_1116 : i32 to vector<16xi32>
        %add3A_1118 = arith.addi %get3A_983, %add3A_1117 : vector<16xi32>
        %gather3A_1119 = arith.constant 0 : i32
        %gather3A_1120 = arith.constant 0 : i32
        %gather3A_1121 = tpu.memref_slice %arg8[%select_n3A_277, %gather3A_1119, %gather3A_1120] : memref<3x128x128xf32, #tpu.memory_space<vmem>> -> memref<1x128x128xf32, #tpu.memory_space<vmem>>
        %gather3A_1122 = tpu.memref_squeeze %gather3A_1121 : memref<1x128x128xf32, #tpu.memory_space<vmem>> -> memref<128x128xf32, #tpu.memory_space<vmem>>
        %gather3A_1123 = tpu.vector_load_idx %gather3A_1122[%add3A_965, %add3A_1118] : memref<128x128xf32, #tpu.memory_space<vmem>>[vector<16xi32>, vector<16xi32>], vector<16xf32>,
        %add3A_1124 = arith.constant 12 : i32
        %add3A_1125 = vector.broadcast %add3A_1124 : i32 to vector<16xi32>
        %add3A_1126 = arith.addi %mul3A_980, %add3A_1125 : vector<16xi32>
        tpu.vector_store_idx %arg9[%div3A_974, %add3A_1126], %gather3A_1123 : memref<128x416xf32, #tpu.memory_space<vmem>>[vector<16xi32>, vector<16xi32>], vector<16xf32>,
        %add3A_1127 = arith.constant 13 : i32
        %add3A_1128 = vector.broadcast %add3A_1127 : i32 to vector<16xi32>
        %add3A_1129 = arith.addi %get3A_983, %add3A_1128 : vector<16xi32>
        %gather3A_1130 = arith.constant 0 : i32
        %gather3A_1131 = arith.constant 0 : i32
        %gather3A_1132 = tpu.memref_slice %arg8[%select_n3A_277, %gather3A_1130, %gather3A_1131] : memref<3x128x128xf32, #tpu.memory_space<vmem>> -> memref<1x128x128xf32, #tpu.memory_space<vmem>>
        %gather3A_1133 = tpu.memref_squeeze %gather3A_1132 : memref<1x128x128xf32, #tpu.memory_space<vmem>> -> memref<128x128xf32, #tpu.memory_space<vmem>>
        %gather3A_1134 = tpu.vector_load_idx %gather3A_1133[%add3A_965, %add3A_1129] : memref<128x128xf32, #tpu.memory_space<vmem>>[vector<16xi32>, vector<16xi32>], vector<16xf32>,
        %add3A_1135 = arith.constant 13 : i32
        %add3A_1136 = vector.broadcast %add3A_1135 : i32 to vector<16xi32>
        %add3A_1137 = arith.addi %mul3A_980, %add3A_1136 : vector<16xi32>
        tpu.vector_store_idx %arg9[%div3A_974, %add3A_1137], %gather3A_1134 : memref<128x416xf32, #tpu.memory_space<vmem>>[vector<16xi32>, vector<16xi32>], vector<16xf32>,
        %add3A_1138 = arith.constant 14 : i32
        %add3A_1139 = vector.broadcast %add3A_1138 : i32 to vector<16xi32>
        %add3A_1140 = arith.addi %get3A_983, %add3A_1139 : vector<16xi32>
        %gather3A_1141 = arith.constant 0 : i32
        %gather3A_1142 = arith.constant 0 : i32
        %gather3A_1143 = tpu.memref_slice %arg8[%select_n3A_277, %gather3A_1141, %gather3A_1142] : memref<3x128x128xf32, #tpu.memory_space<vmem>> -> memref<1x128x128xf32, #tpu.memory_space<vmem>>
        %gather3A_1144 = tpu.memref_squeeze %gather3A_1143 : memref<1x128x128xf32, #tpu.memory_space<vmem>> -> memref<128x128xf32, #tpu.memory_space<vmem>>
        %gather3A_1145 = tpu.vector_load_idx %gather3A_1144[%add3A_965, %add3A_1140] : memref<128x128xf32, #tpu.memory_space<vmem>>[vector<16xi32>, vector<16xi32>], vector<16xf32>,
        %add3A_1146 = arith.constant 14 : i32
        %add3A_1147 = vector.broadcast %add3A_1146 : i32 to vector<16xi32>
        %add3A_1148 = arith.addi %mul3A_980, %add3A_1147 : vector<16xi32>
        tpu.vector_store_idx %arg9[%div3A_974, %add3A_1148], %gather3A_1145 : memref<128x416xf32, #tpu.memory_space<vmem>>[vector<16xi32>, vector<16xi32>], vector<16xf32>,
        %add3A_1149 = arith.constant 15 : i32
        %add3A_1150 = vector.broadcast %add3A_1149 : i32 to vector<16xi32>
        %add3A_1151 = arith.addi %get3A_983, %add3A_1150 : vector<16xi32>
        %gather3A_1152 = arith.constant 0 : i32
        %gather3A_1153 = arith.constant 0 : i32
        %gather3A_1154 = tpu.memref_slice %arg8[%select_n3A_277, %gather3A_1152, %gather3A_1153] : memref<3x128x128xf32, #tpu.memory_space<vmem>> -> memref<1x128x128xf32, #tpu.memory_space<vmem>>
        %gather3A_1155 = tpu.memref_squeeze %gather3A_1154 : memref<1x128x128xf32, #tpu.memory_space<vmem>> -> memref<128x128xf32, #tpu.memory_space<vmem>>
        %gather3A_1156 = tpu.vector_load_idx %gather3A_1155[%add3A_965, %add3A_1151] : memref<128x128xf32, #tpu.memory_space<vmem>>[vector<16xi32>, vector<16xi32>], vector<16xf32>,
        %add3A_1157 = arith.constant 15 : i32
        %add3A_1158 = vector.broadcast %add3A_1157 : i32 to vector<16xi32>
        %add3A_1159 = arith.addi %mul3A_980, %add3A_1158 : vector<16xi32>
        tpu.vector_store_idx %arg9[%div3A_974, %add3A_1159], %gather3A_1156 : memref<128x416xf32, #tpu.memory_space<vmem>>[vector<16xi32>, vector<16xi32>], vector<16xf32>,
        %add3A_1160 = arith.constant 64 : i32
        %add3A_1161 = vector.broadcast %add3A_1160 : i32 to vector<16xi32>
        %add3A_1162 = arith.addi %add3A_1161, %iota3A : vector<16xi32>
        %mul3A_1163 = arith.constant 128 : i32
        %mul3A_1164 = arith.muli %scan3A_263, %mul3A_1163 : i32
        %add3A_1165 = arith.constant 64 : i32
        %add3A_1166 = arith.addi %mul3A_1164, %add3A_1165 : i32
        %add3A_1167 = vector.broadcast %add3A_1166 : i32 to vector<16xi32>
        %add3A_1168 = arith.addi %add3A_1167, %iota3A : vector<16xi32>
        %div3A_1169 = arith.constant 26 : i32
        %div3A_1170 = vector.broadcast %div3A_1169 : i32 to vector<16xi32>
        %div3A_1171 = arith.divsi %add3A_1168, %div3A_1170 : vector<16xi32>
        %rem3A_1172 = arith.constant 26 : i32
        %rem3A_1173 = vector.broadcast %rem3A_1172 : i32 to vector<16xi32>
        %rem3A_1174 = arith.remsi %add3A_1168, %rem3A_1173 : vector<16xi32>
        %mul3A_1175 = arith.constant 16 : i32
        %mul3A_1176 = vector.broadcast %mul3A_1175 : i32 to vector<16xi32>
        %mul3A_1177 = arith.muli %rem3A_1174, %mul3A_1176 : vector<16xi32>
        %get3A_1178 = arith.index_cast %scan3A_263 : i32 to index
        %get3A_1179 = arith.constant 64 : index
        %get3A_1180 = tpu.vector_load %arg7[%get3A_1178, %get3A_1179] {strides = array<i32>} : memref<26x128xi32, #tpu.memory_space<vmem>>, vector<16xi32>,
        %add3A_1181 = arith.constant 0 : i32
        %add3A_1182 = vector.broadcast %add3A_1181 : i32 to vector<16xi32>
        %add3A_1183 = arith.addi %get3A_1180, %add3A_1182 : vector<16xi32>
        %gather3A_1184 = arith.constant 0 : i32
        %gather3A_1185 = arith.constant 0 : i32
        %gather3A_1186 = tpu.memref_slice %arg8[%select_n3A_277, %gather3A_1184, %gather3A_1185] : memref<3x128x128xf32, #tpu.memory_space<vmem>> -> memref<1x128x128xf32, #tpu.memory_space<vmem>>
        %gather3A_1187 = tpu.memref_squeeze %gather3A_1186 : memref<1x128x128xf32, #tpu.memory_space<vmem>> -> memref<128x128xf32, #tpu.memory_space<vmem>>
        %gather3A_1188 = tpu.vector_load_idx %gather3A_1187[%add3A_1162, %add3A_1183] : memref<128x128xf32, #tpu.memory_space<vmem>>[vector<16xi32>, vector<16xi32>], vector<16xf32>,
        %add3A_1189 = arith.constant 0 : i32
        %add3A_1190 = vector.broadcast %add3A_1189 : i32 to vector<16xi32>
        %add3A_1191 = arith.addi %mul3A_1177, %add3A_1190 : vector<16xi32>
        tpu.vector_store_idx %arg9[%div3A_1171, %add3A_1191], %gather3A_1188 : memref<128x416xf32, #tpu.memory_space<vmem>>[vector<16xi32>, vector<16xi32>], vector<16xf32>,
        %add3A_1192 = arith.constant 1 : i32
        %add3A_1193 = vector.broadcast %add3A_1192 : i32 to vector<16xi32>
        %add3A_1194 = arith.addi %get3A_1180, %add3A_1193 : vector<16xi32>
        %gather3A_1195 = arith.constant 0 : i32
        %gather3A_1196 = arith.constant 0 : i32
        %gather3A_1197 = tpu.memref_slice %arg8[%select_n3A_277, %gather3A_1195, %gather3A_1196] : memref<3x128x128xf32, #tpu.memory_space<vmem>> -> memref<1x128x128xf32, #tpu.memory_space<vmem>>
        %gather3A_1198 = tpu.memref_squeeze %gather3A_1197 : memref<1x128x128xf32, #tpu.memory_space<vmem>> -> memref<128x128xf32, #tpu.memory_space<vmem>>
        %gather3A_1199 = tpu.vector_load_idx %gather3A_1198[%add3A_1162, %add3A_1194] : memref<128x128xf32, #tpu.memory_space<vmem>>[vector<16xi32>, vector<16xi32>], vector<16xf32>,
        %add3A_1200 = arith.constant 1 : i32
        %add3A_1201 = vector.broadcast %add3A_1200 : i32 to vector<16xi32>
        %add3A_1202 = arith.addi %mul3A_1177, %add3A_1201 : vector<16xi32>
        tpu.vector_store_idx %arg9[%div3A_1171, %add3A_1202], %gather3A_1199 : memref<128x416xf32, #tpu.memory_space<vmem>>[vector<16xi32>, vector<16xi32>], vector<16xf32>,
        %add3A_1203 = arith.constant 2 : i32
        %add3A_1204 = vector.broadcast %add3A_1203 : i32 to vector<16xi32>
        %add3A_1205 = arith.addi %get3A_1180, %add3A_1204 : vector<16xi32>
        %gather3A_1206 = arith.constant 0 : i32
        %gather3A_1207 = arith.constant 0 : i32
        %gather3A_1208 = tpu.memref_slice %arg8[%select_n3A_277, %gather3A_1206, %gather3A_1207] : memref<3x128x128xf32, #tpu.memory_space<vmem>> -> memref<1x128x128xf32, #tpu.memory_space<vmem>>
        %gather3A_1209 = tpu.memref_squeeze %gather3A_1208 : memref<1x128x128xf32, #tpu.memory_space<vmem>> -> memref<128x128xf32, #tpu.memory_space<vmem>>
        %gather3A_1210 = tpu.vector_load_idx %gather3A_1209[%add3A_1162, %add3A_1205] : memref<128x128xf32, #tpu.memory_space<vmem>>[vector<16xi32>, vector<16xi32>], vector<16xf32>,
        %add3A_1211 = arith.constant 2 : i32
        %add3A_1212 = vector.broadcast %add3A_1211 : i32 to vector<16xi32>
        %add3A_1213 = arith.addi %mul3A_1177, %add3A_1212 : vector<16xi32>
        tpu.vector_store_idx %arg9[%div3A_1171, %add3A_1213], %gather3A_1210 : memref<128x416xf32, #tpu.memory_space<vmem>>[vector<16xi32>, vector<16xi32>], vector<16xf32>,
        %add3A_1214 = arith.constant 3 : i32
        %add3A_1215 = vector.broadcast %add3A_1214 : i32 to vector<16xi32>
        %add3A_1216 = arith.addi %get3A_1180, %add3A_1215 : vector<16xi32>
        %gather3A_1217 = arith.constant 0 : i32
        %gather3A_1218 = arith.constant 0 : i32
        %gather3A_1219 = tpu.memref_slice %arg8[%select_n3A_277, %gather3A_1217, %gather3A_1218] : memref<3x128x128xf32, #tpu.memory_space<vmem>> -> memref<1x128x128xf32, #tpu.memory_space<vmem>>
        %gather3A_1220 = tpu.memref_squeeze %gather3A_1219 : memref<1x128x128xf32, #tpu.memory_space<vmem>> -> memref<128x128xf32, #tpu.memory_space<vmem>>
        %gather3A_1221 = tpu.vector_load_idx %gather3A_1220[%add3A_1162, %add3A_1216] : memref<128x128xf32, #tpu.memory_space<vmem>>[vector<16xi32>, vector<16xi32>], vector<16xf32>,
        %add3A_1222 = arith.constant 3 : i32
        %add3A_1223 = vector.broadcast %add3A_1222 : i32 to vector<16xi32>
        %add3A_1224 = arith.addi %mul3A_1177, %add3A_1223 : vector<16xi32>
        tpu.vector_store_idx %arg9[%div3A_1171, %add3A_1224], %gather3A_1221 : memref<128x416xf32, #tpu.memory_space<vmem>>[vector<16xi32>, vector<16xi32>], vector<16xf32>,
        %add3A_1225 = arith.constant 4 : i32
        %add3A_1226 = vector.broadcast %add3A_1225 : i32 to vector<16xi32>
        %add3A_1227 = arith.addi %get3A_1180, %add3A_1226 : vector<16xi32>
        %gather3A_1228 = arith.constant 0 : i32
        %gather3A_1229 = arith.constant 0 : i32
        %gather3A_1230 = tpu.memref_slice %arg8[%select_n3A_277, %gather3A_1228, %gather3A_1229] : memref<3x128x128xf32, #tpu.memory_space<vmem>> -> memref<1x128x128xf32, #tpu.memory_space<vmem>>
        %gather3A_1231 = tpu.memref_squeeze %gather3A_1230 : memref<1x128x128xf32, #tpu.memory_space<vmem>> -> memref<128x128xf32, #tpu.memory_space<vmem>>
        %gather3A_1232 = tpu.vector_load_idx %gather3A_1231[%add3A_1162, %add3A_1227] : memref<128x128xf32, #tpu.memory_space<vmem>>[vector<16xi32>, vector<16xi32>], vector<16xf32>,
        %add3A_1233 = arith.constant 4 : i32
        %add3A_1234 = vector.broadcast %add3A_1233 : i32 to vector<16xi32>
        %add3A_1235 = arith.addi %mul3A_1177, %add3A_1234 : vector<16xi32>
        tpu.vector_store_idx %arg9[%div3A_1171, %add3A_1235], %gather3A_1232 : memref<128x416xf32, #tpu.memory_space<vmem>>[vector<16xi32>, vector<16xi32>], vector<16xf32>,
        %add3A_1236 = arith.constant 5 : i32
        %add3A_1237 = vector.broadcast %add3A_1236 : i32 to vector<16xi32>
        %add3A_1238 = arith.addi %get3A_1180, %add3A_1237 : vector<16xi32>
        %gather3A_1239 = arith.constant 0 : i32
        %gather3A_1240 = arith.constant 0 : i32
        %gather3A_1241 = tpu.memref_slice %arg8[%select_n3A_277, %gather3A_1239, %gather3A_1240] : memref<3x128x128xf32, #tpu.memory_space<vmem>> -> memref<1x128x128xf32, #tpu.memory_space<vmem>>
        %gather3A_1242 = tpu.memref_squeeze %gather3A_1241 : memref<1x128x128xf32, #tpu.memory_space<vmem>> -> memref<128x128xf32, #tpu.memory_space<vmem>>
        %gather3A_1243 = tpu.vector_load_idx %gather3A_1242[%add3A_1162, %add3A_1238] : memref<128x128xf32, #tpu.memory_space<vmem>>[vector<16xi32>, vector<16xi32>], vector<16xf32>,
        %add3A_1244 = arith.constant 5 : i32
        %add3A_1245 = vector.broadcast %add3A_1244 : i32 to vector<16xi32>
        %add3A_1246 = arith.addi %mul3A_1177, %add3A_1245 : vector<16xi32>
        tpu.vector_store_idx %arg9[%div3A_1171, %add3A_1246], %gather3A_1243 : memref<128x416xf32, #tpu.memory_space<vmem>>[vector<16xi32>, vector<16xi32>], vector<16xf32>,
        %add3A_1247 = arith.constant 6 : i32
        %add3A_1248 = vector.broadcast %add3A_1247 : i32 to vector<16xi32>
        %add3A_1249 = arith.addi %get3A_1180, %add3A_1248 : vector<16xi32>
        %gather3A_1250 = arith.constant 0 : i32
        %gather3A_1251 = arith.constant 0 : i32
        %gather3A_1252 = tpu.memref_slice %arg8[%select_n3A_277, %gather3A_1250, %gather3A_1251] : memref<3x128x128xf32, #tpu.memory_space<vmem>> -> memref<1x128x128xf32, #tpu.memory_space<vmem>>
        %gather3A_1253 = tpu.memref_squeeze %gather3A_1252 : memref<1x128x128xf32, #tpu.memory_space<vmem>> -> memref<128x128xf32, #tpu.memory_space<vmem>>
        %gather3A_1254 = tpu.vector_load_idx %gather3A_1253[%add3A_1162, %add3A_1249] : memref<128x128xf32, #tpu.memory_space<vmem>>[vector<16xi32>, vector<16xi32>], vector<16xf32>,
        %add3A_1255 = arith.constant 6 : i32
        %add3A_1256 = vector.broadcast %add3A_1255 : i32 to vector<16xi32>
        %add3A_1257 = arith.addi %mul3A_1177, %add3A_1256 : vector<16xi32>
        tpu.vector_store_idx %arg9[%div3A_1171, %add3A_1257], %gather3A_1254 : memref<128x416xf32, #tpu.memory_space<vmem>>[vector<16xi32>, vector<16xi32>], vector<16xf32>,
        %add3A_1258 = arith.constant 7 : i32
        %add3A_1259 = vector.broadcast %add3A_1258 : i32 to vector<16xi32>
        %add3A_1260 = arith.addi %get3A_1180, %add3A_1259 : vector<16xi32>
        %gather3A_1261 = arith.constant 0 : i32
        %gather3A_1262 = arith.constant 0 : i32
        %gather3A_1263 = tpu.memref_slice %arg8[%select_n3A_277, %gather3A_1261, %gather3A_1262] : memref<3x128x128xf32, #tpu.memory_space<vmem>> -> memref<1x128x128xf32, #tpu.memory_space<vmem>>
        %gather3A_1264 = tpu.memref_squeeze %gather3A_1263 : memref<1x128x128xf32, #tpu.memory_space<vmem>> -> memref<128x128xf32, #tpu.memory_space<vmem>>
        %gather3A_1265 = tpu.vector_load_idx %gather3A_1264[%add3A_1162, %add3A_1260] : memref<128x128xf32, #tpu.memory_space<vmem>>[vector<16xi32>, vector<16xi32>], vector<16xf32>,
        %add3A_1266 = arith.constant 7 : i32
        %add3A_1267 = vector.broadcast %add3A_1266 : i32 to vector<16xi32>
        %add3A_1268 = arith.addi %mul3A_1177, %add3A_1267 : vector<16xi32>
        tpu.vector_store_idx %arg9[%div3A_1171, %add3A_1268], %gather3A_1265 : memref<128x416xf32, #tpu.memory_space<vmem>>[vector<16xi32>, vector<16xi32>], vector<16xf32>,
        %add3A_1269 = arith.constant 8 : i32
        %add3A_1270 = vector.broadcast %add3A_1269 : i32 to vector<16xi32>
        %add3A_1271 = arith.addi %get3A_1180, %add3A_1270 : vector<16xi32>
        %gather3A_1272 = arith.constant 0 : i32
        %gather3A_1273 = arith.constant 0 : i32
        %gather3A_1274 = tpu.memref_slice %arg8[%select_n3A_277, %gather3A_1272, %gather3A_1273] : memref<3x128x128xf32, #tpu.memory_space<vmem>> -> memref<1x128x128xf32, #tpu.memory_space<vmem>>
        %gather3A_1275 = tpu.memref_squeeze %gather3A_1274 : memref<1x128x128xf32, #tpu.memory_space<vmem>> -> memref<128x128xf32, #tpu.memory_space<vmem>>
        %gather3A_1276 = tpu.vector_load_idx %gather3A_1275[%add3A_1162, %add3A_1271] : memref<128x128xf32, #tpu.memory_space<vmem>>[vector<16xi32>, vector<16xi32>], vector<16xf32>,
        %add3A_1277 = arith.constant 8 : i32
        %add3A_1278 = vector.broadcast %add3A_1277 : i32 to vector<16xi32>
        %add3A_1279 = arith.addi %mul3A_1177, %add3A_1278 : vector<16xi32>
        tpu.vector_store_idx %arg9[%div3A_1171, %add3A_1279], %gather3A_1276 : memref<128x416xf32, #tpu.memory_space<vmem>>[vector<16xi32>, vector<16xi32>], vector<16xf32>,
        %add3A_1280 = arith.constant 9 : i32
        %add3A_1281 = vector.broadcast %add3A_1280 : i32 to vector<16xi32>
        %add3A_1282 = arith.addi %get3A_1180, %add3A_1281 : vector<16xi32>
        %gather3A_1283 = arith.constant 0 : i32
        %gather3A_1284 = arith.constant 0 : i32
        %gather3A_1285 = tpu.memref_slice %arg8[%select_n3A_277, %gather3A_1283, %gather3A_1284] : memref<3x128x128xf32, #tpu.memory_space<vmem>> -> memref<1x128x128xf32, #tpu.memory_space<vmem>>
        %gather3A_1286 = tpu.memref_squeeze %gather3A_1285 : memref<1x128x128xf32, #tpu.memory_space<vmem>> -> memref<128x128xf32, #tpu.memory_space<vmem>>
        %gather3A_1287 = tpu.vector_load_idx %gather3A_1286[%add3A_1162, %add3A_1282] : memref<128x128xf32, #tpu.memory_space<vmem>>[vector<16xi32>, vector<16xi32>], vector<16xf32>,
        %add3A_1288 = arith.constant 9 : i32
        %add3A_1289 = vector.broadcast %add3A_1288 : i32 to vector<16xi32>
        %add3A_1290 = arith.addi %mul3A_1177, %add3A_1289 : vector<16xi32>
        tpu.vector_store_idx %arg9[%div3A_1171, %add3A_1290], %gather3A_1287 : memref<128x416xf32, #tpu.memory_space<vmem>>[vector<16xi32>, vector<16xi32>], vector<16xf32>,
        %add3A_1291 = arith.constant 10 : i32
        %add3A_1292 = vector.broadcast %add3A_1291 : i32 to vector<16xi32>
        %add3A_1293 = arith.addi %get3A_1180, %add3A_1292 : vector<16xi32>
        %gather3A_1294 = arith.constant 0 : i32
        %gather3A_1295 = arith.constant 0 : i32
        %gather3A_1296 = tpu.memref_slice %arg8[%select_n3A_277, %gather3A_1294, %gather3A_1295] : memref<3x128x128xf32, #tpu.memory_space<vmem>> -> memref<1x128x128xf32, #tpu.memory_space<vmem>>
        %gather3A_1297 = tpu.memref_squeeze %gather3A_1296 : memref<1x128x128xf32, #tpu.memory_space<vmem>> -> memref<128x128xf32, #tpu.memory_space<vmem>>
        %gather3A_1298 = tpu.vector_load_idx %gather3A_1297[%add3A_1162, %add3A_1293] : memref<128x128xf32, #tpu.memory_space<vmem>>[vector<16xi32>, vector<16xi32>], vector<16xf32>,
        %add3A_1299 = arith.constant 10 : i32
        %add3A_1300 = vector.broadcast %add3A_1299 : i32 to vector<16xi32>
        %add3A_1301 = arith.addi %mul3A_1177, %add3A_1300 : vector<16xi32>
        tpu.vector_store_idx %arg9[%div3A_1171, %add3A_1301], %gather3A_1298 : memref<128x416xf32, #tpu.memory_space<vmem>>[vector<16xi32>, vector<16xi32>], vector<16xf32>,
        %add3A_1302 = arith.constant 11 : i32
        %add3A_1303 = vector.broadcast %add3A_1302 : i32 to vector<16xi32>
        %add3A_1304 = arith.addi %get3A_1180, %add3A_1303 : vector<16xi32>
        %gather3A_1305 = arith.constant 0 : i32
        %gather3A_1306 = arith.constant 0 : i32
        %gather3A_1307 = tpu.memref_slice %arg8[%select_n3A_277, %gather3A_1305, %gather3A_1306] : memref<3x128x128xf32, #tpu.memory_space<vmem>> -> memref<1x128x128xf32, #tpu.memory_space<vmem>>
        %gather3A_1308 = tpu.memref_squeeze %gather3A_1307 : memref<1x128x128xf32, #tpu.memory_space<vmem>> -> memref<128x128xf32, #tpu.memory_space<vmem>>
        %gather3A_1309 = tpu.vector_load_idx %gather3A_1308[%add3A_1162, %add3A_1304] : memref<128x128xf32, #tpu.memory_space<vmem>>[vector<16xi32>, vector<16xi32>], vector<16xf32>,
        %add3A_1310 = arith.constant 11 : i32
        %add3A_1311 = vector.broadcast %add3A_1310 : i32 to vector<16xi32>
        %add3A_1312 = arith.addi %mul3A_1177, %add3A_1311 : vector<16xi32>
        tpu.vector_store_idx %arg9[%div3A_1171, %add3A_1312], %gather3A_1309 : memref<128x416xf32, #tpu.memory_space<vmem>>[vector<16xi32>, vector<16xi32>], vector<16xf32>,
        %add3A_1313 = arith.constant 12 : i32
        %add3A_1314 = vector.broadcast %add3A_1313 : i32 to vector<16xi32>
        %add3A_1315 = arith.addi %get3A_1180, %add3A_1314 : vector<16xi32>
        %gather3A_1316 = arith.constant 0 : i32
        %gather3A_1317 = arith.constant 0 : i32
        %gather3A_1318 = tpu.memref_slice %arg8[%select_n3A_277, %gather3A_1316, %gather3A_1317] : memref<3x128x128xf32, #tpu.memory_space<vmem>> -> memref<1x128x128xf32, #tpu.memory_space<vmem>>
        %gather3A_1319 = tpu.memref_squeeze %gather3A_1318 : memref<1x128x128xf32, #tpu.memory_space<vmem>> -> memref<128x128xf32, #tpu.memory_space<vmem>>
        %gather3A_1320 = tpu.vector_load_idx %gather3A_1319[%add3A_1162, %add3A_1315] : memref<128x128xf32, #tpu.memory_space<vmem>>[vector<16xi32>, vector<16xi32>], vector<16xf32>,
        %add3A_1321 = arith.constant 12 : i32
        %add3A_1322 = vector.broadcast %add3A_1321 : i32 to vector<16xi32>
        %add3A_1323 = arith.addi %mul3A_1177, %add3A_1322 : vector<16xi32>
        tpu.vector_store_idx %arg9[%div3A_1171, %add3A_1323], %gather3A_1320 : memref<128x416xf32, #tpu.memory_space<vmem>>[vector<16xi32>, vector<16xi32>], vector<16xf32>,
        %add3A_1324 = arith.constant 13 : i32
        %add3A_1325 = vector.broadcast %add3A_1324 : i32 to vector<16xi32>
        %add3A_1326 = arith.addi %get3A_1180, %add3A_1325 : vector<16xi32>
        %gather3A_1327 = arith.constant 0 : i32
        %gather3A_1328 = arith.constant 0 : i32
        %gather3A_1329 = tpu.memref_slice %arg8[%select_n3A_277, %gather3A_1327, %gather3A_1328] : memref<3x128x128xf32, #tpu.memory_space<vmem>> -> memref<1x128x128xf32, #tpu.memory_space<vmem>>
        %gather3A_1330 = tpu.memref_squeeze %gather3A_1329 : memref<1x128x128xf32, #tpu.memory_space<vmem>> -> memref<128x128xf32, #tpu.memory_space<vmem>>
        %gather3A_1331 = tpu.vector_load_idx %gather3A_1330[%add3A_1162, %add3A_1326] : memref<128x128xf32, #tpu.memory_space<vmem>>[vector<16xi32>, vector<16xi32>], vector<16xf32>,
        %add3A_1332 = arith.constant 13 : i32
        %add3A_1333 = vector.broadcast %add3A_1332 : i32 to vector<16xi32>
        %add3A_1334 = arith.addi %mul3A_1177, %add3A_1333 : vector<16xi32>
        tpu.vector_store_idx %arg9[%div3A_1171, %add3A_1334], %gather3A_1331 : memref<128x416xf32, #tpu.memory_space<vmem>>[vector<16xi32>, vector<16xi32>], vector<16xf32>,
        %add3A_1335 = arith.constant 14 : i32
        %add3A_1336 = vector.broadcast %add3A_1335 : i32 to vector<16xi32>
        %add3A_1337 = arith.addi %get3A_1180, %add3A_1336 : vector<16xi32>
        %gather3A_1338 = arith.constant 0 : i32
        %gather3A_1339 = arith.constant 0 : i32
        %gather3A_1340 = tpu.memref_slice %arg8[%select_n3A_277, %gather3A_1338, %gather3A_1339] : memref<3x128x128xf32, #tpu.memory_space<vmem>> -> memref<1x128x128xf32, #tpu.memory_space<vmem>>
        %gather3A_1341 = tpu.memref_squeeze %gather3A_1340 : memref<1x128x128xf32, #tpu.memory_space<vmem>> -> memref<128x128xf32, #tpu.memory_space<vmem>>
        %gather3A_1342 = tpu.vector_load_idx %gather3A_1341[%add3A_1162, %add3A_1337] : memref<128x128xf32, #tpu.memory_space<vmem>>[vector<16xi32>, vector<16xi32>], vector<16xf32>,
        %add3A_1343 = arith.constant 14 : i32
        %add3A_1344 = vector.broadcast %add3A_1343 : i32 to vector<16xi32>
        %add3A_1345 = arith.addi %mul3A_1177, %add3A_1344 : vector<16xi32>
        tpu.vector_store_idx %arg9[%div3A_1171, %add3A_1345], %gather3A_1342 : memref<128x416xf32, #tpu.memory_space<vmem>>[vector<16xi32>, vector<16xi32>], vector<16xf32>,
        %add3A_1346 = arith.constant 15 : i32
        %add3A_1347 = vector.broadcast %add3A_1346 : i32 to vector<16xi32>
        %add3A_1348 = arith.addi %get3A_1180, %add3A_1347 : vector<16xi32>
        %gather3A_1349 = arith.constant 0 : i32
        %gather3A_1350 = arith.constant 0 : i32
        %gather3A_1351 = tpu.memref_slice %arg8[%select_n3A_277, %gather3A_1349, %gather3A_1350] : memref<3x128x128xf32, #tpu.memory_space<vmem>> -> memref<1x128x128xf32, #tpu.memory_space<vmem>>
        %gather3A_1352 = tpu.memref_squeeze %gather3A_1351 : memref<1x128x128xf32, #tpu.memory_space<vmem>> -> memref<128x128xf32, #tpu.memory_space<vmem>>
        %gather3A_1353 = tpu.vector_load_idx %gather3A_1352[%add3A_1162, %add3A_1348] : memref<128x128xf32, #tpu.memory_space<vmem>>[vector<16xi32>, vector<16xi32>], vector<16xf32>,
        %add3A_1354 = arith.constant 15 : i32
        %add3A_1355 = vector.broadcast %add3A_1354 : i32 to vector<16xi32>
        %add3A_1356 = arith.addi %mul3A_1177, %add3A_1355 : vector<16xi32>
        tpu.vector_store_idx %arg9[%div3A_1171, %add3A_1356], %gather3A_1353 : memref<128x416xf32, #tpu.memory_space<vmem>>[vector<16xi32>, vector<16xi32>], vector<16xf32>,
        %add3A_1357 = arith.constant 80 : i32
        %add3A_1358 = vector.broadcast %add3A_1357 : i32 to vector<16xi32>
        %add3A_1359 = arith.addi %add3A_1358, %iota3A : vector<16xi32>
        %mul3A_1360 = arith.constant 128 : i32
        %mul3A_1361 = arith.muli %scan3A_263, %mul3A_1360 : i32
        %add3A_1362 = arith.constant 80 : i32
        %add3A_1363 = arith.addi %mul3A_1361, %add3A_1362 : i32
        %add3A_1364 = vector.broadcast %add3A_1363 : i32 to vector<16xi32>
        %add3A_1365 = arith.addi %add3A_1364, %iota3A : vector<16xi32>
        %div3A_1366 = arith.constant 26 : i32
        %div3A_1367 = vector.broadcast %div3A_1366 : i32 to vector<16xi32>
        %div3A_1368 = arith.divsi %add3A_1365, %div3A_1367 : vector<16xi32>
        %rem3A_1369 = arith.constant 26 : i32
        %rem3A_1370 = vector.broadcast %rem3A_1369 : i32 to vector<16xi32>
        %rem3A_1371 = arith.remsi %add3A_1365, %rem3A_1370 : vector<16xi32>
        %mul3A_1372 = arith.constant 16 : i32
        %mul3A_1373 = vector.broadcast %mul3A_1372 : i32 to vector<16xi32>
        %mul3A_1374 = arith.muli %rem3A_1371, %mul3A_1373 : vector<16xi32>
        %get3A_1375 = arith.index_cast %scan3A_263 : i32 to index
        %get3A_1376 = arith.constant 80 : index
        %get3A_1377 = tpu.vector_load %arg7[%get3A_1375, %get3A_1376] {strides = array<i32>} : memref<26x128xi32, #tpu.memory_space<vmem>>, vector<16xi32>,
        %add3A_1378 = arith.constant 0 : i32
        %add3A_1379 = vector.broadcast %add3A_1378 : i32 to vector<16xi32>
        %add3A_1380 = arith.addi %get3A_1377, %add3A_1379 : vector<16xi32>
        %gather3A_1381 = arith.constant 0 : i32
        %gather3A_1382 = arith.constant 0 : i32
        %gather3A_1383 = tpu.memref_slice %arg8[%select_n3A_277, %gather3A_1381, %gather3A_1382] : memref<3x128x128xf32, #tpu.memory_space<vmem>> -> memref<1x128x128xf32, #tpu.memory_space<vmem>>
        %gather3A_1384 = tpu.memref_squeeze %gather3A_1383 : memref<1x128x128xf32, #tpu.memory_space<vmem>> -> memref<128x128xf32, #tpu.memory_space<vmem>>
        %gather3A_1385 = tpu.vector_load_idx %gather3A_1384[%add3A_1359, %add3A_1380] : memref<128x128xf32, #tpu.memory_space<vmem>>[vector<16xi32>, vector<16xi32>], vector<16xf32>,
        %add3A_1386 = arith.constant 0 : i32
        %add3A_1387 = vector.broadcast %add3A_1386 : i32 to vector<16xi32>
        %add3A_1388 = arith.addi %mul3A_1374, %add3A_1387 : vector<16xi32>
        tpu.vector_store_idx %arg9[%div3A_1368, %add3A_1388], %gather3A_1385 : memref<128x416xf32, #tpu.memory_space<vmem>>[vector<16xi32>, vector<16xi32>], vector<16xf32>,
        %add3A_1389 = arith.constant 1 : i32
        %add3A_1390 = vector.broadcast %add3A_1389 : i32 to vector<16xi32>
        %add3A_1391 = arith.addi %get3A_1377, %add3A_1390 : vector<16xi32>
        %gather3A_1392 = arith.constant 0 : i32
        %gather3A_1393 = arith.constant 0 : i32
        %gather3A_1394 = tpu.memref_slice %arg8[%select_n3A_277, %gather3A_1392, %gather3A_1393] : memref<3x128x128xf32, #tpu.memory_space<vmem>> -> memref<1x128x128xf32, #tpu.memory_space<vmem>>
        %gather3A_1395 = tpu.memref_squeeze %gather3A_1394 : memref<1x128x128xf32, #tpu.memory_space<vmem>> -> memref<128x128xf32, #tpu.memory_space<vmem>>
        %gather3A_1396 = tpu.vector_load_idx %gather3A_1395[%add3A_1359, %add3A_1391] : memref<128x128xf32, #tpu.memory_space<vmem>>[vector<16xi32>, vector<16xi32>], vector<16xf32>,
        %add3A_1397 = arith.constant 1 : i32
        %add3A_1398 = vector.broadcast %add3A_1397 : i32 to vector<16xi32>
        %add3A_1399 = arith.addi %mul3A_1374, %add3A_1398 : vector<16xi32>
        tpu.vector_store_idx %arg9[%div3A_1368, %add3A_1399], %gather3A_1396 : memref<128x416xf32, #tpu.memory_space<vmem>>[vector<16xi32>, vector<16xi32>], vector<16xf32>,
        %add3A_1400 = arith.constant 2 : i32
        %add3A_1401 = vector.broadcast %add3A_1400 : i32 to vector<16xi32>
        %add3A_1402 = arith.addi %get3A_1377, %add3A_1401 : vector<16xi32>
        %gather3A_1403 = arith.constant 0 : i32
        %gather3A_1404 = arith.constant 0 : i32
        %gather3A_1405 = tpu.memref_slice %arg8[%select_n3A_277, %gather3A_1403, %gather3A_1404] : memref<3x128x128xf32, #tpu.memory_space<vmem>> -> memref<1x128x128xf32, #tpu.memory_space<vmem>>
        %gather3A_1406 = tpu.memref_squeeze %gather3A_1405 : memref<1x128x128xf32, #tpu.memory_space<vmem>> -> memref<128x128xf32, #tpu.memory_space<vmem>>
        %gather3A_1407 = tpu.vector_load_idx %gather3A_1406[%add3A_1359, %add3A_1402] : memref<128x128xf32, #tpu.memory_space<vmem>>[vector<16xi32>, vector<16xi32>], vector<16xf32>,
        %add3A_1408 = arith.constant 2 : i32
        %add3A_1409 = vector.broadcast %add3A_1408 : i32 to vector<16xi32>
        %add3A_1410 = arith.addi %mul3A_1374, %add3A_1409 : vector<16xi32>
        tpu.vector_store_idx %arg9[%div3A_1368, %add3A_1410], %gather3A_1407 : memref<128x416xf32, #tpu.memory_space<vmem>>[vector<16xi32>, vector<16xi32>], vector<16xf32>,
        %add3A_1411 = arith.constant 3 : i32
        %add3A_1412 = vector.broadcast %add3A_1411 : i32 to vector<16xi32>
        %add3A_1413 = arith.addi %get3A_1377, %add3A_1412 : vector<16xi32>
        %gather3A_1414 = arith.constant 0 : i32
        %gather3A_1415 = arith.constant 0 : i32
        %gather3A_1416 = tpu.memref_slice %arg8[%select_n3A_277, %gather3A_1414, %gather3A_1415] : memref<3x128x128xf32, #tpu.memory_space<vmem>> -> memref<1x128x128xf32, #tpu.memory_space<vmem>>
        %gather3A_1417 = tpu.memref_squeeze %gather3A_1416 : memref<1x128x128xf32, #tpu.memory_space<vmem>> -> memref<128x128xf32, #tpu.memory_space<vmem>>
        %gather3A_1418 = tpu.vector_load_idx %gather3A_1417[%add3A_1359, %add3A_1413] : memref<128x128xf32, #tpu.memory_space<vmem>>[vector<16xi32>, vector<16xi32>], vector<16xf32>,
        %add3A_1419 = arith.constant 3 : i32
        %add3A_1420 = vector.broadcast %add3A_1419 : i32 to vector<16xi32>
        %add3A_1421 = arith.addi %mul3A_1374, %add3A_1420 : vector<16xi32>
        tpu.vector_store_idx %arg9[%div3A_1368, %add3A_1421], %gather3A_1418 : memref<128x416xf32, #tpu.memory_space<vmem>>[vector<16xi32>, vector<16xi32>], vector<16xf32>,
        %add3A_1422 = arith.constant 4 : i32
        %add3A_1423 = vector.broadcast %add3A_1422 : i32 to vector<16xi32>
        %add3A_1424 = arith.addi %get3A_1377, %add3A_1423 : vector<16xi32>
        %gather3A_1425 = arith.constant 0 : i32
        %gather3A_1426 = arith.constant 0 : i32
        %gather3A_1427 = tpu.memref_slice %arg8[%select_n3A_277, %gather3A_1425, %gather3A_1426] : memref<3x128x128xf32, #tpu.memory_space<vmem>> -> memref<1x128x128xf32, #tpu.memory_space<vmem>>
        %gather3A_1428 = tpu.memref_squeeze %gather3A_1427 : memref<1x128x128xf32, #tpu.memory_space<vmem>> -> memref<128x128xf32, #tpu.memory_space<vmem>>
        %gather3A_1429 = tpu.vector_load_idx %gather3A_1428[%add3A_1359, %add3A_1424] : memref<128x128xf32, #tpu.memory_space<vmem>>[vector<16xi32>, vector<16xi32>], vector<16xf32>,
        %add3A_1430 = arith.constant 4 : i32
        %add3A_1431 = vector.broadcast %add3A_1430 : i32 to vector<16xi32>
        %add3A_1432 = arith.addi %mul3A_1374, %add3A_1431 : vector<16xi32>
        tpu.vector_store_idx %arg9[%div3A_1368, %add3A_1432], %gather3A_1429 : memref<128x416xf32, #tpu.memory_space<vmem>>[vector<16xi32>, vector<16xi32>], vector<16xf32>,
        %add3A_1433 = arith.constant 5 : i32
        %add3A_1434 = vector.broadcast %add3A_1433 : i32 to vector<16xi32>
        %add3A_1435 = arith.addi %get3A_1377, %add3A_1434 : vector<16xi32>
        %gather3A_1436 = arith.constant 0 : i32
        %gather3A_1437 = arith.constant 0 : i32
        %gather3A_1438 = tpu.memref_slice %arg8[%select_n3A_277, %gather3A_1436, %gather3A_1437] : memref<3x128x128xf32, #tpu.memory_space<vmem>> -> memref<1x128x128xf32, #tpu.memory_space<vmem>>
        %gather3A_1439 = tpu.memref_squeeze %gather3A_1438 : memref<1x128x128xf32, #tpu.memory_space<vmem>> -> memref<128x128xf32, #tpu.memory_space<vmem>>
        %gather3A_1440 = tpu.vector_load_idx %gather3A_1439[%add3A_1359, %add3A_1435] : memref<128x128xf32, #tpu.memory_space<vmem>>[vector<16xi32>, vector<16xi32>], vector<16xf32>,
        %add3A_1441 = arith.constant 5 : i32
        %add3A_1442 = vector.broadcast %add3A_1441 : i32 to vector<16xi32>
        %add3A_1443 = arith.addi %mul3A_1374, %add3A_1442 : vector<16xi32>
        tpu.vector_store_idx %arg9[%div3A_1368, %add3A_1443], %gather3A_1440 : memref<128x416xf32, #tpu.memory_space<vmem>>[vector<16xi32>, vector<16xi32>], vector<16xf32>,
        %add3A_1444 = arith.constant 6 : i32
        %add3A_1445 = vector.broadcast %add3A_1444 : i32 to vector<16xi32>
        %add3A_1446 = arith.addi %get3A_1377, %add3A_1445 : vector<16xi32>
        %gather3A_1447 = arith.constant 0 : i32
        %gather3A_1448 = arith.constant 0 : i32
        %gather3A_1449 = tpu.memref_slice %arg8[%select_n3A_277, %gather3A_1447, %gather3A_1448] : memref<3x128x128xf32, #tpu.memory_space<vmem>> -> memref<1x128x128xf32, #tpu.memory_space<vmem>>
        %gather3A_1450 = tpu.memref_squeeze %gather3A_1449 : memref<1x128x128xf32, #tpu.memory_space<vmem>> -> memref<128x128xf32, #tpu.memory_space<vmem>>
        %gather3A_1451 = tpu.vector_load_idx %gather3A_1450[%add3A_1359, %add3A_1446] : memref<128x128xf32, #tpu.memory_space<vmem>>[vector<16xi32>, vector<16xi32>], vector<16xf32>,
        %add3A_1452 = arith.constant 6 : i32
        %add3A_1453 = vector.broadcast %add3A_1452 : i32 to vector<16xi32>
        %add3A_1454 = arith.addi %mul3A_1374, %add3A_1453 : vector<16xi32>
        tpu.vector_store_idx %arg9[%div3A_1368, %add3A_1454], %gather3A_1451 : memref<128x416xf32, #tpu.memory_space<vmem>>[vector<16xi32>, vector<16xi32>], vector<16xf32>,
        %add3A_1455 = arith.constant 7 : i32
        %add3A_1456 = vector.broadcast %add3A_1455 : i32 to vector<16xi32>
        %add3A_1457 = arith.addi %get3A_1377, %add3A_1456 : vector<16xi32>
        %gather3A_1458 = arith.constant 0 : i32
        %gather3A_1459 = arith.constant 0 : i32
        %gather3A_1460 = tpu.memref_slice %arg8[%select_n3A_277, %gather3A_1458, %gather3A_1459] : memref<3x128x128xf32, #tpu.memory_space<vmem>> -> memref<1x128x128xf32, #tpu.memory_space<vmem>>
        %gather3A_1461 = tpu.memref_squeeze %gather3A_1460 : memref<1x128x128xf32, #tpu.memory_space<vmem>> -> memref<128x128xf32, #tpu.memory_space<vmem>>
        %gather3A_1462 = tpu.vector_load_idx %gather3A_1461[%add3A_1359, %add3A_1457] : memref<128x128xf32, #tpu.memory_space<vmem>>[vector<16xi32>, vector<16xi32>], vector<16xf32>,
        %add3A_1463 = arith.constant 7 : i32
        %add3A_1464 = vector.broadcast %add3A_1463 : i32 to vector<16xi32>
        %add3A_1465 = arith.addi %mul3A_1374, %add3A_1464 : vector<16xi32>
        tpu.vector_store_idx %arg9[%div3A_1368, %add3A_1465], %gather3A_1462 : memref<128x416xf32, #tpu.memory_space<vmem>>[vector<16xi32>, vector<16xi32>], vector<16xf32>,
        %add3A_1466 = arith.constant 8 : i32
        %add3A_1467 = vector.broadcast %add3A_1466 : i32 to vector<16xi32>
        %add3A_1468 = arith.addi %get3A_1377, %add3A_1467 : vector<16xi32>
        %gather3A_1469 = arith.constant 0 : i32
        %gather3A_1470 = arith.constant 0 : i32
        %gather3A_1471 = tpu.memref_slice %arg8[%select_n3A_277, %gather3A_1469, %gather3A_1470] : memref<3x128x128xf32, #tpu.memory_space<vmem>> -> memref<1x128x128xf32, #tpu.memory_space<vmem>>
        %gather3A_1472 = tpu.memref_squeeze %gather3A_1471 : memref<1x128x128xf32, #tpu.memory_space<vmem>> -> memref<128x128xf32, #tpu.memory_space<vmem>>
        %gather3A_1473 = tpu.vector_load_idx %gather3A_1472[%add3A_1359, %add3A_1468] : memref<128x128xf32, #tpu.memory_space<vmem>>[vector<16xi32>, vector<16xi32>], vector<16xf32>,
        %add3A_1474 = arith.constant 8 : i32
        %add3A_1475 = vector.broadcast %add3A_1474 : i32 to vector<16xi32>
        %add3A_1476 = arith.addi %mul3A_1374, %add3A_1475 : vector<16xi32>
        tpu.vector_store_idx %arg9[%div3A_1368, %add3A_1476], %gather3A_1473 : memref<128x416xf32, #tpu.memory_space<vmem>>[vector<16xi32>, vector<16xi32>], vector<16xf32>,
        %add3A_1477 = arith.constant 9 : i32
        %add3A_1478 = vector.broadcast %add3A_1477 : i32 to vector<16xi32>
        %add3A_1479 = arith.addi %get3A_1377, %add3A_1478 : vector<16xi32>
        %gather3A_1480 = arith.constant 0 : i32
        %gather3A_1481 = arith.constant 0 : i32
        %gather3A_1482 = tpu.memref_slice %arg8[%select_n3A_277, %gather3A_1480, %gather3A_1481] : memref<3x128x128xf32, #tpu.memory_space<vmem>> -> memref<1x128x128xf32, #tpu.memory_space<vmem>>
        %gather3A_1483 = tpu.memref_squeeze %gather3A_1482 : memref<1x128x128xf32, #tpu.memory_space<vmem>> -> memref<128x128xf32, #tpu.memory_space<vmem>>
        %gather3A_1484 = tpu.vector_load_idx %gather3A_1483[%add3A_1359, %add3A_1479] : memref<128x128xf32, #tpu.memory_space<vmem>>[vector<16xi32>, vector<16xi32>], vector<16xf32>,
        %add3A_1485 = arith.constant 9 : i32
        %add3A_1486 = vector.broadcast %add3A_1485 : i32 to vector<16xi32>
        %add3A_1487 = arith.addi %mul3A_1374, %add3A_1486 : vector<16xi32>
        tpu.vector_store_idx %arg9[%div3A_1368, %add3A_1487], %gather3A_1484 : memref<128x416xf32, #tpu.memory_space<vmem>>[vector<16xi32>, vector<16xi32>], vector<16xf32>,
        %add3A_1488 = arith.constant 10 : i32
        %add3A_1489 = vector.broadcast %add3A_1488 : i32 to vector<16xi32>
        %add3A_1490 = arith.addi %get3A_1377, %add3A_1489 : vector<16xi32>
        %gather3A_1491 = arith.constant 0 : i32
        %gather3A_1492 = arith.constant 0 : i32
        %gather3A_1493 = tpu.memref_slice %arg8[%select_n3A_277, %gather3A_1491, %gather3A_1492] : memref<3x128x128xf32, #tpu.memory_space<vmem>> -> memref<1x128x128xf32, #tpu.memory_space<vmem>>
        %gather3A_1494 = tpu.memref_squeeze %gather3A_1493 : memref<1x128x128xf32, #tpu.memory_space<vmem>> -> memref<128x128xf32, #tpu.memory_space<vmem>>
        %gather3A_1495 = tpu.vector_load_idx %gather3A_1494[%add3A_1359, %add3A_1490] : memref<128x128xf32, #tpu.memory_space<vmem>>[vector<16xi32>, vector<16xi32>], vector<16xf32>,
        %add3A_1496 = arith.constant 10 : i32
        %add3A_1497 = vector.broadcast %add3A_1496 : i32 to vector<16xi32>
        %add3A_1498 = arith.addi %mul3A_1374, %add3A_1497 : vector<16xi32>
        tpu.vector_store_idx %arg9[%div3A_1368, %add3A_1498], %gather3A_1495 : memref<128x416xf32, #tpu.memory_space<vmem>>[vector<16xi32>, vector<16xi32>], vector<16xf32>,
        %add3A_1499 = arith.constant 11 : i32
        %add3A_1500 = vector.broadcast %add3A_1499 : i32 to vector<16xi32>
        %add3A_1501 = arith.addi %get3A_1377, %add3A_1500 : vector<16xi32>
        %gather3A_1502 = arith.constant 0 : i32
        %gather3A_1503 = arith.constant 0 : i32
        %gather3A_1504 = tpu.memref_slice %arg8[%select_n3A_277, %gather3A_1502, %gather3A_1503] : memref<3x128x128xf32, #tpu.memory_space<vmem>> -> memref<1x128x128xf32, #tpu.memory_space<vmem>>
        %gather3A_1505 = tpu.memref_squeeze %gather3A_1504 : memref<1x128x128xf32, #tpu.memory_space<vmem>> -> memref<128x128xf32, #tpu.memory_space<vmem>>
        %gather3A_1506 = tpu.vector_load_idx %gather3A_1505[%add3A_1359, %add3A_1501] : memref<128x128xf32, #tpu.memory_space<vmem>>[vector<16xi32>, vector<16xi32>], vector<16xf32>,
        %add3A_1507 = arith.constant 11 : i32
        %add3A_1508 = vector.broadcast %add3A_1507 : i32 to vector<16xi32>
        %add3A_1509 = arith.addi %mul3A_1374, %add3A_1508 : vector<16xi32>
        tpu.vector_store_idx %arg9[%div3A_1368, %add3A_1509], %gather3A_1506 : memref<128x416xf32, #tpu.memory_space<vmem>>[vector<16xi32>, vector<16xi32>], vector<16xf32>,
        %add3A_1510 = arith.constant 12 : i32
        %add3A_1511 = vector.broadcast %add3A_1510 : i32 to vector<16xi32>
        %add3A_1512 = arith.addi %get3A_1377, %add3A_1511 : vector<16xi32>
        %gather3A_1513 = arith.constant 0 : i32
        %gather3A_1514 = arith.constant 0 : i32
        %gather3A_1515 = tpu.memref_slice %arg8[%select_n3A_277, %gather3A_1513, %gather3A_1514] : memref<3x128x128xf32, #tpu.memory_space<vmem>> -> memref<1x128x128xf32, #tpu.memory_space<vmem>>
        %gather3A_1516 = tpu.memref_squeeze %gather3A_1515 : memref<1x128x128xf32, #tpu.memory_space<vmem>> -> memref<128x128xf32, #tpu.memory_space<vmem>>
        %gather3A_1517 = tpu.vector_load_idx %gather3A_1516[%add3A_1359, %add3A_1512] : memref<128x128xf32, #tpu.memory_space<vmem>>[vector<16xi32>, vector<16xi32>], vector<16xf32>,
        %add3A_1518 = arith.constant 12 : i32
        %add3A_1519 = vector.broadcast %add3A_1518 : i32 to vector<16xi32>
        %add3A_1520 = arith.addi %mul3A_1374, %add3A_1519 : vector<16xi32>
        tpu.vector_store_idx %arg9[%div3A_1368, %add3A_1520], %gather3A_1517 : memref<128x416xf32, #tpu.memory_space<vmem>>[vector<16xi32>, vector<16xi32>], vector<16xf32>,
        %add3A_1521 = arith.constant 13 : i32
        %add3A_1522 = vector.broadcast %add3A_1521 : i32 to vector<16xi32>
        %add3A_1523 = arith.addi %get3A_1377, %add3A_1522 : vector<16xi32>
        %gather3A_1524 = arith.constant 0 : i32
        %gather3A_1525 = arith.constant 0 : i32
        %gather3A_1526 = tpu.memref_slice %arg8[%select_n3A_277, %gather3A_1524, %gather3A_1525] : memref<3x128x128xf32, #tpu.memory_space<vmem>> -> memref<1x128x128xf32, #tpu.memory_space<vmem>>
        %gather3A_1527 = tpu.memref_squeeze %gather3A_1526 : memref<1x128x128xf32, #tpu.memory_space<vmem>> -> memref<128x128xf32, #tpu.memory_space<vmem>>
        %gather3A_1528 = tpu.vector_load_idx %gather3A_1527[%add3A_1359, %add3A_1523] : memref<128x128xf32, #tpu.memory_space<vmem>>[vector<16xi32>, vector<16xi32>], vector<16xf32>,
        %add3A_1529 = arith.constant 13 : i32
        %add3A_1530 = vector.broadcast %add3A_1529 : i32 to vector<16xi32>
        %add3A_1531 = arith.addi %mul3A_1374, %add3A_1530 : vector<16xi32>
        tpu.vector_store_idx %arg9[%div3A_1368, %add3A_1531], %gather3A_1528 : memref<128x416xf32, #tpu.memory_space<vmem>>[vector<16xi32>, vector<16xi32>], vector<16xf32>,
        %add3A_1532 = arith.constant 14 : i32
        %add3A_1533 = vector.broadcast %add3A_1532 : i32 to vector<16xi32>
        %add3A_1534 = arith.addi %get3A_1377, %add3A_1533 : vector<16xi32>
        %gather3A_1535 = arith.constant 0 : i32
        %gather3A_1536 = arith.constant 0 : i32
        %gather3A_1537 = tpu.memref_slice %arg8[%select_n3A_277, %gather3A_1535, %gather3A_1536] : memref<3x128x128xf32, #tpu.memory_space<vmem>> -> memref<1x128x128xf32, #tpu.memory_space<vmem>>
        %gather3A_1538 = tpu.memref_squeeze %gather3A_1537 : memref<1x128x128xf32, #tpu.memory_space<vmem>> -> memref<128x128xf32, #tpu.memory_space<vmem>>
        %gather3A_1539 = tpu.vector_load_idx %gather3A_1538[%add3A_1359, %add3A_1534] : memref<128x128xf32, #tpu.memory_space<vmem>>[vector<16xi32>, vector<16xi32>], vector<16xf32>,
        %add3A_1540 = arith.constant 14 : i32
        %add3A_1541 = vector.broadcast %add3A_1540 : i32 to vector<16xi32>
        %add3A_1542 = arith.addi %mul3A_1374, %add3A_1541 : vector<16xi32>
        tpu.vector_store_idx %arg9[%div3A_1368, %add3A_1542], %gather3A_1539 : memref<128x416xf32, #tpu.memory_space<vmem>>[vector<16xi32>, vector<16xi32>], vector<16xf32>,
        %add3A_1543 = arith.constant 15 : i32
        %add3A_1544 = vector.broadcast %add3A_1543 : i32 to vector<16xi32>
        %add3A_1545 = arith.addi %get3A_1377, %add3A_1544 : vector<16xi32>
        %gather3A_1546 = arith.constant 0 : i32
        %gather3A_1547 = arith.constant 0 : i32
        %gather3A_1548 = tpu.memref_slice %arg8[%select_n3A_277, %gather3A_1546, %gather3A_1547] : memref<3x128x128xf32, #tpu.memory_space<vmem>> -> memref<1x128x128xf32, #tpu.memory_space<vmem>>
        %gather3A_1549 = tpu.memref_squeeze %gather3A_1548 : memref<1x128x128xf32, #tpu.memory_space<vmem>> -> memref<128x128xf32, #tpu.memory_space<vmem>>
        %gather3A_1550 = tpu.vector_load_idx %gather3A_1549[%add3A_1359, %add3A_1545] : memref<128x128xf32, #tpu.memory_space<vmem>>[vector<16xi32>, vector<16xi32>], vector<16xf32>,
        %add3A_1551 = arith.constant 15 : i32
        %add3A_1552 = vector.broadcast %add3A_1551 : i32 to vector<16xi32>
        %add3A_1553 = arith.addi %mul3A_1374, %add3A_1552 : vector<16xi32>
        tpu.vector_store_idx %arg9[%div3A_1368, %add3A_1553], %gather3A_1550 : memref<128x416xf32, #tpu.memory_space<vmem>>[vector<16xi32>, vector<16xi32>], vector<16xf32>,
        %add3A_1554 = arith.constant 96 : i32
        %add3A_1555 = vector.broadcast %add3A_1554 : i32 to vector<16xi32>
        %add3A_1556 = arith.addi %add3A_1555, %iota3A : vector<16xi32>
        %mul3A_1557 = arith.constant 128 : i32
        %mul3A_1558 = arith.muli %scan3A_263, %mul3A_1557 : i32
        %add3A_1559 = arith.constant 96 : i32
        %add3A_1560 = arith.addi %mul3A_1558, %add3A_1559 : i32
        %add3A_1561 = vector.broadcast %add3A_1560 : i32 to vector<16xi32>
        %add3A_1562 = arith.addi %add3A_1561, %iota3A : vector<16xi32>
        %div3A_1563 = arith.constant 26 : i32
        %div3A_1564 = vector.broadcast %div3A_1563 : i32 to vector<16xi32>
        %div3A_1565 = arith.divsi %add3A_1562, %div3A_1564 : vector<16xi32>
        %rem3A_1566 = arith.constant 26 : i32
        %rem3A_1567 = vector.broadcast %rem3A_1566 : i32 to vector<16xi32>
        %rem3A_1568 = arith.remsi %add3A_1562, %rem3A_1567 : vector<16xi32>
        %mul3A_1569 = arith.constant 16 : i32
        %mul3A_1570 = vector.broadcast %mul3A_1569 : i32 to vector<16xi32>
        %mul3A_1571 = arith.muli %rem3A_1568, %mul3A_1570 : vector<16xi32>
        %get3A_1572 = arith.index_cast %scan3A_263 : i32 to index
        %get3A_1573 = arith.constant 96 : index
        %get3A_1574 = tpu.vector_load %arg7[%get3A_1572, %get3A_1573] {strides = array<i32>} : memref<26x128xi32, #tpu.memory_space<vmem>>, vector<16xi32>,
        %add3A_1575 = arith.constant 0 : i32
        %add3A_1576 = vector.broadcast %add3A_1575 : i32 to vector<16xi32>
        %add3A_1577 = arith.addi %get3A_1574, %add3A_1576 : vector<16xi32>
        %gather3A_1578 = arith.constant 0 : i32
        %gather3A_1579 = arith.constant 0 : i32
        %gather3A_1580 = tpu.memref_slice %arg8[%select_n3A_277, %gather3A_1578, %gather3A_1579] : memref<3x128x128xf32, #tpu.memory_space<vmem>> -> memref<1x128x128xf32, #tpu.memory_space<vmem>>
        %gather3A_1581 = tpu.memref_squeeze %gather3A_1580 : memref<1x128x128xf32, #tpu.memory_space<vmem>> -> memref<128x128xf32, #tpu.memory_space<vmem>>
        %gather3A_1582 = tpu.vector_load_idx %gather3A_1581[%add3A_1556, %add3A_1577] : memref<128x128xf32, #tpu.memory_space<vmem>>[vector<16xi32>, vector<16xi32>], vector<16xf32>,
        %add3A_1583 = arith.constant 0 : i32
        %add3A_1584 = vector.broadcast %add3A_1583 : i32 to vector<16xi32>
        %add3A_1585 = arith.addi %mul3A_1571, %add3A_1584 : vector<16xi32>
        tpu.vector_store_idx %arg9[%div3A_1565, %add3A_1585], %gather3A_1582 : memref<128x416xf32, #tpu.memory_space<vmem>>[vector<16xi32>, vector<16xi32>], vector<16xf32>,
        %add3A_1586 = arith.constant 1 : i32
        %add3A_1587 = vector.broadcast %add3A_1586 : i32 to vector<16xi32>
        %add3A_1588 = arith.addi %get3A_1574, %add3A_1587 : vector<16xi32>
        %gather3A_1589 = arith.constant 0 : i32
        %gather3A_1590 = arith.constant 0 : i32
        %gather3A_1591 = tpu.memref_slice %arg8[%select_n3A_277, %gather3A_1589, %gather3A_1590] : memref<3x128x128xf32, #tpu.memory_space<vmem>> -> memref<1x128x128xf32, #tpu.memory_space<vmem>>
        %gather3A_1592 = tpu.memref_squeeze %gather3A_1591 : memref<1x128x128xf32, #tpu.memory_space<vmem>> -> memref<128x128xf32, #tpu.memory_space<vmem>>
        %gather3A_1593 = tpu.vector_load_idx %gather3A_1592[%add3A_1556, %add3A_1588] : memref<128x128xf32, #tpu.memory_space<vmem>>[vector<16xi32>, vector<16xi32>], vector<16xf32>,
        %add3A_1594 = arith.constant 1 : i32
        %add3A_1595 = vector.broadcast %add3A_1594 : i32 to vector<16xi32>
        %add3A_1596 = arith.addi %mul3A_1571, %add3A_1595 : vector<16xi32>
        tpu.vector_store_idx %arg9[%div3A_1565, %add3A_1596], %gather3A_1593 : memref<128x416xf32, #tpu.memory_space<vmem>>[vector<16xi32>, vector<16xi32>], vector<16xf32>,
        %add3A_1597 = arith.constant 2 : i32
        %add3A_1598 = vector.broadcast %add3A_1597 : i32 to vector<16xi32>
        %add3A_1599 = arith.addi %get3A_1574, %add3A_1598 : vector<16xi32>
        %gather3A_1600 = arith.constant 0 : i32
        %gather3A_1601 = arith.constant 0 : i32
        %gather3A_1602 = tpu.memref_slice %arg8[%select_n3A_277, %gather3A_1600, %gather3A_1601] : memref<3x128x128xf32, #tpu.memory_space<vmem>> -> memref<1x128x128xf32, #tpu.memory_space<vmem>>
        %gather3A_1603 = tpu.memref_squeeze %gather3A_1602 : memref<1x128x128xf32, #tpu.memory_space<vmem>> -> memref<128x128xf32, #tpu.memory_space<vmem>>
        %gather3A_1604 = tpu.vector_load_idx %gather3A_1603[%add3A_1556, %add3A_1599] : memref<128x128xf32, #tpu.memory_space<vmem>>[vector<16xi32>, vector<16xi32>], vector<16xf32>,
        %add3A_1605 = arith.constant 2 : i32
        %add3A_1606 = vector.broadcast %add3A_1605 : i32 to vector<16xi32>
        %add3A_1607 = arith.addi %mul3A_1571, %add3A_1606 : vector<16xi32>
        tpu.vector_store_idx %arg9[%div3A_1565, %add3A_1607], %gather3A_1604 : memref<128x416xf32, #tpu.memory_space<vmem>>[vector<16xi32>, vector<16xi32>], vector<16xf32>,
        %add3A_1608 = arith.constant 3 : i32
        %add3A_1609 = vector.broadcast %add3A_1608 : i32 to vector<16xi32>
        %add3A_1610 = arith.addi %get3A_1574, %add3A_1609 : vector<16xi32>
        %gather3A_1611 = arith.constant 0 : i32
        %gather3A_1612 = arith.constant 0 : i32
        %gather3A_1613 = tpu.memref_slice %arg8[%select_n3A_277, %gather3A_1611, %gather3A_1612] : memref<3x128x128xf32, #tpu.memory_space<vmem>> -> memref<1x128x128xf32, #tpu.memory_space<vmem>>
        %gather3A_1614 = tpu.memref_squeeze %gather3A_1613 : memref<1x128x128xf32, #tpu.memory_space<vmem>> -> memref<128x128xf32, #tpu.memory_space<vmem>>
        %gather3A_1615 = tpu.vector_load_idx %gather3A_1614[%add3A_1556, %add3A_1610] : memref<128x128xf32, #tpu.memory_space<vmem>>[vector<16xi32>, vector<16xi32>], vector<16xf32>,
        %add3A_1616 = arith.constant 3 : i32
        %add3A_1617 = vector.broadcast %add3A_1616 : i32 to vector<16xi32>
        %add3A_1618 = arith.addi %mul3A_1571, %add3A_1617 : vector<16xi32>
        tpu.vector_store_idx %arg9[%div3A_1565, %add3A_1618], %gather3A_1615 : memref<128x416xf32, #tpu.memory_space<vmem>>[vector<16xi32>, vector<16xi32>], vector<16xf32>,
        %add3A_1619 = arith.constant 4 : i32
        %add3A_1620 = vector.broadcast %add3A_1619 : i32 to vector<16xi32>
        %add3A_1621 = arith.addi %get3A_1574, %add3A_1620 : vector<16xi32>
        %gather3A_1622 = arith.constant 0 : i32
        %gather3A_1623 = arith.constant 0 : i32
        %gather3A_1624 = tpu.memref_slice %arg8[%select_n3A_277, %gather3A_1622, %gather3A_1623] : memref<3x128x128xf32, #tpu.memory_space<vmem>> -> memref<1x128x128xf32, #tpu.memory_space<vmem>>
        %gather3A_1625 = tpu.memref_squeeze %gather3A_1624 : memref<1x128x128xf32, #tpu.memory_space<vmem>> -> memref<128x128xf32, #tpu.memory_space<vmem>>
        %gather3A_1626 = tpu.vector_load_idx %gather3A_1625[%add3A_1556, %add3A_1621] : memref<128x128xf32, #tpu.memory_space<vmem>>[vector<16xi32>, vector<16xi32>], vector<16xf32>,
        %add3A_1627 = arith.constant 4 : i32
        %add3A_1628 = vector.broadcast %add3A_1627 : i32 to vector<16xi32>
        %add3A_1629 = arith.addi %mul3A_1571, %add3A_1628 : vector<16xi32>
        tpu.vector_store_idx %arg9[%div3A_1565, %add3A_1629], %gather3A_1626 : memref<128x416xf32, #tpu.memory_space<vmem>>[vector<16xi32>, vector<16xi32>], vector<16xf32>,
        %add3A_1630 = arith.constant 5 : i32
        %add3A_1631 = vector.broadcast %add3A_1630 : i32 to vector<16xi32>
        %add3A_1632 = arith.addi %get3A_1574, %add3A_1631 : vector<16xi32>
        %gather3A_1633 = arith.constant 0 : i32
        %gather3A_1634 = arith.constant 0 : i32
        %gather3A_1635 = tpu.memref_slice %arg8[%select_n3A_277, %gather3A_1633, %gather3A_1634] : memref<3x128x128xf32, #tpu.memory_space<vmem>> -> memref<1x128x128xf32, #tpu.memory_space<vmem>>
        %gather3A_1636 = tpu.memref_squeeze %gather3A_1635 : memref<1x128x128xf32, #tpu.memory_space<vmem>> -> memref<128x128xf32, #tpu.memory_space<vmem>>
        %gather3A_1637 = tpu.vector_load_idx %gather3A_1636[%add3A_1556, %add3A_1632] : memref<128x128xf32, #tpu.memory_space<vmem>>[vector<16xi32>, vector<16xi32>], vector<16xf32>,
        %add3A_1638 = arith.constant 5 : i32
        %add3A_1639 = vector.broadcast %add3A_1638 : i32 to vector<16xi32>
        %add3A_1640 = arith.addi %mul3A_1571, %add3A_1639 : vector<16xi32>
        tpu.vector_store_idx %arg9[%div3A_1565, %add3A_1640], %gather3A_1637 : memref<128x416xf32, #tpu.memory_space<vmem>>[vector<16xi32>, vector<16xi32>], vector<16xf32>,
        %add3A_1641 = arith.constant 6 : i32
        %add3A_1642 = vector.broadcast %add3A_1641 : i32 to vector<16xi32>
        %add3A_1643 = arith.addi %get3A_1574, %add3A_1642 : vector<16xi32>
        %gather3A_1644 = arith.constant 0 : i32
        %gather3A_1645 = arith.constant 0 : i32
        %gather3A_1646 = tpu.memref_slice %arg8[%select_n3A_277, %gather3A_1644, %gather3A_1645] : memref<3x128x128xf32, #tpu.memory_space<vmem>> -> memref<1x128x128xf32, #tpu.memory_space<vmem>>
        %gather3A_1647 = tpu.memref_squeeze %gather3A_1646 : memref<1x128x128xf32, #tpu.memory_space<vmem>> -> memref<128x128xf32, #tpu.memory_space<vmem>>
        %gather3A_1648 = tpu.vector_load_idx %gather3A_1647[%add3A_1556, %add3A_1643] : memref<128x128xf32, #tpu.memory_space<vmem>>[vector<16xi32>, vector<16xi32>], vector<16xf32>,
        %add3A_1649 = arith.constant 6 : i32
        %add3A_1650 = vector.broadcast %add3A_1649 : i32 to vector<16xi32>
        %add3A_1651 = arith.addi %mul3A_1571, %add3A_1650 : vector<16xi32>
        tpu.vector_store_idx %arg9[%div3A_1565, %add3A_1651], %gather3A_1648 : memref<128x416xf32, #tpu.memory_space<vmem>>[vector<16xi32>, vector<16xi32>], vector<16xf32>,
        %add3A_1652 = arith.constant 7 : i32
        %add3A_1653 = vector.broadcast %add3A_1652 : i32 to vector<16xi32>
        %add3A_1654 = arith.addi %get3A_1574, %add3A_1653 : vector<16xi32>
        %gather3A_1655 = arith.constant 0 : i32
        %gather3A_1656 = arith.constant 0 : i32
        %gather3A_1657 = tpu.memref_slice %arg8[%select_n3A_277, %gather3A_1655, %gather3A_1656] : memref<3x128x128xf32, #tpu.memory_space<vmem>> -> memref<1x128x128xf32, #tpu.memory_space<vmem>>
        %gather3A_1658 = tpu.memref_squeeze %gather3A_1657 : memref<1x128x128xf32, #tpu.memory_space<vmem>> -> memref<128x128xf32, #tpu.memory_space<vmem>>
        %gather3A_1659 = tpu.vector_load_idx %gather3A_1658[%add3A_1556, %add3A_1654] : memref<128x128xf32, #tpu.memory_space<vmem>>[vector<16xi32>, vector<16xi32>], vector<16xf32>,
        %add3A_1660 = arith.constant 7 : i32
        %add3A_1661 = vector.broadcast %add3A_1660 : i32 to vector<16xi32>
        %add3A_1662 = arith.addi %mul3A_1571, %add3A_1661 : vector<16xi32>
        tpu.vector_store_idx %arg9[%div3A_1565, %add3A_1662], %gather3A_1659 : memref<128x416xf32, #tpu.memory_space<vmem>>[vector<16xi32>, vector<16xi32>], vector<16xf32>,
        %add3A_1663 = arith.constant 8 : i32
        %add3A_1664 = vector.broadcast %add3A_1663 : i32 to vector<16xi32>
        %add3A_1665 = arith.addi %get3A_1574, %add3A_1664 : vector<16xi32>
        %gather3A_1666 = arith.constant 0 : i32
        %gather3A_1667 = arith.constant 0 : i32
        %gather3A_1668 = tpu.memref_slice %arg8[%select_n3A_277, %gather3A_1666, %gather3A_1667] : memref<3x128x128xf32, #tpu.memory_space<vmem>> -> memref<1x128x128xf32, #tpu.memory_space<vmem>>
        %gather3A_1669 = tpu.memref_squeeze %gather3A_1668 : memref<1x128x128xf32, #tpu.memory_space<vmem>> -> memref<128x128xf32, #tpu.memory_space<vmem>>
        %gather3A_1670 = tpu.vector_load_idx %gather3A_1669[%add3A_1556, %add3A_1665] : memref<128x128xf32, #tpu.memory_space<vmem>>[vector<16xi32>, vector<16xi32>], vector<16xf32>,
        %add3A_1671 = arith.constant 8 : i32
        %add3A_1672 = vector.broadcast %add3A_1671 : i32 to vector<16xi32>
        %add3A_1673 = arith.addi %mul3A_1571, %add3A_1672 : vector<16xi32>
        tpu.vector_store_idx %arg9[%div3A_1565, %add3A_1673], %gather3A_1670 : memref<128x416xf32, #tpu.memory_space<vmem>>[vector<16xi32>, vector<16xi32>], vector<16xf32>,
        %add3A_1674 = arith.constant 9 : i32
        %add3A_1675 = vector.broadcast %add3A_1674 : i32 to vector<16xi32>
        %add3A_1676 = arith.addi %get3A_1574, %add3A_1675 : vector<16xi32>
        %gather3A_1677 = arith.constant 0 : i32
        %gather3A_1678 = arith.constant 0 : i32
        %gather3A_1679 = tpu.memref_slice %arg8[%select_n3A_277, %gather3A_1677, %gather3A_1678] : memref<3x128x128xf32, #tpu.memory_space<vmem>> -> memref<1x128x128xf32, #tpu.memory_space<vmem>>
        %gather3A_1680 = tpu.memref_squeeze %gather3A_1679 : memref<1x128x128xf32, #tpu.memory_space<vmem>> -> memref<128x128xf32, #tpu.memory_space<vmem>>
        %gather3A_1681 = tpu.vector_load_idx %gather3A_1680[%add3A_1556, %add3A_1676] : memref<128x128xf32, #tpu.memory_space<vmem>>[vector<16xi32>, vector<16xi32>], vector<16xf32>,
        %add3A_1682 = arith.constant 9 : i32
        %add3A_1683 = vector.broadcast %add3A_1682 : i32 to vector<16xi32>
        %add3A_1684 = arith.addi %mul3A_1571, %add3A_1683 : vector<16xi32>
        tpu.vector_store_idx %arg9[%div3A_1565, %add3A_1684], %gather3A_1681 : memref<128x416xf32, #tpu.memory_space<vmem>>[vector<16xi32>, vector<16xi32>], vector<16xf32>,
        %add3A_1685 = arith.constant 10 : i32
        %add3A_1686 = vector.broadcast %add3A_1685 : i32 to vector<16xi32>
        %add3A_1687 = arith.addi %get3A_1574, %add3A_1686 : vector<16xi32>
        %gather3A_1688 = arith.constant 0 : i32
        %gather3A_1689 = arith.constant 0 : i32
        %gather3A_1690 = tpu.memref_slice %arg8[%select_n3A_277, %gather3A_1688, %gather3A_1689] : memref<3x128x128xf32, #tpu.memory_space<vmem>> -> memref<1x128x128xf32, #tpu.memory_space<vmem>>
        %gather3A_1691 = tpu.memref_squeeze %gather3A_1690 : memref<1x128x128xf32, #tpu.memory_space<vmem>> -> memref<128x128xf32, #tpu.memory_space<vmem>>
        %gather3A_1692 = tpu.vector_load_idx %gather3A_1691[%add3A_1556, %add3A_1687] : memref<128x128xf32, #tpu.memory_space<vmem>>[vector<16xi32>, vector<16xi32>], vector<16xf32>,
        %add3A_1693 = arith.constant 10 : i32
        %add3A_1694 = vector.broadcast %add3A_1693 : i32 to vector<16xi32>
        %add3A_1695 = arith.addi %mul3A_1571, %add3A_1694 : vector<16xi32>
        tpu.vector_store_idx %arg9[%div3A_1565, %add3A_1695], %gather3A_1692 : memref<128x416xf32, #tpu.memory_space<vmem>>[vector<16xi32>, vector<16xi32>], vector<16xf32>,
        %add3A_1696 = arith.constant 11 : i32
        %add3A_1697 = vector.broadcast %add3A_1696 : i32 to vector<16xi32>
        %add3A_1698 = arith.addi %get3A_1574, %add3A_1697 : vector<16xi32>
        %gather3A_1699 = arith.constant 0 : i32
        %gather3A_1700 = arith.constant 0 : i32
        %gather3A_1701 = tpu.memref_slice %arg8[%select_n3A_277, %gather3A_1699, %gather3A_1700] : memref<3x128x128xf32, #tpu.memory_space<vmem>> -> memref<1x128x128xf32, #tpu.memory_space<vmem>>
        %gather3A_1702 = tpu.memref_squeeze %gather3A_1701 : memref<1x128x128xf32, #tpu.memory_space<vmem>> -> memref<128x128xf32, #tpu.memory_space<vmem>>
        %gather3A_1703 = tpu.vector_load_idx %gather3A_1702[%add3A_1556, %add3A_1698] : memref<128x128xf32, #tpu.memory_space<vmem>>[vector<16xi32>, vector<16xi32>], vector<16xf32>,
        %add3A_1704 = arith.constant 11 : i32
        %add3A_1705 = vector.broadcast %add3A_1704 : i32 to vector<16xi32>
        %add3A_1706 = arith.addi %mul3A_1571, %add3A_1705 : vector<16xi32>
        tpu.vector_store_idx %arg9[%div3A_1565, %add3A_1706], %gather3A_1703 : memref<128x416xf32, #tpu.memory_space<vmem>>[vector<16xi32>, vector<16xi32>], vector<16xf32>,
        %add3A_1707 = arith.constant 12 : i32
        %add3A_1708 = vector.broadcast %add3A_1707 : i32 to vector<16xi32>
        %add3A_1709 = arith.addi %get3A_1574, %add3A_1708 : vector<16xi32>
        %gather3A_1710 = arith.constant 0 : i32
        %gather3A_1711 = arith.constant 0 : i32
        %gather3A_1712 = tpu.memref_slice %arg8[%select_n3A_277, %gather3A_1710, %gather3A_1711] : memref<3x128x128xf32, #tpu.memory_space<vmem>> -> memref<1x128x128xf32, #tpu.memory_space<vmem>>
        %gather3A_1713 = tpu.memref_squeeze %gather3A_1712 : memref<1x128x128xf32, #tpu.memory_space<vmem>> -> memref<128x128xf32, #tpu.memory_space<vmem>>
        %gather3A_1714 = tpu.vector_load_idx %gather3A_1713[%add3A_1556, %add3A_1709] : memref<128x128xf32, #tpu.memory_space<vmem>>[vector<16xi32>, vector<16xi32>], vector<16xf32>,
        %add3A_1715 = arith.constant 12 : i32
        %add3A_1716 = vector.broadcast %add3A_1715 : i32 to vector<16xi32>
        %add3A_1717 = arith.addi %mul3A_1571, %add3A_1716 : vector<16xi32>
        tpu.vector_store_idx %arg9[%div3A_1565, %add3A_1717], %gather3A_1714 : memref<128x416xf32, #tpu.memory_space<vmem>>[vector<16xi32>, vector<16xi32>], vector<16xf32>,
        %add3A_1718 = arith.constant 13 : i32
        %add3A_1719 = vector.broadcast %add3A_1718 : i32 to vector<16xi32>
        %add3A_1720 = arith.addi %get3A_1574, %add3A_1719 : vector<16xi32>
        %gather3A_1721 = arith.constant 0 : i32
        %gather3A_1722 = arith.constant 0 : i32
        %gather3A_1723 = tpu.memref_slice %arg8[%select_n3A_277, %gather3A_1721, %gather3A_1722] : memref<3x128x128xf32, #tpu.memory_space<vmem>> -> memref<1x128x128xf32, #tpu.memory_space<vmem>>
        %gather3A_1724 = tpu.memref_squeeze %gather3A_1723 : memref<1x128x128xf32, #tpu.memory_space<vmem>> -> memref<128x128xf32, #tpu.memory_space<vmem>>
        %gather3A_1725 = tpu.vector_load_idx %gather3A_1724[%add3A_1556, %add3A_1720] : memref<128x128xf32, #tpu.memory_space<vmem>>[vector<16xi32>, vector<16xi32>], vector<16xf32>,
        %add3A_1726 = arith.constant 13 : i32
        %add3A_1727 = vector.broadcast %add3A_1726 : i32 to vector<16xi32>
        %add3A_1728 = arith.addi %mul3A_1571, %add3A_1727 : vector<16xi32>
        tpu.vector_store_idx %arg9[%div3A_1565, %add3A_1728], %gather3A_1725 : memref<128x416xf32, #tpu.memory_space<vmem>>[vector<16xi32>, vector<16xi32>], vector<16xf32>,
        %add3A_1729 = arith.constant 14 : i32
        %add3A_1730 = vector.broadcast %add3A_1729 : i32 to vector<16xi32>
        %add3A_1731 = arith.addi %get3A_1574, %add3A_1730 : vector<16xi32>
        %gather3A_1732 = arith.constant 0 : i32
        %gather3A_1733 = arith.constant 0 : i32
        %gather3A_1734 = tpu.memref_slice %arg8[%select_n3A_277, %gather3A_1732, %gather3A_1733] : memref<3x128x128xf32, #tpu.memory_space<vmem>> -> memref<1x128x128xf32, #tpu.memory_space<vmem>>
        %gather3A_1735 = tpu.memref_squeeze %gather3A_1734 : memref<1x128x128xf32, #tpu.memory_space<vmem>> -> memref<128x128xf32, #tpu.memory_space<vmem>>
        %gather3A_1736 = tpu.vector_load_idx %gather3A_1735[%add3A_1556, %add3A_1731] : memref<128x128xf32, #tpu.memory_space<vmem>>[vector<16xi32>, vector<16xi32>], vector<16xf32>,
        %add3A_1737 = arith.constant 14 : i32
        %add3A_1738 = vector.broadcast %add3A_1737 : i32 to vector<16xi32>
        %add3A_1739 = arith.addi %mul3A_1571, %add3A_1738 : vector<16xi32>
        tpu.vector_store_idx %arg9[%div3A_1565, %add3A_1739], %gather3A_1736 : memref<128x416xf32, #tpu.memory_space<vmem>>[vector<16xi32>, vector<16xi32>], vector<16xf32>,
        %add3A_1740 = arith.constant 15 : i32
        %add3A_1741 = vector.broadcast %add3A_1740 : i32 to vector<16xi32>
        %add3A_1742 = arith.addi %get3A_1574, %add3A_1741 : vector<16xi32>
        %gather3A_1743 = arith.constant 0 : i32
        %gather3A_1744 = arith.constant 0 : i32
        %gather3A_1745 = tpu.memref_slice %arg8[%select_n3A_277, %gather3A_1743, %gather3A_1744] : memref<3x128x128xf32, #tpu.memory_space<vmem>> -> memref<1x128x128xf32, #tpu.memory_space<vmem>>
        %gather3A_1746 = tpu.memref_squeeze %gather3A_1745 : memref<1x128x128xf32, #tpu.memory_space<vmem>> -> memref<128x128xf32, #tpu.memory_space<vmem>>
        %gather3A_1747 = tpu.vector_load_idx %gather3A_1746[%add3A_1556, %add3A_1742] : memref<128x128xf32, #tpu.memory_space<vmem>>[vector<16xi32>, vector<16xi32>], vector<16xf32>,
        %add3A_1748 = arith.constant 15 : i32
        %add3A_1749 = vector.broadcast %add3A_1748 : i32 to vector<16xi32>
        %add3A_1750 = arith.addi %mul3A_1571, %add3A_1749 : vector<16xi32>
        tpu.vector_store_idx %arg9[%div3A_1565, %add3A_1750], %gather3A_1747 : memref<128x416xf32, #tpu.memory_space<vmem>>[vector<16xi32>, vector<16xi32>], vector<16xf32>,
        %add3A_1751 = arith.constant 112 : i32
        %add3A_1752 = vector.broadcast %add3A_1751 : i32 to vector<16xi32>
        %add3A_1753 = arith.addi %add3A_1752, %iota3A : vector<16xi32>
        %mul3A_1754 = arith.constant 128 : i32
        %mul3A_1755 = arith.muli %scan3A_263, %mul3A_1754 : i32
        %add3A_1756 = arith.constant 112 : i32
        %add3A_1757 = arith.addi %mul3A_1755, %add3A_1756 : i32
        %add3A_1758 = vector.broadcast %add3A_1757 : i32 to vector<16xi32>
        %add3A_1759 = arith.addi %add3A_1758, %iota3A : vector<16xi32>
        %div3A_1760 = arith.constant 26 : i32
        %div3A_1761 = vector.broadcast %div3A_1760 : i32 to vector<16xi32>
        %div3A_1762 = arith.divsi %add3A_1759, %div3A_1761 : vector<16xi32>
        %rem3A_1763 = arith.constant 26 : i32
        %rem3A_1764 = vector.broadcast %rem3A_1763 : i32 to vector<16xi32>
        %rem3A_1765 = arith.remsi %add3A_1759, %rem3A_1764 : vector<16xi32>
        %mul3A_1766 = arith.constant 16 : i32
        %mul3A_1767 = vector.broadcast %mul3A_1766 : i32 to vector<16xi32>
        %mul3A_1768 = arith.muli %rem3A_1765, %mul3A_1767 : vector<16xi32>
        %get3A_1769 = arith.index_cast %scan3A_263 : i32 to index
        %get3A_1770 = arith.constant 112 : index
        %get3A_1771 = tpu.vector_load %arg7[%get3A_1769, %get3A_1770] {strides = array<i32>} : memref<26x128xi32, #tpu.memory_space<vmem>>, vector<16xi32>,
        %add3A_1772 = arith.constant 0 : i32
        %add3A_1773 = vector.broadcast %add3A_1772 : i32 to vector<16xi32>
        %add3A_1774 = arith.addi %get3A_1771, %add3A_1773 : vector<16xi32>
        %gather3A_1775 = arith.constant 0 : i32
        %gather3A_1776 = arith.constant 0 : i32
        %gather3A_1777 = tpu.memref_slice %arg8[%select_n3A_277, %gather3A_1775, %gather3A_1776] : memref<3x128x128xf32, #tpu.memory_space<vmem>> -> memref<1x128x128xf32, #tpu.memory_space<vmem>>
        %gather3A_1778 = tpu.memref_squeeze %gather3A_1777 : memref<1x128x128xf32, #tpu.memory_space<vmem>> -> memref<128x128xf32, #tpu.memory_space<vmem>>
        %gather3A_1779 = tpu.vector_load_idx %gather3A_1778[%add3A_1753, %add3A_1774] : memref<128x128xf32, #tpu.memory_space<vmem>>[vector<16xi32>, vector<16xi32>], vector<16xf32>,
        %add3A_1780 = arith.constant 0 : i32
        %add3A_1781 = vector.broadcast %add3A_1780 : i32 to vector<16xi32>
        %add3A_1782 = arith.addi %mul3A_1768, %add3A_1781 : vector<16xi32>
        tpu.vector_store_idx %arg9[%div3A_1762, %add3A_1782], %gather3A_1779 : memref<128x416xf32, #tpu.memory_space<vmem>>[vector<16xi32>, vector<16xi32>], vector<16xf32>,
        %add3A_1783 = arith.constant 1 : i32
        %add3A_1784 = vector.broadcast %add3A_1783 : i32 to vector<16xi32>
        %add3A_1785 = arith.addi %get3A_1771, %add3A_1784 : vector<16xi32>
        %gather3A_1786 = arith.constant 0 : i32
        %gather3A_1787 = arith.constant 0 : i32
        %gather3A_1788 = tpu.memref_slice %arg8[%select_n3A_277, %gather3A_1786, %gather3A_1787] : memref<3x128x128xf32, #tpu.memory_space<vmem>> -> memref<1x128x128xf32, #tpu.memory_space<vmem>>
        %gather3A_1789 = tpu.memref_squeeze %gather3A_1788 : memref<1x128x128xf32, #tpu.memory_space<vmem>> -> memref<128x128xf32, #tpu.memory_space<vmem>>
        %gather3A_1790 = tpu.vector_load_idx %gather3A_1789[%add3A_1753, %add3A_1785] : memref<128x128xf32, #tpu.memory_space<vmem>>[vector<16xi32>, vector<16xi32>], vector<16xf32>,
        %add3A_1791 = arith.constant 1 : i32
        %add3A_1792 = vector.broadcast %add3A_1791 : i32 to vector<16xi32>
        %add3A_1793 = arith.addi %mul3A_1768, %add3A_1792 : vector<16xi32>
        tpu.vector_store_idx %arg9[%div3A_1762, %add3A_1793], %gather3A_1790 : memref<128x416xf32, #tpu.memory_space<vmem>>[vector<16xi32>, vector<16xi32>], vector<16xf32>,
        %add3A_1794 = arith.constant 2 : i32
        %add3A_1795 = vector.broadcast %add3A_1794 : i32 to vector<16xi32>
        %add3A_1796 = arith.addi %get3A_1771, %add3A_1795 : vector<16xi32>
        %gather3A_1797 = arith.constant 0 : i32
        %gather3A_1798 = arith.constant 0 : i32
        %gather3A_1799 = tpu.memref_slice %arg8[%select_n3A_277, %gather3A_1797, %gather3A_1798] : memref<3x128x128xf32, #tpu.memory_space<vmem>> -> memref<1x128x128xf32, #tpu.memory_space<vmem>>
        %gather3A_1800 = tpu.memref_squeeze %gather3A_1799 : memref<1x128x128xf32, #tpu.memory_space<vmem>> -> memref<128x128xf32, #tpu.memory_space<vmem>>
        %gather3A_1801 = tpu.vector_load_idx %gather3A_1800[%add3A_1753, %add3A_1796] : memref<128x128xf32, #tpu.memory_space<vmem>>[vector<16xi32>, vector<16xi32>], vector<16xf32>,
        %add3A_1802 = arith.constant 2 : i32
        %add3A_1803 = vector.broadcast %add3A_1802 : i32 to vector<16xi32>
        %add3A_1804 = arith.addi %mul3A_1768, %add3A_1803 : vector<16xi32>
        tpu.vector_store_idx %arg9[%div3A_1762, %add3A_1804], %gather3A_1801 : memref<128x416xf32, #tpu.memory_space<vmem>>[vector<16xi32>, vector<16xi32>], vector<16xf32>,
        %add3A_1805 = arith.constant 3 : i32
        %add3A_1806 = vector.broadcast %add3A_1805 : i32 to vector<16xi32>
        %add3A_1807 = arith.addi %get3A_1771, %add3A_1806 : vector<16xi32>
        %gather3A_1808 = arith.constant 0 : i32
        %gather3A_1809 = arith.constant 0 : i32
        %gather3A_1810 = tpu.memref_slice %arg8[%select_n3A_277, %gather3A_1808, %gather3A_1809] : memref<3x128x128xf32, #tpu.memory_space<vmem>> -> memref<1x128x128xf32, #tpu.memory_space<vmem>>
        %gather3A_1811 = tpu.memref_squeeze %gather3A_1810 : memref<1x128x128xf32, #tpu.memory_space<vmem>> -> memref<128x128xf32, #tpu.memory_space<vmem>>
        %gather3A_1812 = tpu.vector_load_idx %gather3A_1811[%add3A_1753, %add3A_1807] : memref<128x128xf32, #tpu.memory_space<vmem>>[vector<16xi32>, vector<16xi32>], vector<16xf32>,
        %add3A_1813 = arith.constant 3 : i32
        %add3A_1814 = vector.broadcast %add3A_1813 : i32 to vector<16xi32>
        %add3A_1815 = arith.addi %mul3A_1768, %add3A_1814 : vector<16xi32>
        tpu.vector_store_idx %arg9[%div3A_1762, %add3A_1815], %gather3A_1812 : memref<128x416xf32, #tpu.memory_space<vmem>>[vector<16xi32>, vector<16xi32>], vector<16xf32>,
        %add3A_1816 = arith.constant 4 : i32
        %add3A_1817 = vector.broadcast %add3A_1816 : i32 to vector<16xi32>
        %add3A_1818 = arith.addi %get3A_1771, %add3A_1817 : vector<16xi32>
        %gather3A_1819 = arith.constant 0 : i32
        %gather3A_1820 = arith.constant 0 : i32
        %gather3A_1821 = tpu.memref_slice %arg8[%select_n3A_277, %gather3A_1819, %gather3A_1820] : memref<3x128x128xf32, #tpu.memory_space<vmem>> -> memref<1x128x128xf32, #tpu.memory_space<vmem>>
        %gather3A_1822 = tpu.memref_squeeze %gather3A_1821 : memref<1x128x128xf32, #tpu.memory_space<vmem>> -> memref<128x128xf32, #tpu.memory_space<vmem>>
        %gather3A_1823 = tpu.vector_load_idx %gather3A_1822[%add3A_1753, %add3A_1818] : memref<128x128xf32, #tpu.memory_space<vmem>>[vector<16xi32>, vector<16xi32>], vector<16xf32>,
        %add3A_1824 = arith.constant 4 : i32
        %add3A_1825 = vector.broadcast %add3A_1824 : i32 to vector<16xi32>
        %add3A_1826 = arith.addi %mul3A_1768, %add3A_1825 : vector<16xi32>
        tpu.vector_store_idx %arg9[%div3A_1762, %add3A_1826], %gather3A_1823 : memref<128x416xf32, #tpu.memory_space<vmem>>[vector<16xi32>, vector<16xi32>], vector<16xf32>,
        %add3A_1827 = arith.constant 5 : i32
        %add3A_1828 = vector.broadcast %add3A_1827 : i32 to vector<16xi32>
        %add3A_1829 = arith.addi %get3A_1771, %add3A_1828 : vector<16xi32>
        %gather3A_1830 = arith.constant 0 : i32
        %gather3A_1831 = arith.constant 0 : i32
        %gather3A_1832 = tpu.memref_slice %arg8[%select_n3A_277, %gather3A_1830, %gather3A_1831] : memref<3x128x128xf32, #tpu.memory_space<vmem>> -> memref<1x128x128xf32, #tpu.memory_space<vmem>>
        %gather3A_1833 = tpu.memref_squeeze %gather3A_1832 : memref<1x128x128xf32, #tpu.memory_space<vmem>> -> memref<128x128xf32, #tpu.memory_space<vmem>>
        %gather3A_1834 = tpu.vector_load_idx %gather3A_1833[%add3A_1753, %add3A_1829] : memref<128x128xf32, #tpu.memory_space<vmem>>[vector<16xi32>, vector<16xi32>], vector<16xf32>,
        %add3A_1835 = arith.constant 5 : i32
        %add3A_1836 = vector.broadcast %add3A_1835 : i32 to vector<16xi32>
        %add3A_1837 = arith.addi %mul3A_1768, %add3A_1836 : vector<16xi32>
        tpu.vector_store_idx %arg9[%div3A_1762, %add3A_1837], %gather3A_1834 : memref<128x416xf32, #tpu.memory_space<vmem>>[vector<16xi32>, vector<16xi32>], vector<16xf32>,
        %add3A_1838 = arith.constant 6 : i32
        %add3A_1839 = vector.broadcast %add3A_1838 : i32 to vector<16xi32>
        %add3A_1840 = arith.addi %get3A_1771, %add3A_1839 : vector<16xi32>
        %gather3A_1841 = arith.constant 0 : i32
        %gather3A_1842 = arith.constant 0 : i32
        %gather3A_1843 = tpu.memref_slice %arg8[%select_n3A_277, %gather3A_1841, %gather3A_1842] : memref<3x128x128xf32, #tpu.memory_space<vmem>> -> memref<1x128x128xf32, #tpu.memory_space<vmem>>
        %gather3A_1844 = tpu.memref_squeeze %gather3A_1843 : memref<1x128x128xf32, #tpu.memory_space<vmem>> -> memref<128x128xf32, #tpu.memory_space<vmem>>
        %gather3A_1845 = tpu.vector_load_idx %gather3A_1844[%add3A_1753, %add3A_1840] : memref<128x128xf32, #tpu.memory_space<vmem>>[vector<16xi32>, vector<16xi32>], vector<16xf32>,
        %add3A_1846 = arith.constant 6 : i32
        %add3A_1847 = vector.broadcast %add3A_1846 : i32 to vector<16xi32>
        %add3A_1848 = arith.addi %mul3A_1768, %add3A_1847 : vector<16xi32>
        tpu.vector_store_idx %arg9[%div3A_1762, %add3A_1848], %gather3A_1845 : memref<128x416xf32, #tpu.memory_space<vmem>>[vector<16xi32>, vector<16xi32>], vector<16xf32>,
        %add3A_1849 = arith.constant 7 : i32
        %add3A_1850 = vector.broadcast %add3A_1849 : i32 to vector<16xi32>
        %add3A_1851 = arith.addi %get3A_1771, %add3A_1850 : vector<16xi32>
        %gather3A_1852 = arith.constant 0 : i32
        %gather3A_1853 = arith.constant 0 : i32
        %gather3A_1854 = tpu.memref_slice %arg8[%select_n3A_277, %gather3A_1852, %gather3A_1853] : memref<3x128x128xf32, #tpu.memory_space<vmem>> -> memref<1x128x128xf32, #tpu.memory_space<vmem>>
        %gather3A_1855 = tpu.memref_squeeze %gather3A_1854 : memref<1x128x128xf32, #tpu.memory_space<vmem>> -> memref<128x128xf32, #tpu.memory_space<vmem>>
        %gather3A_1856 = tpu.vector_load_idx %gather3A_1855[%add3A_1753, %add3A_1851] : memref<128x128xf32, #tpu.memory_space<vmem>>[vector<16xi32>, vector<16xi32>], vector<16xf32>,
        %add3A_1857 = arith.constant 7 : i32
        %add3A_1858 = vector.broadcast %add3A_1857 : i32 to vector<16xi32>
        %add3A_1859 = arith.addi %mul3A_1768, %add3A_1858 : vector<16xi32>
        tpu.vector_store_idx %arg9[%div3A_1762, %add3A_1859], %gather3A_1856 : memref<128x416xf32, #tpu.memory_space<vmem>>[vector<16xi32>, vector<16xi32>], vector<16xf32>,
        %add3A_1860 = arith.constant 8 : i32
        %add3A_1861 = vector.broadcast %add3A_1860 : i32 to vector<16xi32>
        %add3A_1862 = arith.addi %get3A_1771, %add3A_1861 : vector<16xi32>
        %gather3A_1863 = arith.constant 0 : i32
        %gather3A_1864 = arith.constant 0 : i32
        %gather3A_1865 = tpu.memref_slice %arg8[%select_n3A_277, %gather3A_1863, %gather3A_1864] : memref<3x128x128xf32, #tpu.memory_space<vmem>> -> memref<1x128x128xf32, #tpu.memory_space<vmem>>
        %gather3A_1866 = tpu.memref_squeeze %gather3A_1865 : memref<1x128x128xf32, #tpu.memory_space<vmem>> -> memref<128x128xf32, #tpu.memory_space<vmem>>
        %gather3A_1867 = tpu.vector_load_idx %gather3A_1866[%add3A_1753, %add3A_1862] : memref<128x128xf32, #tpu.memory_space<vmem>>[vector<16xi32>, vector<16xi32>], vector<16xf32>,
        %add3A_1868 = arith.constant 8 : i32
        %add3A_1869 = vector.broadcast %add3A_1868 : i32 to vector<16xi32>
        %add3A_1870 = arith.addi %mul3A_1768, %add3A_1869 : vector<16xi32>
        tpu.vector_store_idx %arg9[%div3A_1762, %add3A_1870], %gather3A_1867 : memref<128x416xf32, #tpu.memory_space<vmem>>[vector<16xi32>, vector<16xi32>], vector<16xf32>,
        %add3A_1871 = arith.constant 9 : i32
        %add3A_1872 = vector.broadcast %add3A_1871 : i32 to vector<16xi32>
        %add3A_1873 = arith.addi %get3A_1771, %add3A_1872 : vector<16xi32>
        %gather3A_1874 = arith.constant 0 : i32
        %gather3A_1875 = arith.constant 0 : i32
        %gather3A_1876 = tpu.memref_slice %arg8[%select_n3A_277, %gather3A_1874, %gather3A_1875] : memref<3x128x128xf32, #tpu.memory_space<vmem>> -> memref<1x128x128xf32, #tpu.memory_space<vmem>>
        %gather3A_1877 = tpu.memref_squeeze %gather3A_1876 : memref<1x128x128xf32, #tpu.memory_space<vmem>> -> memref<128x128xf32, #tpu.memory_space<vmem>>
        %gather3A_1878 = tpu.vector_load_idx %gather3A_1877[%add3A_1753, %add3A_1873] : memref<128x128xf32, #tpu.memory_space<vmem>>[vector<16xi32>, vector<16xi32>], vector<16xf32>,
        %add3A_1879 = arith.constant 9 : i32
        %add3A_1880 = vector.broadcast %add3A_1879 : i32 to vector<16xi32>
        %add3A_1881 = arith.addi %mul3A_1768, %add3A_1880 : vector<16xi32>
        tpu.vector_store_idx %arg9[%div3A_1762, %add3A_1881], %gather3A_1878 : memref<128x416xf32, #tpu.memory_space<vmem>>[vector<16xi32>, vector<16xi32>], vector<16xf32>,
        %add3A_1882 = arith.constant 10 : i32
        %add3A_1883 = vector.broadcast %add3A_1882 : i32 to vector<16xi32>
        %add3A_1884 = arith.addi %get3A_1771, %add3A_1883 : vector<16xi32>
        %gather3A_1885 = arith.constant 0 : i32
        %gather3A_1886 = arith.constant 0 : i32
        %gather3A_1887 = tpu.memref_slice %arg8[%select_n3A_277, %gather3A_1885, %gather3A_1886] : memref<3x128x128xf32, #tpu.memory_space<vmem>> -> memref<1x128x128xf32, #tpu.memory_space<vmem>>
        %gather3A_1888 = tpu.memref_squeeze %gather3A_1887 : memref<1x128x128xf32, #tpu.memory_space<vmem>> -> memref<128x128xf32, #tpu.memory_space<vmem>>
        %gather3A_1889 = tpu.vector_load_idx %gather3A_1888[%add3A_1753, %add3A_1884] : memref<128x128xf32, #tpu.memory_space<vmem>>[vector<16xi32>, vector<16xi32>], vector<16xf32>,
        %add3A_1890 = arith.constant 10 : i32
        %add3A_1891 = vector.broadcast %add3A_1890 : i32 to vector<16xi32>
        %add3A_1892 = arith.addi %mul3A_1768, %add3A_1891 : vector<16xi32>
        tpu.vector_store_idx %arg9[%div3A_1762, %add3A_1892], %gather3A_1889 : memref<128x416xf32, #tpu.memory_space<vmem>>[vector<16xi32>, vector<16xi32>], vector<16xf32>,
        %add3A_1893 = arith.constant 11 : i32
        %add3A_1894 = vector.broadcast %add3A_1893 : i32 to vector<16xi32>
        %add3A_1895 = arith.addi %get3A_1771, %add3A_1894 : vector<16xi32>
        %gather3A_1896 = arith.constant 0 : i32
        %gather3A_1897 = arith.constant 0 : i32
        %gather3A_1898 = tpu.memref_slice %arg8[%select_n3A_277, %gather3A_1896, %gather3A_1897] : memref<3x128x128xf32, #tpu.memory_space<vmem>> -> memref<1x128x128xf32, #tpu.memory_space<vmem>>
        %gather3A_1899 = tpu.memref_squeeze %gather3A_1898 : memref<1x128x128xf32, #tpu.memory_space<vmem>> -> memref<128x128xf32, #tpu.memory_space<vmem>>
        %gather3A_1900 = tpu.vector_load_idx %gather3A_1899[%add3A_1753, %add3A_1895] : memref<128x128xf32, #tpu.memory_space<vmem>>[vector<16xi32>, vector<16xi32>], vector<16xf32>,
        %add3A_1901 = arith.constant 11 : i32
        %add3A_1902 = vector.broadcast %add3A_1901 : i32 to vector<16xi32>
        %add3A_1903 = arith.addi %mul3A_1768, %add3A_1902 : vector<16xi32>
        tpu.vector_store_idx %arg9[%div3A_1762, %add3A_1903], %gather3A_1900 : memref<128x416xf32, #tpu.memory_space<vmem>>[vector<16xi32>, vector<16xi32>], vector<16xf32>,
        %add3A_1904 = arith.constant 12 : i32
        %add3A_1905 = vector.broadcast %add3A_1904 : i32 to vector<16xi32>
        %add3A_1906 = arith.addi %get3A_1771, %add3A_1905 : vector<16xi32>
        %gather3A_1907 = arith.constant 0 : i32
        %gather3A_1908 = arith.constant 0 : i32
        %gather3A_1909 = tpu.memref_slice %arg8[%select_n3A_277, %gather3A_1907, %gather3A_1908] : memref<3x128x128xf32, #tpu.memory_space<vmem>> -> memref<1x128x128xf32, #tpu.memory_space<vmem>>
        %gather3A_1910 = tpu.memref_squeeze %gather3A_1909 : memref<1x128x128xf32, #tpu.memory_space<vmem>> -> memref<128x128xf32, #tpu.memory_space<vmem>>
        %gather3A_1911 = tpu.vector_load_idx %gather3A_1910[%add3A_1753, %add3A_1906] : memref<128x128xf32, #tpu.memory_space<vmem>>[vector<16xi32>, vector<16xi32>], vector<16xf32>,
        %add3A_1912 = arith.constant 12 : i32
        %add3A_1913 = vector.broadcast %add3A_1912 : i32 to vector<16xi32>
        %add3A_1914 = arith.addi %mul3A_1768, %add3A_1913 : vector<16xi32>
        tpu.vector_store_idx %arg9[%div3A_1762, %add3A_1914], %gather3A_1911 : memref<128x416xf32, #tpu.memory_space<vmem>>[vector<16xi32>, vector<16xi32>], vector<16xf32>,
        %add3A_1915 = arith.constant 13 : i32
        %add3A_1916 = vector.broadcast %add3A_1915 : i32 to vector<16xi32>
        %add3A_1917 = arith.addi %get3A_1771, %add3A_1916 : vector<16xi32>
        %gather3A_1918 = arith.constant 0 : i32
        %gather3A_1919 = arith.constant 0 : i32
        %gather3A_1920 = tpu.memref_slice %arg8[%select_n3A_277, %gather3A_1918, %gather3A_1919] : memref<3x128x128xf32, #tpu.memory_space<vmem>> -> memref<1x128x128xf32, #tpu.memory_space<vmem>>
        %gather3A_1921 = tpu.memref_squeeze %gather3A_1920 : memref<1x128x128xf32, #tpu.memory_space<vmem>> -> memref<128x128xf32, #tpu.memory_space<vmem>>
        %gather3A_1922 = tpu.vector_load_idx %gather3A_1921[%add3A_1753, %add3A_1917] : memref<128x128xf32, #tpu.memory_space<vmem>>[vector<16xi32>, vector<16xi32>], vector<16xf32>,
        %add3A_1923 = arith.constant 13 : i32
        %add3A_1924 = vector.broadcast %add3A_1923 : i32 to vector<16xi32>
        %add3A_1925 = arith.addi %mul3A_1768, %add3A_1924 : vector<16xi32>
        tpu.vector_store_idx %arg9[%div3A_1762, %add3A_1925], %gather3A_1922 : memref<128x416xf32, #tpu.memory_space<vmem>>[vector<16xi32>, vector<16xi32>], vector<16xf32>,
        %add3A_1926 = arith.constant 14 : i32
        %add3A_1927 = vector.broadcast %add3A_1926 : i32 to vector<16xi32>
        %add3A_1928 = arith.addi %get3A_1771, %add3A_1927 : vector<16xi32>
        %gather3A_1929 = arith.constant 0 : i32
        %gather3A_1930 = arith.constant 0 : i32
        %gather3A_1931 = tpu.memref_slice %arg8[%select_n3A_277, %gather3A_1929, %gather3A_1930] : memref<3x128x128xf32, #tpu.memory_space<vmem>> -> memref<1x128x128xf32, #tpu.memory_space<vmem>>
        %gather3A_1932 = tpu.memref_squeeze %gather3A_1931 : memref<1x128x128xf32, #tpu.memory_space<vmem>> -> memref<128x128xf32, #tpu.memory_space<vmem>>
        %gather3A_1933 = tpu.vector_load_idx %gather3A_1932[%add3A_1753, %add3A_1928] : memref<128x128xf32, #tpu.memory_space<vmem>>[vector<16xi32>, vector<16xi32>], vector<16xf32>,
        %add3A_1934 = arith.constant 14 : i32
        %add3A_1935 = vector.broadcast %add3A_1934 : i32 to vector<16xi32>
        %add3A_1936 = arith.addi %mul3A_1768, %add3A_1935 : vector<16xi32>
        tpu.vector_store_idx %arg9[%div3A_1762, %add3A_1936], %gather3A_1933 : memref<128x416xf32, #tpu.memory_space<vmem>>[vector<16xi32>, vector<16xi32>], vector<16xf32>,
        %add3A_1937 = arith.constant 15 : i32
        %add3A_1938 = vector.broadcast %add3A_1937 : i32 to vector<16xi32>
        %add3A_1939 = arith.addi %get3A_1771, %add3A_1938 : vector<16xi32>
        %gather3A_1940 = arith.constant 0 : i32
        %gather3A_1941 = arith.constant 0 : i32
        %gather3A_1942 = tpu.memref_slice %arg8[%select_n3A_277, %gather3A_1940, %gather3A_1941] : memref<3x128x128xf32, #tpu.memory_space<vmem>> -> memref<1x128x128xf32, #tpu.memory_space<vmem>>
        %gather3A_1943 = tpu.memref_squeeze %gather3A_1942 : memref<1x128x128xf32, #tpu.memory_space<vmem>> -> memref<128x128xf32, #tpu.memory_space<vmem>>
        %gather3A_1944 = tpu.vector_load_idx %gather3A_1943[%add3A_1753, %add3A_1939] : memref<128x128xf32, #tpu.memory_space<vmem>>[vector<16xi32>, vector<16xi32>], vector<16xf32>,
        %add3A_1945 = arith.constant 15 : i32
        %add3A_1946 = vector.broadcast %add3A_1945 : i32 to vector<16xi32>
        %add3A_1947 = arith.addi %mul3A_1768, %add3A_1946 : vector<16xi32>
        tpu.vector_store_idx %arg9[%div3A_1762, %add3A_1947], %gather3A_1944 : memref<128x416xf32, #tpu.memory_space<vmem>>[vector<16xi32>, vector<16xi32>], vector<16xf32>,
      }
      %scan3A_255 = arith.constant 26 : i32
      %dma_start3A_256 = arith.constant 0 : i32
      %dma_start3A_257 = tpu.memref_slice %arg5[%mul3A_11, %dma_start3A_256] : memref<16384x416xf32, #tpu.memory_space<hbm>> -> memref<128x416xf32, #tpu.memory_space<hbm>>
      %dma_start3A_258 = arith.constant 0 : i32
      %dma_start3A_259 = tpu.memref_slice %arg5[%mul3A_11, %dma_start3A_258] : memref<16384x416xf32, #tpu.memory_space<hbm>> -> memref<128x416xf32, #tpu.memory_space<hbm>>
      tpu.enqueue_dma source(%arg9 : memref<128x416xf32, #tpu.memory_space<vmem>>) target(%dma_start3A_259 : memref<128x416xf32, #tpu.memory_space<hbm>>) target_semaphore(%arg11 : memref<!tpu.dma_semaphore, #tpu.memory_space<semaphore_mem>>)
      %dma_wait3A = arith.constant 0 : i32
      %dma_wait3A_260 = tpu.memref_slice %arg5[%mul3A_11, %dma_wait3A] : memref<16384x416xf32, #tpu.memory_space<hbm>> -> memref<128x416xf32, #tpu.memory_space<hbm>>
      %dma_wait3A_261 = arith.constant 0 : i32
      %dma_wait3A_262 = tpu.memref_slice %arg5[%mul3A_11, %dma_wait3A_261] : memref<16384x416xf32, #tpu.memory_space<hbm>> -> memref<128x416xf32, #tpu.memory_space<hbm>>
      tpu.wait_dma2 semaphore(%arg11 : memref<!tpu.dma_semaphore, #tpu.memory_space<semaphore_mem>>) src(%arg9 : memref<128x416xf32, #tpu.memory_space<vmem>>) dst(%dma_wait3A_262 : memref<128x416xf32, #tpu.memory_space<hbm>>)
    }
    %scan3A_5 = arith.constant 4 : i32
    return
  }
}

</mosaic_0001>

<sc_bundles>
// kernel: kernel.3.cloned.1.call-start
scs
__scs_entry_jumppad:
0x0: {  	(pc) =	sbr.rel $0x88, $3  }
0x1: {  	(tag) =	ssettag $0x0;
	lr =	simm.s32 $0x1  }
0x2: {  	[smem:$0x3F9F] =	sst lr;
	_ =	strace $0xD0000000  }
0x3: {  	_ = 	snop  }
0x4: {  	_ = 	snop  }
0x5: {  	_ = 	snop  }
0x6: {  	_ = 	snop  }
0x7: {  	_ = 	snop  }
__scs_overlays_trampoline_lowered:
0x8: {  	[smem:$0x3FAE] =	sst s0  }
0x9: {  	[smem:$0x3FAF] =	sst s1  }
0xa: {  	[smem:$0x3FB0] =	sst s2  }
0xb: {  	[smem:$0x3FB1] =	sst s3  }
0xc: {  	[smem:$0x3FB2] =	sst s4  }
0xd: {  	[smem:$0x3FB3] =	sst s5  }
0xe: {  	[smem:$0x3FB4] =	sst s6  }
0xf: {  	[smem:$0x3FB5] =	sst s7  }
0x10: {  	[smem:$0x3FB6] =	sst s8  }
0x11: {  	[smem:$0x3FB7] =	sst s9;
	s0 =	simm.s32 @!p0 $0x0  }
0x12: {  	s1 =	sld [smem:$0x3F9D];
	s0 =	simm.s32 @p0 $0x1  }
0x13: {  	[smem:$0x3FB8] =	sst s0;
	s0 =	simm.s32 @!p1 $0x0  }
0x14: {  	s2 =	sld [smem:$0x3F9C];
	s0 =	simm.s32 @p1 $0x1  }
0x15: {  	[smem:$0x3FB9] =	sst s0;
	s0 =	simm.s32 @!p2 $0x0  }
0x16: {  	s3 =	sld [smem:$0x3FDB];
	s0 =	simm.s32 @p2 $0x1  }
0x17: {  	s4 =	simm.s32 $0x1BF5;
	[smem:$0x3FBB] =	sst s0  }
0x18: {  	s0 =	sld [smem:$0x3F9E];
	_ =	swait.ge [sflag:s4], $0x0  }
0x19: {  	s7 =	sld [smem:$0x3F9F]  }
0x1a: {  	s8 =	sadd.s32 $0xFFFFE003, lr  }
0x1b: {  	s9 =	sadd.s32 $0xFFFFFEF7, lr;
	s5 =	simm.s32 $0xFFFFFFFF;
	p2 =	slt.u32 s8, $0xFFFFF086  }
0x1c: {  	p1 =	slt.u32 s9, $0xF7A;
	s5 =	simm.s32 @!p2 $0x0  }
0x1d: {  	s5 =	simm.s32 @p1 $0x1;
	p0 =	seq.s32 s7, s2  }
0x1e: {  	s7 =	smul.u32 @!p0 $0xF7A, s2;
	p2 =	seq.s32 @!p0 s5, $0x0  }
0x1f: {  	s9 =	smul.u32 $0xF7A, s1;
	s8 =	simm.s32 @!p0 $0x1BF5;
	p2 =	por !p2, p0  }
0x20: {  	[sflag:s8] =	ssyncset.s32 @!p0 $0xFFFFF086;
	s6 =	sadd.s32 @!p0 s3, s7;
	s7 =	simm.s32 @!p0 $0x108  }
0x21: {  	s3 =	sadd.s32 s3, s9;
	s6 =	sadd.s32 @!p0 $0x88, s6;
	s7 =	simm.s32 @p2 $0x1082  }
0x22: {  	[simem:s7], [sflag:s8] =	dma.local @!p0 [hbm:s6], $0xF7A  }
0x23: {  	s9 =	sor.u32 $0xD0000000, s2;
	s6 =	simm.s32 $0x108;
	_ =	swait.ge @!p0 [sflag:s8], $0x0  }
0x24: {  	s3 =	sadd.s32 $0x88, s3;
	s6 =	simm.s32 @!p1 $0x1082;
	[sflag:s4] =	ssyncset.s32 $0xFFFFF086  }
0x25: {  	[simem:s6], [sflag:s4] =	dma.local [hbm:s3], $0xF7A  }
0x26: {  	[smem:$0x3F9F] =	sst s1;
	(tag) =	ssettag s2;
	_ =	strace s9  }
0x27: {  	s1 =	sld [smem:$0x3FAF]  }
0x28: {  	s2 =	sld [smem:$0x3FB0]  }
0x29: {  	s4 =	sld [smem:$0x3FB2]  }
0x2a: {  	p0 =	seq.s32 s5, $0x0;
	s5 =	sld [smem:$0x3FB3]  }
0x2b: {  	s6 =	sld [smem:$0x3FB4]  }
0x2c: {  	s7 =	sld [smem:$0x3FB5]  }
0x2d: {  	s3 =	simm.s32 $0x108;
	s8 =	sld [smem:$0x3FB6]  }
0x2e: {  	s3 =	simm.s32 @!p0 $0x1082;
	s9 =	sld [smem:$0x3FB7]  }
0x2f: {  	lr =	sadd.s32 s0, s3;
	s0 =	sld [smem:$0x3FAE]  }
0x30: {  	s3 =	sld [smem:$0x3FB1]  }
0x31: {  	[smem:$0x3FBA] =	sst s10  }
0x32: {  	s10 =	sld [smem:$0x3FB8];
	_ =	sdelay $0x3  }
0x33: {  	p0 =	seq.s32 s10, $0x1;
	s10 =	sld [smem:$0x3FBA];
	_ =	sdelay $0x3  }
0x34: {  	[smem:$0x3FBA] =	sst s10  }
0x35: {  	s10 =	sld [smem:$0x3FB9];
	_ =	sdelay $0x3  }
0x36: {  	p1 =	seq.s32 s10, $0x1;
	s10 =	sld [smem:$0x3FBA];
	_ =	sdelay $0x3  }
0x37: {  	[smem:$0x3FBA] =	sst s10  }
0x38: {  	s10 =	sld [smem:$0x3FBB]  }
0x39: {  	_ = 	snop;
	(pc) =	sbr.ind lr, $3  }
0x3a: {  	_ = 	snop  }
0x3b: {  	_ = 	snop  }
0x3c: {  	p2 =	seq.s32 s10, $0x1;
	s10 =	sld [smem:$0x3FBA]  }
0x3d: {  	_ =	shalt  }
0x3e: {  	_ =	shalt  }
0x3f: {  	_ =	shalt  }
0x40: {  	_ =	shalt  }
0x41: {  	_ =	shalt  }
0x42: {  	_ =	shalt  }
0x43: {  	_ =	shalt  }
0x44: {  	_ =	shalt  }
0x45: {  	_ =	shalt  }
0x46: {  	_ =	shalt  }
0x47: {  	_ =	shalt  }
0x48: {  	_ =	shalt  }
0x49: {  	_ =	shalt  }
0x4a: {  	_ =	shalt  }
0x4b: {  	_ =	shalt  }
0x4c: {  	_ =	shalt  }
0x4d: {  	_ =	shalt  }
0x4e: {  	_ =	shalt  }
0x4f: {  	_ =	shalt  }
0x50: {  	_ =	shalt  }
0x51: {  	_ =	shalt  }
0x52: {  	_ =	shalt  }
0x53: {  	_ =	shalt  }
0x54: {  	_ =	shalt  }
0x55: {  	_ =	shalt  }
0x56: {  	_ =	shalt  }
0x57: {  	_ =	shalt  }
0x58: {  	_ =	shalt  }
0x59: {  	_ =	shalt  }
0x5a: {  	_ =	shalt  }
0x5b: {  	_ =	shalt  }
0x5c: {  	_ =	shalt  }
0x5d: {  	_ =	shalt  }
0x5e: {  	_ =	shalt  }
0x5f: {  	_ =	shalt  }
0x60: {  	_ =	shalt  }
0x61: {  	_ =	shalt  }
0x62: {  	_ =	shalt  }
0x63: {  	_ =	shalt  }
0x64: {  	_ =	shalt  }
0x65: {  	_ =	shalt  }
0x66: {  	_ =	shalt  }
0x67: {  	_ =	shalt  }
0x68: {  	_ =	shalt  }
0x69: {  	_ =	shalt  }
0x6a: {  	_ =	shalt  }
0x6b: {  	_ =	shalt  }
0x6c: {  	_ =	shalt  }
0x6d: {  	_ =	shalt  }
0x6e: {  	_ =	shalt  }
0x6f: {  	_ =	shalt  }
0x70: {  	_ =	shalt  }
0x71: {  	_ =	shalt  }
0x72: {  	_ =	shalt  }
0x73: {  	_ =	shalt  }
0x74: {  	_ =	shalt  }
0x75: {  	_ =	shalt  }
0x76: {  	_ =	shalt  }
0x77: {  	_ =	shalt  }
0x78: {  	_ =	shalt  }
0x79: {  	_ =	shalt  }
0x7a: {  	_ =	shalt  }
0x7b: {  	_ =	shalt  }
0x7c: {  	_ =	shalt  }
0x7d: {  	_ =	shalt  }
0x7e: {  	_ =	shalt  }
0x7f: {  	_ =	shalt  }
0x80: {  	_ =	shalt  }
0x81: {  	_ =	shalt  }
0x82: {  	_ =	shalt  }
0x83: {  	_ =	shalt  }
0x84: {  	_ =	shalt  }
0x85: {  	_ =	shalt  }
0x86: {  	_ =	shalt  }
0x87: {  	_ =	shalt  }
.Lfunc_end0:
.L_simem_size_0:
called_computation_lowered:
.L_overlay_start_0:
0x88: {  	s2 =	sld [smem:$0x3FD9]  }
0x89: {  	s3 =	sld [smem:$0x3FFE];
	_ =	sdelay $0x1  }
0x8a: {  	s1 =	srdreg.scid  }
0x8b: {  	s0 =	sand.u32 $0x1, s1  }
0x8c: {  	s17 =	sshll.u32 s0, $0xA;
	s2 =	sadd.s32 s3, s2  }
0x8d: {  	s2 =	sadd.s32 s2, s17  }
0x8e: {  	[smem:$0x3FC6] =	sst s2  }
0x8f: {  	_ = 	snop  }
0x90: {  	s2 =	sld [smem:$0x3FD0];
	(tm) =	ssettm $0x1  }
0x91: {  	s18 =	sld [smem:$0x3FFB];
	_ =	sdelay $0x3  }
0x92: {  	_ =	strace s18  }
0x93: {  	s3 =	sld [smem:$0x3FFC];
	_ =	sdelay $0x3  }
0x94: {  	_ =	strace s3  }
0x95: {  	s3 =	sld [smem:$0x3FFD];
	_ =	sdelay $0x3  }
0x96: {  	_ =	strace s3  }
0x97: {  	_ =	strace $0x8FFFFFFF  }
0x98: {  	s19 =	sld [smem:$0x3FDB];
	_ =	sdelay $0x1  }
0x99: {  	s4 =	simm.s32 $_scs_section_size  }
0x9a: {  	s5 =	simm.s32 $_size__tile_overlayer_lowered;
	s6 =	simm.s32 $_tile_overlayer_lowered  }
0x9b: {  	s22 =	simm.s32 $0x1BFF;
	s21 =	sshll.u32 s6, $0x1;
	s3 =	sadd.s32 s4, s19  }
0x9c: {  	s7 =	simm.s32 $0x0;
	s20 =	sshll.u32 s5, $0x1;
	s5 =	sadd.s32 s21, s3  }
0x9d: {  	[timem:s7], [sflag:s22] =	dma.local [hbm:s5], s20  }
0x9e: {  	_ =	swait.ge [sflag:s22], s20  }
0x9f: {  	s4 =	ssub.s32 $0x0, s20;
	[sflag:s22] =	ssyncset.done $0x0  }
0xa0: {  	[sflag:s22] =	ssyncadd.s32 s4;
	_ =	sdelay $0x1  }
0xa1: {  	s23 =	simm.s32 $0x1B8B  }
0xa2: {  	_ =	swait.ge [sflag:s23], $0x1  }
0xa3: {  	[sflag:s23] =	ssyncset.done $0x0  }
0xa4: {  	s25 =	simm.s32 $0x1B8E;
	s24 =	sld [smem:$0x3FFE];
	[sflag:s23] =	ssyncadd.s32 $0xFFFFFFFF  }
0xa5: {  	s26 =	simm.s32 $execute0_lowered;
	[smem:$0x3FD2] =	sst s25  }
0xa6: {  	s5 =	sshll.u32 s26, $0x1;
	_ =	strace $0x80000046;
	[dreg:$0x1] =	wrdreg $0xFFFFFFFF  }
0xa7: {  	s28 =	simm.s32 $_size_execute0_lowered;
	s3 =	sadd.s32 s3, s5;
	[dreg:$0x0] =	wrdreg $0x0  }
0xa8: {  	s5 =	sshll.u32 s28, $0x1;
	[dreg:$0x2] =	wrdreg s3  }
0xa9: {  	[dreg:$0x3] =	wrdreg s5  }
0xaa: {  	[dreg:$0x4] =	wrdreg $0xC0  }
0xab: {  	_ =	task [dreg:s7], $0x5FFFF  }
0xac: {  	[dreg:$0x1] =	wrdreg $0xFFFFFFFF  }
0xad: {  	[dreg:$0x0] =	wrdreg $0x60  }
0xae: {  	[dreg:$0x2] =	wrdreg s2  }
0xaf: {  	[dreg:$0x3] =	wrdreg s24  }
0xb0: {  	[dreg:$0x4] =	wrdreg $0x9  }
0xb1: {  	_ =	task.clear_ibuf [dreg:s7], $0x5FFFF;
	_ =	strace $0x90000046  }
0xb2: {  	s29 =	simm.s32 $0x9;
	_ =	strace $0x80000048  }
0xb3: {  	_ =	swait.ge [sflag:s29], $0x1  }
0xb4: {  	[sflag:s29] =	ssyncadd.s32 $0xFFFFFFFF  }
0xb5: {  	_ =	strace $0x90000048  }
0xb6: {  	_ =	sfence  }
0xb7: {  	s30 =	sld [smem:$0x0];
	_ =	sdelay $0x2  }
0xb8: {  	s31 =	sshll.u32 s1, $0xD;
	s1 =	sshrl.u32 s1, $0x2  }
0xb9: {  	s3 =	sand.u32 $0x4000, s31;
	s1 =	sadd.s32 s1, s30  }
0xba: {  	s0 =	sor.u32 s3, s0;
	s1 =	sshll.u32 s1, $0x11  }
0xbb: {  	s0 =	sor.u32 s1, s0  }
0xbc: {  	s0 =	sadd.s32 $0x8F2B, s0  }
0xbd: {  	[sflag:s0] =	ssyncadd.remote.s32 $0x1  }
0xbe: {  	_ =	sfence.sel $0xFFFF  }
0xbf: {  	[dreg:$0x0] =	wrdreg $0xFFFFFFFF;
	(pc) =	sbr.abs _section_cstart, $3  }
0xc0: {  	[dreg:$0x1] =	wrdreg $0xFFFFFFFF  }
0xc1: {  	_ =	task.clear_ibuf [dreg:s7], $0x2FFFF;
	_ =	strace $0x9FFFFFFF  }
0xc2: {  	(tm) =	ssettm $0x7FFFFFFF  }
0xc3: {  	_ =	shalt  }
tec
execute0_lowered:
.L_overlay_start_1:
0x0: {  	(tag) =	ssettag $0x1  }
0x1: {  	v0 =	vlaneseq.u32  }
0x2: {  	v1 =	vmul.u32 $0x80, v0;
	_ =	sdelay $0x1  }
0x3: {  	v2 =	vor.u32 $0x1, v1  }
0x4: {  	[tilespmem:$0x1FC20] =	vst v2;
	v2 =	vor.u32 $0x2, v1  }
0x5: {  	[tilespmem:$0x1FC30] =	vst v2;
	v2 =	vor.u32 $0x3, v1  }
0x6: {  	[tilespmem:$0x1FC40] =	vst v2;
	v2 =	vor.u32 $0x4, v1  }
0x7: {  	[tilespmem:$0x1FC50] =	vst v2;
	v2 =	vor.u32 $0x5, v1  }
0x8: {  	[tilespmem:$0x1FC60] =	vst v2;
	v2 =	vor.u32 $0x6, v1  }
0x9: {  	[tilespmem:$0x1FC70] =	vst v2;
	v2 =	vor.u32 $0x7, v1  }
0xa: {  	[tilespmem:$0x1FC80] =	vst v2;
	v2 =	vor.u32 $0x8, v1  }
0xb: {  	[tilespmem:$0x1FC90] =	vst v2;
	v2 =	vor.u32 $0x9, v1  }
0xc: {  	[tilespmem:$0x1FCA0] =	vst v2;
	v2 =	vor.u32 $0xA, v1  }
0xd: {  	[tilespmem:$0x1FCB0] =	vst v2;
	v2 =	vor.u32 $0xB, v1  }
0xe: {  	[tilespmem:$0x1FCC0] =	vst v2;
	v2 =	vor.u32 $0xC, v1  }
0xf: {  	[tilespmem:$0x1FCD0] =	vst v2;
	v2 =	vor.u32 $0xD, v1  }
0x10: {  	[tilespmem:$0x1FCE0] =	vst v2;
	v2 =	vor.u32 $0xE, v1  }
0x11: {  	[tilespmem:$0x1FCF0] =	vst v2;
	v2 =	vor.u32 $0xF, v1  }
0x12: {  	[tilespmem:$0x1FD00] =	vst v2;
	v2 =	vor.u32 $0x800, v1  }
0x13: {  	[tilespmem:$0x1FD10] =	vst v2;
	v2 =	vor.u32 $0x801, v1  }
0x14: {  	[tilespmem:$0x1FD20] =	vst v2;
	v2 =	vor.u32 $0x802, v1  }
0x15: {  	[tilespmem:$0x1FD30] =	vst v2;
	v2 =	vor.u32 $0x803, v1  }
0x16: {  	[tilespmem:$0x1FD40] =	vst v2;
	v2 =	vor.u32 $0x804, v1  }
0x17: {  	[tilespmem:$0x1FD50] =	vst v2;
	v2 =	vor.u32 $0x805, v1  }
0x18: {  	[tilespmem:$0x1FD60] =	vst v2;
	v2 =	vor.u32 $0x806, v1  }
0x19: {  	[tilespmem:$0x1FD70] =	vst v2;
	v2 =	vor.u32 $0x807, v1  }
0x1a: {  	[tilespmem:$0x1FD80] =	vst v2;
	v2 =	vor.u32 $0x808, v1  }
0x1b: {  	[tilespmem:$0x1FD90] =	vst v2;
	v2 =	vor.u32 $0x809, v1  }
0x1c: {  	[tilespmem:$0x1FDA0] =	vst v2;
	v2 =	vor.u32 $0x80A, v1  }
0x1d: {  	[tilespmem:$0x1FDB0] =	vst v2;
	v2 =	vor.u32 $0x80B, v1  }
0x1e: {  	[tilespmem:$0x1FDC0] =	vst v2;
	v2 =	vor.u32 $0x80C, v1  }
0x1f: {  	s2 =	simm.s32 $0x0;
	[tilespmem:$0x1FDD0] =	vst v2;
	v2 =	vor.u32 $0x80D, v1  }
0x20: {  	[smem:$0x7FF] =	sst s2;
	[tilespmem:$0x1FDE0] =	vst v2;
	v2 =	vor.u32 $0x80E, v1  }
0x21: {  	s0 =	rddreg [dreg:$0x1];
	_ =	strace $0x80000047;
	[tilespmem:$0x1FDF0] =	vst v2;
	v2 =	vor.u32 $0x80F, v1  }
0x22: {  	[tilespmem:$0x1FE00] =	vst v2;
	v2 =	vor.u32 $0x1000, v1  }
0x23: {  	[tilespmem:$0x1FE10] =	vst v2;
	v2 =	vor.u32 $0x1001, v1  }
0x24: {  	[tilespmem:$0x1FE20] =	vst v2;
	v2 =	vor.u32 $0x1002, v1  }
0x25: {  	[tilespmem:$0x1FE30] =	vst v2;
	v2 =	vor.u32 $0x1003, v1  }
0x26: {  	[tilespmem:$0x1FE40] =	vst v2;
	v2 =	vor.u32 $0x1004, v1  }
0x27: {  	[tilespmem:$0x1FE50] =	vst v2;
	v2 =	vor.u32 $0x1005, v1  }
0x28: {  	[tilespmem:$0x1FE60] =	vst v2;
	v2 =	vor.u32 $0x1006, v1  }
0x29: {  	[tilespmem:$0x1FE70] =	vst v2;
	v2 =	vor.u32 $0x1007, v1  }
0x2a: {  	[tilespmem:$0x1FE80] =	vst v2;
	v2 =	vor.u32 $0x1008, v1  }
0x2b: {  	[tilespmem:$0x1FE90] =	vst v2;
	v2 =	vor.u32 $0x1009, v1  }
0x2c: {  	[tilespmem:$0x1FEA0] =	vst v2;
	v2 =	vor.u32 $0x100A, v1  }
0x2d: {  	[tilespmem:$0x1FEB0] =	vst v2;
	v2 =	vor.u32 $0x100B, v1  }
0x2e: {  	[tilespmem:$0x1FEC0] =	vst v2;
	v2 =	vor.u32 $0x100C, v1  }
0x2f: {  	[tilespmem:$0x1FED0] =	vst v2;
	v2 =	vor.u32 $0x100D, v1  }
0x30: {  	[tilespmem:$0x1FEE0] =	vst v2;
	v2 =	vor.u32 $0x100E, v1  }
0x31: {  	[tilespmem:$0x1FEF0] =	vst v2;
	v2 =	vor.u32 $0x100F, v1  }
0x32: {  	[tilespmem:$0x1FF00] =	vst v2;
	v2 =	vor.u32 $0x1800, v1  }
0x33: {  	[tilespmem:$0x1FF10] =	vst v2;
	v2 =	vor.u32 $0x1801, v1  }
0x34: {  	[tilespmem:$0x1FF20] =	vst v2;
	v2 =	vor.u32 $0x1802, v1  }
0x35: {  	[tilespmem:$0x1FF30] =	vst v2;
	v2 =	vor.u32 $0x1803, v1  }
0x36: {  	[tilespmem:$0x1FF40] =	vst v2;
	v2 =	vor.u32 $0x1804, v1  }
0x37: {  	s1 =	srdreg.scid;
	s6 =	stileid.u32;
	[tilespmem:$0x1FF50] =	vst v2;
	v2 =	vor.u32 $0x1805, v1  }
0x38: {  	s9 =	simm.s32 $0x5;
	s13 =	simm.s32 $0x3000;
	s14 =	simm.s32 $0x3800;
	[tilespmem:$0x1FF60] =	vst v2;
	v2 =	vor.u32 $0x1806, v1  }
0x39: {  	s15 =	simm.s32 $0x4000;
	s16 =	simm.s32 $0x4800;
	s17 =	simm.s32 $0x5000;
	[tilespmem:$0x1FF70] =	vst v2;
	v2 =	vor.u32 $0x1807, v1  }
0x3a: {  	s18 =	simm.s32 $0x5800;
	s19 =	simm.s32 $0x6000;
	s20 =	simm.s32 $0x6800;
	[tilespmem:$0x1FF80] =	vst v2;
	v2 =	vor.u32 $0x1808, v1  }
0x3b: {  	s21 =	simm.s32 $0x7000;
	s22 =	simm.s32 $0x7800;
	s23 =	simm.s32 $0x8000;
	[tilespmem:$0x1FF90] =	vst v2;
	v2 =	vor.u32 $0x1809, v1  }
0x3c: {  	s24 =	simm.s32 $0x8800;
	s25 =	simm.s32 $0x9000;
	s1 =	sand.u32 $0x1, s1;
	[tilespmem:$0x1FFA0] =	vst v2;
	v2 =	vor.u32 $0x180A, v1  }
0x3d: {  	s28 =	simm.s32 $0xE000;
	s29 =	simm.s32 $0x4;
	s26 =	ssub.s32 $0x2, s1;
	[tilespmem:$0x1FFB0] =	vst v2;
	v2 =	vor.u32 $0x180B, v1  }
0x3e: {  	s3 =	sadd.s32 $0x600, s0;
	s5 =	sadd.s32 $0x27BCA00, s0;
	s4 =	sshrl.u32 s26, $0x1;
	[tilespmem:$0x1FFC0] =	vst v2;
	v2 =	vor.u32 $0x180C, v1  }
0x3f: {  	s30 =	sshll.u32 s6, $0x3;
	s1 =	sshll.u32 s1, $0x2;
	s2 =	ssub.s32 s26, s4;
	[tilespmem:$0x1FFD0] =	vst v2;
	v2 =	vor.u32 $0x180D, v1  }
0x40: {  	s6 =	sadd.s32 $0x10600, s0;
	s7 =	sor.u32 s1, s30;
	s31 =	smax.u32 s2, $0x1;
	[tilespmem:$0x1FFE0] =	vst v2;
	v2 =	vor.u32 $0x180E, v1  }
0x41: {  	vm0 =	vmmov $0xffff;
	s1 =	simm.s32 $0x0;
	s26 =	simm.s32 $0x9800;
	[dreg:$0x3] =	wrdreg s31;
	[tilespmem:$0x1FFF0] =	vst v2  }
.LBB2_1:
0x42: {  	[dreg:$0x4] =	wrdreg s1;
	s31 =	simm.s32 $0x0  }
.LBB2_2:
0x43: {  	s1 =	sadd.s32 s7, s31  }
0x44: {  	s2 =	rddreg [dreg:$0x0];
	s0 =	sshll.u32 s1, $0x9  }
0x45: {  	s4 =	simm.s32 $0x0;
	s2 =	sadd.s32 s2, s0  }
0x46: {  	[tilespmem:s4], [sflag:$0x5] =	stream.linear.gather [hbm4b:s2+s4], $0xD00, $0x38;
	[tilespmem:$0x1E000] =	vst v63  }
0x47: {  	_ =	swait.ge [sflag:s9], $0xD00  }
0x48: {  	[sflag:s9] =	ssyncset.done $0x0  }
0x49: {  	s10 =	simm.s32 $0x1000;
	s0 =	sadd.s32 s3, s0;
	[sflag:s9] =	ssyncadd.s32 $0xFFFFF300  }
0x4a: {  	[tilespmem:s10], [sflag:$0x5] =	stream.linear.gather [hbm4b:s0+s4], $0xD00, $0x38;
	[tilespmem:$0x1E000] =	vst v63  }
0x4b: {  	_ =	swait.ge [sflag:s9], $0xD00  }
0x4c: {  	[sflag:s9] =	ssyncset.done $0x0  }
0x4d: {  	[sflag:s9] =	ssyncadd.s32 $0xFFFFF300  }
0x4e: {  	v2 =	vld [tilespmem:$0x0];
	_ =	sdelay $0x6  }
0x4f: {  	s11 =	simm.s32 $0x2000  }
0x50: {  	[tilespmem:s11], [sflag:$0x1] =	stream.indirect_vreg.gather [hbm4b:s5+s4], $0x80, v2, vm0, $0xb8;
	[tilespmem:$0x1E000] =	vst v63  }
0x51: {  	v2 =	vld [tilespmem:$0x10];
	_ =	sdelay $0x6  }
0x52: {  	s12 =	simm.s32 $0x2800  }
0x53: {  	[tilespmem:s12], [sflag:$0x1] =	stream.indirect_vreg.gather [hbm4b:s5+s4], $0x80, v2, vm0, $0xb8;
	[tilespmem:$0x1E000] =	vst v63  }
0x54: {  	v2 =	vld [tilespmem:$0x20];
	_ =	sdelay $0x7  }
0x55: {  	[tilespmem:s13], [sflag:$0x1] =	stream.indirect_vreg.gather [hbm4b:s5+s4], $0x80, v2, vm0, $0xb8;
	[tilespmem:$0x1E000] =	vst v63  }
0x56: {  	v2 =	vld [tilespmem:$0x30];
	_ =	sdelay $0x7  }
0x57: {  	[tilespmem:s14], [sflag:$0x1] =	stream.indirect_vreg.gather [hbm4b:s5+s4], $0x80, v2, vm0, $0xb8;
	[tilespmem:$0x1E000] =	vst v63  }
0x58: {  	v2 =	vld [tilespmem:$0x40];
	_ =	sdelay $0x7  }
0x59: {  	[tilespmem:s15], [sflag:$0x1] =	stream.indirect_vreg.gather [hbm4b:s5+s4], $0x80, v2, vm0, $0xb8;
	[tilespmem:$0x1E000] =	vst v63  }
0x5a: {  	v2 =	vld [tilespmem:$0x50];
	_ =	sdelay $0x7  }
0x5b: {  	[tilespmem:s16], [sflag:$0x1] =	stream.indirect_vreg.gather [hbm4b:s5+s4], $0x80, v2, vm0, $0xb8;
	[tilespmem:$0x1E000] =	vst v63  }
0x5c: {  	v2 =	vld [tilespmem:$0x60];
	_ =	sdelay $0x7  }
0x5d: {  	[tilespmem:s17], [sflag:$0x1] =	stream.indirect_vreg.gather [hbm4b:s5+s4], $0x80, v2, vm0, $0xb8;
	[tilespmem:$0x1E000] =	vst v63  }
0x5e: {  	v2 =	vld [tilespmem:$0x70];
	_ =	sdelay $0x7  }
0x5f: {  	[tilespmem:s18], [sflag:$0x1] =	stream.indirect_vreg.gather [hbm4b:s5+s4], $0x80, v2, vm0, $0xb8;
	[tilespmem:$0x1E000] =	vst v63  }
0x60: {  	v2 =	vld [tilespmem:$0x80];
	_ =	sdelay $0x7  }
0x61: {  	[tilespmem:s19], [sflag:$0x2] =	stream.indirect_vreg.gather [hbm4b:s5+s4], $0x80, v2, vm0, $0xb8;
	[tilespmem:$0x1E000] =	vst v63  }
0x62: {  	v2 =	vld [tilespmem:$0x90]  }
0x63: {  	v14 =	vld [tilespmem:$0x1FC80]  }
0x64: {  	v15 =	vld [tilespmem:$0x1FC90]  }
0x65: {  	v16 =	vld [tilespmem:$0x1FCA0]  }
0x66: {  	v17 =	vld [tilespmem:$0x1FCB0]  }
0x67: {  	v18 =	vld [tilespmem:$0x1FCC0]  }
0x68: {  	v19 =	vld [tilespmem:$0x1FCD0]  }
0x69: {  	v20 =	vld [tilespmem:$0x1FCE0]  }
0x6a: {  	v21 =	vld [tilespmem:$0x1FCF0];
	[tilespmem:s20], [sflag:$0x2] =	stream.indirect_vreg.gather [hbm4b:s5+s4], $0x80, v2, vm0, $0xb8  }
0x6b: {  	v2 =	vld [tilespmem:$0xA0]  }
0x6c: {  	v22 =	vld [tilespmem:$0x1FD00]  }
0x6d: {  	v23 =	vld [tilespmem:$0x1FD10]  }
0x6e: {  	v24 =	vld [tilespmem:$0x1FD20]  }
0x6f: {  	v25 =	vld [tilespmem:$0x1FD30]  }
0x70: {  	v26 =	vld [tilespmem:$0x1FD40]  }
0x71: {  	v27 =	vld [tilespmem:$0x1FD50]  }
0x72: {  	v28 =	vld [tilespmem:$0x1FD60]  }
0x73: {  	v29 =	vld [tilespmem:$0x1FD70];
	[tilespmem:s21], [sflag:$0x2] =	stream.indirect_vreg.gather [hbm4b:s5+s4], $0x80, v2, vm0, $0xb8  }
0x74: {  	v2 =	vld [tilespmem:$0xB0]  }
0x75: {  	v30 =	vld [tilespmem:$0x1FD80]  }
0x76: {  	v31 =	vld [tilespmem:$0x1FD90]  }
0x77: {  	v32 =	vld [tilespmem:$0x1FDA0]  }
0x78: {  	v33 =	vld [tilespmem:$0x1FDB0]  }
0x79: {  	v34 =	vld [tilespmem:$0x1FDC0]  }
0x7a: {  	v35 =	vld [tilespmem:$0x1FDD0]  }
0x7b: {  	v36 =	vld [tilespmem:$0x1FDE0]  }
0x7c: {  	v37 =	vld [tilespmem:$0x1FE00];
	[tilespmem:s22], [sflag:$0x2] =	stream.indirect_vreg.gather [hbm4b:s5+s4], $0x80, v2, vm0, $0xb8  }
0x7d: {  	v2 =	vld [tilespmem:$0xC0]  }
0x7e: {  	v38 =	vld [tilespmem:$0x1FDF0]  }
0x7f: {  	v39 =	vld [tilespmem:$0x1FE10]  }
0x80: {  	v40 =	vld [tilespmem:$0x1FE20]  }
0x81: {  	v41 =	vld [tilespmem:$0x1FE30]  }
0x82: {  	v42 =	vld [tilespmem:$0x1FE40]  }
0x83: {  	v43 =	vld [tilespmem:$0x1FE50]  }
0x84: {  	v44 =	vld [tilespmem:$0x1FE60]  }
0x85: {  	v45 =	vld [tilespmem:$0x1FE70];
	[tilespmem:s23], [sflag:$0x2] =	stream.indirect_vreg.gather [hbm4b:s5+s4], $0x80, v2, vm0, $0xb8  }
0x86: {  	v2 =	vld [tilespmem:$0xD0]  }
0x87: {  	v46 =	vld [tilespmem:$0x1FE80]  }
0x88: {  	v47 =	vld [tilespmem:$0x1FE90]  }
0x89: {  	v48 =	vld [tilespmem:$0x1FEA0]  }
0x8a: {  	v49 =	vld [tilespmem:$0x1FEB0]  }
0x8b: {  	v50 =	vld [tilespmem:$0x1FEC0]  }
0x8c: {  	v51 =	vld [tilespmem:$0x1FED0]  }
0x8d: {  	v52 =	vld [tilespmem:$0x1FEE0]  }
0x8e: {  	v53 =	vld [tilespmem:$0x1FEF0];
	[tilespmem:s24], [sflag:$0x2] =	stream.indirect_vreg.gather [hbm4b:s5+s4], $0x80, v2, vm0, $0xb8  }
0x8f: {  	v2 =	vld [tilespmem:$0xE0]  }
0x90: {  	v54 =	vld [tilespmem:$0x1FF00]  }
0x91: {  	v55 =	vld [tilespmem:$0x1FF10]  }
0x92: {  	v56 =	vld [tilespmem:$0x1FF20]  }
0x93: {  	v57 =	vld [tilespmem:$0x1FF30]  }
0x94: {  	v58 =	vld [tilespmem:$0x1FF40]  }
0x95: {  	v59 =	vld [tilespmem:$0x1FF50]  }
0x96: {  	v60 =	vld [tilespmem:$0x1FF60]  }
0x97: {  	v61 =	vld [tilespmem:$0x1FF70];
	[tilespmem:s25], [sflag:$0x2] =	stream.indirect_vreg.gather [hbm4b:s5+s4], $0x80, v2, vm0, $0xb8  }
0x98: {  	v2 =	vld [tilespmem:$0xF0]  }
0x99: {  	v62 =	vld [tilespmem:$0x1FF80]  }
0x9a: {  	v63 =	vld [tilespmem:$0x1FF90]  }
0x9b: {  	v8 =	vld [tilespmem:$0x1FFA0]  }
0x9c: {  	v9 =	vld [tilespmem:$0x1FFB0]  }
0x9d: {  	v10 =	vld [tilespmem:$0x1FFC0]  }
0x9e: {  	v11 =	vld [tilespmem:$0x1FFD0]  }
0x9f: {  	s8 =	simm.s32 $0x70;
	s30 =	simm.s32 $0x170;
	s0 =	simm.s32 $0x1040;
	v12 =	vld [tilespmem:$0x1FFE0]  }
0xa0: {  	v13 =	vld [tilespmem:$0x1FFF0];
	[tilespmem:s26], [sflag:$0x2] =	stream.indirect_vreg.gather [hbm4b:s5+s4], $0x80, v2, vm0, $0xb8  }
.LBB2_3:
0xa1: {  	p0 =	sgt.u32 s4, $0x17  }
0xa2: {  	s2 =	sadd.s32 @!p0 $0x2, s4  }
0xa3: {  	s10 =	smul.u32 @!p0 $0xAB, s2;
	_ =	sdelay $0x1  }
0xa4: {  	v2 =	vld @!p0 [tilespmem:s30+$0xFFFFFF90];
	s10 =	sshrl.u32 @!p0 s10, $0x9  }
0xa5: {  	s10 =	sand.u32 @!p0 $0x7F, s10  }
0xa6: {  	s10 =	smul.u32 @!p0 $0x3, s10;
	_ =	sdelay $0x1  }
0xa7: {  	s2 =	ssub.s32 @!p0 s2, s10  }
0xa8: {  	s2 =	sand.u32 @!p0 $0xFF, s2  }
0xa9: {  	s10 =	sshll.u32 @!p0 s2, $0xE  }
0xaa: {  	vm1 =	vmmov @!p0 $0xffff;
	s12 =	simm.s32 @!p0 $0x0;
	s2 =	sadd.s32 @!p0 $0x1, s2;
	s11 =	sor.u32 @!p0 $0x2000, s10  }
0xab: {  	[tilespmem:s11], [sflag:s2] =	stream.indirect_vreg.gather @!p0 [hbm4b:s5+s12], $0x80, v2, vm1, $0xb8;
	[tilespmem:$0x1E000] =	vst v63  }
0xac: {  	v2 =	vld @!p0 [tilespmem:s30+$0xFFFFFFA0];
	_ =	sdelay $0x6  }
0xad: {  	s11 =	sor.u32 @!p0 $0x2800, s10  }
0xae: {  	[tilespmem:s11], [sflag:s2] =	stream.indirect_vreg.gather @!p0 [hbm4b:s5+s12], $0x80, v2, vm1, $0xb8;
	[tilespmem:$0x1E000] =	vst v63  }
0xaf: {  	v2 =	vld @!p0 [tilespmem:s30+$0xFFFFFFB0];
	_ =	sdelay $0x6  }
0xb0: {  	s11 =	sor.u32 @!p0 $0x3000, s10  }
0xb1: {  	[tilespmem:s11], [sflag:s2] =	stream.indirect_vreg.gather @!p0 [hbm4b:s5+s12], $0x80, v2, vm1, $0xb8;
	[tilespmem:$0x1E000] =	vst v63  }
0xb2: {  	v2 =	vld @!p0 [tilespmem:s30+$0xFFFFFFC0];
	_ =	sdelay $0x6  }
0xb3: {  	s11 =	sor.u32 @!p0 $0x3800, s10  }
0xb4: {  	[tilespmem:s11], [sflag:s2] =	stream.indirect_vreg.gather @!p0 [hbm4b:s5+s12], $0x80, v2, vm1, $0xb8;
	[tilespmem:$0x1E000] =	vst v63  }
0xb5: {  	v2 =	vld @!p0 [tilespmem:s30+$0xFFFFFFD0];
	_ =	sdelay $0x6  }
0xb6: {  	s11 =	sadd.s32 @!p0 $0x4000, s10  }
0xb7: {  	[tilespmem:s11], [sflag:s2] =	stream.indirect_vreg.gather @!p0 [hbm4b:s5+s12], $0x80, v2, vm1, $0xb8;
	[tilespmem:$0x1E000] =	vst v63  }
0xb8: {  	v2 =	vld @!p0 [tilespmem:s30+$0xFFFFFFE0];
	_ =	sdelay $0x6  }
0xb9: {  	s11 =	sadd.s32 @!p0 $0x4800, s10  }
0xba: {  	[tilespmem:s11], [sflag:s2] =	stream.indirect_vreg.gather @!p0 [hbm4b:s5+s12], $0x80, v2, vm1, $0xb8;
	[tilespmem:$0x1E000] =	vst v63  }
0xbb: {  	v2 =	vld @!p0 [tilespmem:s30+$0xFFFFFFF0];
	_ =	sdelay $0x6  }
0xbc: {  	s11 =	sadd.s32 @!p0 $0x5000, s10  }
0xbd: {  	[tilespmem:s11], [sflag:s2] =	stream.indirect_vreg.gather @!p0 [hbm4b:s5+s12], $0x80, v2, vm1, $0xb8;
	[tilespmem:$0x1E000] =	vst v63  }
0xbe: {  	v2 =	vld @!p0 [tilespmem:s30+$0x0];
	_ =	sdelay $0x2  }
0xbf: {  	s11 =	smul.u32 $0xAB, s4;
	_ =	sdelay $0x1  }
0xc0: {  	s11 =	sshrl.u32 s11, $0x9  }
0xc1: {  	s11 =	sand.u32 $0x7F, s11  }
0xc2: {  	s10 =	sadd.s32 @!p0 $0x5800, s10;
	s11 =	smul.u32 $0x3, s11  }
0xc3: {  	[tilespmem:s10], [sflag:s2] =	stream.indirect_vreg.gather @!p0 [hbm4b:s5+s12], $0x80, v2, vm1, $0xb8;
	[tilespmem:$0x1E000] =	vst v63  }
0xc4: {  	s10 =	ssub.s32 s4, s11  }
0xc5: {  	s2 =	sand.u32 $0xFF, s10  }
0xc6: {  	s11 =	sadd.s32 $0x1, s2  }
0xc7: {  	_ =	swait.ge [sflag:s11], $0x800  }
0xc8: {  	[sflag:s11] =	ssyncset.done $0x0  }
0xc9: {  	[sflag:s11] =	ssyncadd.s32 $0xFFFFF800  }
0xca: {  	_ =	swait.ge [sflag:s11], $0x800  }
0xcb: {  	[sflag:s11] =	ssyncset.done $0x0  }
0xcc: {  	[sflag:s11] =	ssyncadd.s32 $0xFFFFF800  }
0xcd: {  	_ =	swait.ge [sflag:s11], $0x800  }
0xce: {  	[sflag:s11] =	ssyncset.done $0x0  }
0xcf: {  	[sflag:s11] =	ssyncadd.s32 $0xFFFFF800  }
0xd0: {  	_ =	swait.ge [sflag:s11], $0x800  }
0xd1: {  	[sflag:s11] =	ssyncset.done $0x0  }
0xd2: {  	[sflag:s11] =	ssyncadd.s32 $0xFFFFF800  }
0xd3: {  	_ =	swait.ge [sflag:s11], $0x800  }
0xd4: {  	[sflag:s11] =	ssyncset.done $0x0  }
0xd5: {  	[sflag:s11] =	ssyncadd.s32 $0xFFFFF800  }
0xd6: {  	_ =	swait.ge [sflag:s11], $0x800  }
0xd7: {  	[sflag:s11] =	ssyncset.done $0x0  }
0xd8: {  	[sflag:s11] =	ssyncadd.s32 $0xFFFFF800  }
0xd9: {  	s12 =	sadd.s32 $0xFFFFFF90, s8;
	_ =	swait.ge [sflag:s11], $0x800  }
0xda: {  	v2 =	vor.u32 s12, v0;
	[sflag:s11] =	ssyncset.done $0x0  }
0xdb: {  	v3 =	vmulhi.u32 $0x4EC4EC4F, v2;
	[sflag:s11] =	ssyncadd.s32 $0xFFFFF800  }
0xdc: {  	_ =	swait.ge [sflag:s11], $0x800  }
0xdd: {  	v5 =	vshrl.u32 v3, $0x3;
	[sflag:s11] =	ssyncset.done $0x0  }
0xde: {  	v5 =	vmul.u32 $0xFFFFFFE6, v5;
	[sflag:s11] =	ssyncadd.s32 $0xFFFFF800  }
0xdf: {  	v4 =	vld [tilespmem:s0+$0xFFFFFFC0]  }
0xe0: {  	v2 =	vadd.s32 v2, v5  }
0xe1: {  	v6 =	vshll.u32 v2, $0x4;
	v2 =	vshll.u32 v2, $0x7  }
0xe2: {  	v7 =	vshll.u32 v3, $0x6;
	v6 =	vand.u32 $0x70, v6;
	v2 =	vand.u32 $0xC00, v2  }
0xe3: {  	v3 =	vshll.u32 v3, $0x4;
	v7 =	vand.u32 $0x7FFFF000, v7;
	v2 =	vor.u32 v6, v2  }
0xe4: {  	v3 =	vand.u32 $0x380, v3;
	v2 =	vor.u32 v7, v2;
	v5 =	vadd.s32 v1, v4  }
0xe5: {  	v2 =	vor.u32 v3, v2;
	v3 =	vld [tilespmem:$0x1FC20];
	_ =	sdelay $0x1  }
0xe6: {  	s2 =	sshll.u32 s2, $0xE  }
0xe7: {  	s2 =	sor.u32 $0x2000, s2  }
0xe8: {  	v5 =	vld.idx.msk [tilespmem:v5+s2+$0x0], $0xffff  }
0xe9: {  	v3 =	vadd.s32 v3, v4  }
0xea: {  	v6 =	vld [tilespmem:$0x1FC30];
	_ =	sdelay $0x2  }
0xeb: {  	[tilespmem:v2+s28+$0x0] =	vst.idx.msk $0xffff, v5  }
0xec: {  	v5 =	vor.u32 $0x1, v2;
	v3 =	vld.idx.msk [tilespmem:v3+s2+$0x0], $0xffff  }
0xed: {  	v6 =	vadd.s32 v6, v4;
	_ =	sdelay $0x3  }
0xee: {  	[tilespmem:v5+s28+$0x0] =	vst.idx.msk $0xffff, v3  }
0xef: {  	v3 =	vld.idx.msk [tilespmem:v6+s2+$0x0], $0xffff  }
0xf0: {  	v6 =	vld [tilespmem:$0x1FC40];
	_ =	sdelay $0x3  }
0xf1: {  	v5 =	vor.u32 $0x2, v2  }
0xf2: {  	v6 =	vadd.s32 v6, v4;
	_ =	sdelay $0x3  }
0xf3: {  	[tilespmem:v5+s28+$0x0] =	vst.idx.msk $0xffff, v3  }
0xf4: {  	v3 =	vld.idx.msk [tilespmem:v6+s2+$0x0], $0xffff  }
0xf5: {  	v6 =	vld [tilespmem:$0x1FC50];
	_ =	sdelay $0x3  }
0xf6: {  	v5 =	vor.u32 $0x3, v2  }
0xf7: {  	v6 =	vadd.s32 v6, v4;
	_ =	sdelay $0x3  }
0xf8: {  	[tilespmem:v5+s28+$0x0] =	vst.idx.msk $0xffff, v3  }
0xf9: {  	v3 =	vld.idx.msk [tilespmem:v6+s2+$0x0], $0xffff  }
0xfa: {  	v6 =	vld [tilespmem:$0x1FC60];
	_ =	sdelay $0x3  }
0xfb: {  	v5 =	vor.u32 $0x4, v2  }
0xfc: {  	v6 =	vadd.s32 v6, v4;
	_ =	sdelay $0x3  }
0xfd: {  	[tilespmem:v5+s28+$0x0] =	vst.idx.msk $0xffff, v3  }
0xfe: {  	v3 =	vld.idx.msk [tilespmem:v6+s2+$0x0], $0xffff  }
0xff: {  	v6 =	vld [tilespmem:$0x1FC70];
	_ =	sdelay $0x3  }
0x100: {  	v5 =	vor.u32 $0x5, v2  }
0x101: {  	v6 =	vadd.s32 v6, v4;
	_ =	sdelay $0x3  }
0x102: {  	[tilespmem:v5+s28+$0x0] =	vst.idx.msk $0xffff, v3  }
0x103: {  	v5 =	vor.u32 $0x6, v2;
	v3 =	vld.idx.msk [tilespmem:v6+s2+$0x0], $0xffff  }
0x104: {  	v6 =	vadd.s32 v14, v4;
	_ =	sdelay $0x3  }
0x105: {  	[tilespmem:v5+s28+$0x0] =	vst.idx.msk $0xffff, v3  }
0x106: {  	v5 =	vor.u32 $0x7, v2;
	v3 =	vld.idx.msk [tilespmem:v6+s2+$0x0], $0xffff  }
0x107: {  	v6 =	vadd.s32 v15, v4;
	_ =	sdelay $0x3  }
0x108: {  	[tilespmem:v5+s28+$0x0] =	vst.idx.msk $0xffff, v3  }
0x109: {  	v5 =	vor.u32 $0x8, v2;
	v3 =	vld.idx.msk [tilespmem:v6+s2+$0x0], $0xffff  }
0x10a: {  	v6 =	vadd.s32 v16, v4;
	_ =	sdelay $0x3  }
0x10b: {  	[tilespmem:v5+s28+$0x0] =	vst.idx.msk $0xffff, v3  }
0x10c: {  	v5 =	vor.u32 $0x9, v2;
	v3 =	vld.idx.msk [tilespmem:v6+s2+$0x0], $0xffff  }
0x10d: {  	v6 =	vadd.s32 v17, v4;
	_ =	sdelay $0x3  }
0x10e: {  	[tilespmem:v5+s28+$0x0] =	vst.idx.msk $0xffff, v3  }
0x10f: {  	v5 =	vor.u32 $0xA, v2;
	v3 =	vld.idx.msk [tilespmem:v6+s2+$0x0], $0xffff  }
0x110: {  	v6 =	vadd.s32 v18, v4;
	_ =	sdelay $0x3  }
0x111: {  	[tilespmem:v5+s28+$0x0] =	vst.idx.msk $0xffff, v3  }
0x112: {  	v5 =	vor.u32 $0xB, v2;
	v3 =	vld.idx.msk [tilespmem:v6+s2+$0x0], $0xffff  }
0x113: {  	v6 =	vadd.s32 v19, v4;
	_ =	sdelay $0x3  }
0x114: {  	[tilespmem:v5+s28+$0x0] =	vst.idx.msk $0xffff, v3  }
0x115: {  	v5 =	vor.u32 $0xC, v2;
	v3 =	vld.idx.msk [tilespmem:v6+s2+$0x0], $0xffff  }
0x116: {  	v6 =	vadd.s32 v20, v4;
	_ =	sdelay $0x3  }
0x117: {  	[tilespmem:v5+s28+$0x0] =	vst.idx.msk $0xffff, v3  }
0x118: {  	v5 =	vor.u32 $0xD, v2;
	v3 =	vld.idx.msk [tilespmem:v6+s2+$0x0], $0xffff  }
0x119: {  	v6 =	vadd.s32 v21, v4;
	_ =	sdelay $0x3  }
0x11a: {  	[tilespmem:v5+s28+$0x0] =	vst.idx.msk $0xffff, v3  }
0x11b: {  	v5 =	vor.u32 $0xE, v2;
	v3 =	vld.idx.msk [tilespmem:v6+s2+$0x0], $0xffff  }
0x11c: {  	v4 =	vadd.s32 v22, v4;
	_ =	sdelay $0x3  }
0x11d: {  	[tilespmem:v5+s28+$0x0] =	vst.idx.msk $0xffff, v3  }
0x11e: {  	v2 =	vor.u32 $0xF, v2;
	v3 =	vld.idx.msk [tilespmem:v4+s2+$0x0], $0xffff;
	_ =	sdelay $0x3  }
0x11f: {  	s11 =	sadd.s32 $0xFFFFFFA0, s8  }
0x120: {  	[tilespmem:v2+s28+$0x0] =	vst.idx.msk $0xffff, v3;
	v2 =	vor.u32 s11, v0  }
0x121: {  	v3 =	vmulhi.u32 $0x4EC4EC4F, v2;
	v4 =	vld [tilespmem:s0+$0xFFFFFFD0];
	_ =	sdelay $0x1  }
0x122: {  	v5 =	vshrl.u32 v3, $0x3  }
0x123: {  	v5 =	vmul.u32 $0xFFFFFFE6, v5;
	_ =	sdelay $0x1  }
0x124: {  	v2 =	vadd.s32 v2, v5;
	v5 =	vadd.s32 v23, v4  }
0x125: {  	v6 =	vshll.u32 v2, $0x4;
	v2 =	vshll.u32 v2, $0x7  }
0x126: {  	v7 =	vshll.u32 v3, $0x6;
	v6 =	vand.u32 $0x70, v6;
	v2 =	vand.u32 $0xC00, v2  }
0x127: {  	v3 =	vshll.u32 v3, $0x4;
	v7 =	vand.u32 $0x7FFFF000, v7;
	v2 =	vor.u32 v6, v2  }
0x128: {  	v3 =	vand.u32 $0x380, v3;
	v2 =	vor.u32 v7, v2  }
0x129: {  	v5 =	vld.idx.msk [tilespmem:v5+s2+$0x0], $0xffff;
	v2 =	vor.u32 v3, v2  }
0x12a: {  	v3 =	vadd.s32 v24, v4;
	_ =	sdelay $0x3  }
0x12b: {  	[tilespmem:v2+s28+$0x0] =	vst.idx.msk $0xffff, v5  }
0x12c: {  	v5 =	vor.u32 $0x1, v2;
	v3 =	vld.idx.msk [tilespmem:v3+s2+$0x0], $0xffff  }
0x12d: {  	v6 =	vadd.s32 v25, v4;
	_ =	sdelay $0x3  }
0x12e: {  	[tilespmem:v5+s28+$0x0] =	vst.idx.msk $0xffff, v3  }
0x12f: {  	v5 =	vor.u32 $0x2, v2;
	v3 =	vld.idx.msk [tilespmem:v6+s2+$0x0], $0xffff  }
0x130: {  	v6 =	vadd.s32 v26, v4;
	_ =	sdelay $0x3  }
0x131: {  	[tilespmem:v5+s28+$0x0] =	vst.idx.msk $0xffff, v3  }
0x132: {  	v5 =	vor.u32 $0x3, v2;
	v3 =	vld.idx.msk [tilespmem:v6+s2+$0x0], $0xffff  }
0x133: {  	v6 =	vadd.s32 v27, v4;
	_ =	sdelay $0x3  }
0x134: {  	[tilespmem:v5+s28+$0x0] =	vst.idx.msk $0xffff, v3  }
0x135: {  	v5 =	vor.u32 $0x4, v2;
	v3 =	vld.idx.msk [tilespmem:v6+s2+$0x0], $0xffff  }
0x136: {  	v6 =	vadd.s32 v28, v4;
	_ =	sdelay $0x3  }
0x137: {  	[tilespmem:v5+s28+$0x0] =	vst.idx.msk $0xffff, v3  }
0x138: {  	v5 =	vor.u32 $0x5, v2;
	v3 =	vld.idx.msk [tilespmem:v6+s2+$0x0], $0xffff  }
0x139: {  	v6 =	vadd.s32 v29, v4;
	_ =	sdelay $0x3  }
0x13a: {  	[tilespmem:v5+s28+$0x0] =	vst.idx.msk $0xffff, v3  }
0x13b: {  	v5 =	vor.u32 $0x6, v2;
	v3 =	vld.idx.msk [tilespmem:v6+s2+$0x0], $0xffff  }
0x13c: {  	v6 =	vadd.s32 v30, v4;
	_ =	sdelay $0x3  }
0x13d: {  	[tilespmem:v5+s28+$0x0] =	vst.idx.msk $0xffff, v3  }
0x13e: {  	v5 =	vor.u32 $0x7, v2;
	v3 =	vld.idx.msk [tilespmem:v6+s2+$0x0], $0xffff  }
0x13f: {  	v6 =	vadd.s32 v31, v4;
	_ =	sdelay $0x3  }
0x140: {  	[tilespmem:v5+s28+$0x0] =	vst.idx.msk $0xffff, v3  }
0x141: {  	v5 =	vor.u32 $0x8, v2;
	v3 =	vld.idx.msk [tilespmem:v6+s2+$0x0], $0xffff  }
0x142: {  	v6 =	vadd.s32 v32, v4;
	_ =	sdelay $0x3  }
0x143: {  	[tilespmem:v5+s28+$0x0] =	vst.idx.msk $0xffff, v3  }
0x144: {  	v5 =	vor.u32 $0x9, v2;
	v3 =	vld.idx.msk [tilespmem:v6+s2+$0x0], $0xffff  }
0x145: {  	v6 =	vadd.s32 v33, v4;
	_ =	sdelay $0x3  }
0x146: {  	[tilespmem:v5+s28+$0x0] =	vst.idx.msk $0xffff, v3  }
0x147: {  	v5 =	vor.u32 $0xA, v2;
	v3 =	vld.idx.msk [tilespmem:v6+s2+$0x0], $0xffff  }
0x148: {  	v6 =	vadd.s32 v34, v4;
	_ =	sdelay $0x3  }
0x149: {  	[tilespmem:v5+s28+$0x0] =	vst.idx.msk $0xffff, v3  }
0x14a: {  	v5 =	vor.u32 $0xB, v2;
	v3 =	vld.idx.msk [tilespmem:v6+s2+$0x0], $0xffff  }
0x14b: {  	v6 =	vadd.s32 v35, v4;
	_ =	sdelay $0x3  }
0x14c: {  	[tilespmem:v5+s28+$0x0] =	vst.idx.msk $0xffff, v3  }
0x14d: {  	v5 =	vor.u32 $0xC, v2;
	v3 =	vld.idx.msk [tilespmem:v6+s2+$0x0], $0xffff  }
0x14e: {  	v6 =	vadd.s32 v36, v4;
	_ =	sdelay $0x3  }
0x14f: {  	[tilespmem:v5+s28+$0x0] =	vst.idx.msk $0xffff, v3  }
0x150: {  	v5 =	vor.u32 $0xD, v2;
	v3 =	vld.idx.msk [tilespmem:v6+s2+$0x0], $0xffff  }
0x151: {  	v6 =	vadd.s32 v38, v4;
	_ =	sdelay $0x3  }
0x152: {  	[tilespmem:v5+s28+$0x0] =	vst.idx.msk $0xffff, v3  }
0x153: {  	v5 =	vor.u32 $0xE, v2;
	v3 =	vld.idx.msk [tilespmem:v6+s2+$0x0], $0xffff  }
0x154: {  	v4 =	vadd.s32 v37, v4;
	_ =	sdelay $0x3  }
0x155: {  	[tilespmem:v5+s28+$0x0] =	vst.idx.msk $0xffff, v3  }
0x156: {  	v2 =	vor.u32 $0xF, v2;
	v3 =	vld.idx.msk [tilespmem:v4+s2+$0x0], $0xffff;
	_ =	sdelay $0x3  }
0x157: {  	s12 =	sadd.s32 $0xFFFFFFB0, s8  }
0x158: {  	[tilespmem:v2+s28+$0x0] =	vst.idx.msk $0xffff, v3;
	v2 =	vor.u32 s12, v0  }
0x159: {  	v3 =	vmulhi.u32 $0x4EC4EC4F, v2;
	v4 =	vld [tilespmem:s0+$0xFFFFFFE0];
	_ =	sdelay $0x1  }
0x15a: {  	v5 =	vshrl.u32 v3, $0x3  }
0x15b: {  	v5 =	vmul.u32 $0xFFFFFFE6, v5;
	_ =	sdelay $0x1  }
0x15c: {  	v2 =	vadd.s32 v2, v5;
	v5 =	vadd.s32 v39, v4  }
0x15d: {  	v6 =	vshll.u32 v2, $0x4;
	v2 =	vshll.u32 v2, $0x7  }
0x15e: {  	v7 =	vshll.u32 v3, $0x6;
	v6 =	vand.u32 $0x70, v6;
	v2 =	vand.u32 $0xC00, v2  }
0x15f: {  	v3 =	vshll.u32 v3, $0x4;
	v7 =	vand.u32 $0x7FFFF000, v7;
	v2 =	vor.u32 v6, v2  }
0x160: {  	v3 =	vand.u32 $0x380, v3;
	v2 =	vor.u32 v7, v2  }
0x161: {  	v5 =	vld.idx.msk [tilespmem:v5+s2+$0x0], $0xffff;
	v2 =	vor.u32 v3, v2  }
0x162: {  	v3 =	vadd.s32 v40, v4;
	_ =	sdelay $0x3  }
0x163: {  	[tilespmem:v2+s28+$0x0] =	vst.idx.msk $0xffff, v5  }
0x164: {  	v5 =	vor.u32 $0x1, v2;
	v3 =	vld.idx.msk [tilespmem:v3+s2+$0x0], $0xffff  }
0x165: {  	v6 =	vadd.s32 v41, v4;
	_ =	sdelay $0x3  }
0x166: {  	[tilespmem:v5+s28+$0x0] =	vst.idx.msk $0xffff, v3  }
0x167: {  	v5 =	vor.u32 $0x2, v2;
	v3 =	vld.idx.msk [tilespmem:v6+s2+$0x0], $0xffff  }
0x168: {  	v6 =	vadd.s32 v42, v4;
	_ =	sdelay $0x3  }
0x169: {  	[tilespmem:v5+s28+$0x0] =	vst.idx.msk $0xffff, v3  }
0x16a: {  	v5 =	vor.u32 $0x3, v2;
	v3 =	vld.idx.msk [tilespmem:v6+s2+$0x0], $0xffff  }
0x16b: {  	v6 =	vadd.s32 v43, v4;
	_ =	sdelay $0x3  }
0x16c: {  	[tilespmem:v5+s28+$0x0] =	vst.idx.msk $0xffff, v3  }
0x16d: {  	v5 =	vor.u32 $0x4, v2;
	v3 =	vld.idx.msk [tilespmem:v6+s2+$0x0], $0xffff  }
0x16e: {  	v6 =	vadd.s32 v44, v4;
	_ =	sdelay $0x3  }
0x16f: {  	[tilespmem:v5+s28+$0x0] =	vst.idx.msk $0xffff, v3  }
0x170: {  	v5 =	vor.u32 $0x5, v2;
	v3 =	vld.idx.msk [tilespmem:v6+s2+$0x0], $0xffff  }
0x171: {  	v6 =	vadd.s32 v45, v4;
	_ =	sdelay $0x3  }
0x172: {  	[tilespmem:v5+s28+$0x0] =	vst.idx.msk $0xffff, v3  }
0x173: {  	v5 =	vor.u32 $0x6, v2;
	v3 =	vld.idx.msk [tilespmem:v6+s2+$0x0], $0xffff  }
0x174: {  	v6 =	vadd.s32 v46, v4;
	_ =	sdelay $0x3  }
0x175: {  	[tilespmem:v5+s28+$0x0] =	vst.idx.msk $0xffff, v3  }
0x176: {  	v5 =	vor.u32 $0x7, v2;
	v3 =	vld.idx.msk [tilespmem:v6+s2+$0x0], $0xffff  }
0x177: {  	v6 =	vadd.s32 v47, v4;
	_ =	sdelay $0x3  }
0x178: {  	[tilespmem:v5+s28+$0x0] =	vst.idx.msk $0xffff, v3  }
0x179: {  	v5 =	vor.u32 $0x8, v2;
	v3 =	vld.idx.msk [tilespmem:v6+s2+$0x0], $0xffff  }
0x17a: {  	v6 =	vadd.s32 v48, v4;
	_ =	sdelay $0x3  }
0x17b: {  	[tilespmem:v5+s28+$0x0] =	vst.idx.msk $0xffff, v3  }
0x17c: {  	v5 =	vor.u32 $0x9, v2;
	v3 =	vld.idx.msk [tilespmem:v6+s2+$0x0], $0xffff  }
0x17d: {  	v6 =	vadd.s32 v49, v4;
	_ =	sdelay $0x3  }
0x17e: {  	[tilespmem:v5+s28+$0x0] =	vst.idx.msk $0xffff, v3  }
0x17f: {  	v5 =	vor.u32 $0xA, v2;
	v3 =	vld.idx.msk [tilespmem:v6+s2+$0x0], $0xffff  }
0x180: {  	v6 =	vadd.s32 v50, v4;
	_ =	sdelay $0x3  }
0x181: {  	[tilespmem:v5+s28+$0x0] =	vst.idx.msk $0xffff, v3  }
0x182: {  	v5 =	vor.u32 $0xB, v2;
	v3 =	vld.idx.msk [tilespmem:v6+s2+$0x0], $0xffff  }
0x183: {  	v6 =	vadd.s32 v51, v4;
	_ =	sdelay $0x3  }
0x184: {  	[tilespmem:v5+s28+$0x0] =	vst.idx.msk $0xffff, v3  }
0x185: {  	v5 =	vor.u32 $0xC, v2;
	v3 =	vld.idx.msk [tilespmem:v6+s2+$0x0], $0xffff  }
0x186: {  	v6 =	vadd.s32 v52, v4;
	_ =	sdelay $0x3  }
0x187: {  	[tilespmem:v5+s28+$0x0] =	vst.idx.msk $0xffff, v3  }
0x188: {  	v5 =	vor.u32 $0xD, v2;
	v3 =	vld.idx.msk [tilespmem:v6+s2+$0x0], $0xffff  }
0x189: {  	v6 =	vadd.s32 v53, v4;
	_ =	sdelay $0x3  }
0x18a: {  	[tilespmem:v5+s28+$0x0] =	vst.idx.msk $0xffff, v3  }
0x18b: {  	v5 =	vor.u32 $0xE, v2;
	v3 =	vld.idx.msk [tilespmem:v6+s2+$0x0], $0xffff  }
0x18c: {  	v4 =	vadd.s32 v54, v4;
	_ =	sdelay $0x3  }
0x18d: {  	[tilespmem:v5+s28+$0x0] =	vst.idx.msk $0xffff, v3  }
0x18e: {  	v2 =	vor.u32 $0xF, v2;
	v3 =	vld.idx.msk [tilespmem:v4+s2+$0x0], $0xffff;
	_ =	sdelay $0x3  }
0x18f: {  	s11 =	sadd.s32 $0xFFFFFFC0, s8  }
0x190: {  	[tilespmem:v2+s28+$0x0] =	vst.idx.msk $0xffff, v3;
	v2 =	vor.u32 s11, v0  }
0x191: {  	v3 =	vmulhi.u32 $0x4EC4EC4F, v2;
	v4 =	vld [tilespmem:s0+$0xFFFFFFF0];
	_ =	sdelay $0x1  }
0x192: {  	v5 =	vshrl.u32 v3, $0x3  }
0x193: {  	v5 =	vmul.u32 $0xFFFFFFE6, v5;
	_ =	sdelay $0x1  }
0x194: {  	v2 =	vadd.s32 v2, v5;
	v5 =	vadd.s32 v55, v4  }
0x195: {  	v6 =	vshll.u32 v2, $0x4;
	v2 =	vshll.u32 v2, $0x7  }
0x196: {  	v7 =	vshll.u32 v3, $0x6;
	v6 =	vand.u32 $0x70, v6;
	v2 =	vand.u32 $0xC00, v2  }
0x197: {  	v3 =	vshll.u32 v3, $0x4;
	v7 =	vand.u32 $0x7FFFF000, v7;
	v2 =	vor.u32 v6, v2  }
0x198: {  	v3 =	vand.u32 $0x380, v3;
	v2 =	vor.u32 v7, v2  }
0x199: {  	v5 =	vld.idx.msk [tilespmem:v5+s2+$0x0], $0xffff;
	v2 =	vor.u32 v3, v2  }
0x19a: {  	v3 =	vadd.s32 v56, v4;
	_ =	sdelay $0x3  }
0x19b: {  	[tilespmem:v2+s28+$0x0] =	vst.idx.msk $0xffff, v5  }
0x19c: {  	v5 =	vor.u32 $0x1, v2;
	v3 =	vld.idx.msk [tilespmem:v3+s2+$0x0], $0xffff  }
0x19d: {  	v6 =	vadd.s32 v57, v4;
	_ =	sdelay $0x3  }
0x19e: {  	[tilespmem:v5+s28+$0x0] =	vst.idx.msk $0xffff, v3  }
0x19f: {  	v5 =	vor.u32 $0x2, v2;
	v3 =	vld.idx.msk [tilespmem:v6+s2+$0x0], $0xffff  }
0x1a0: {  	v6 =	vadd.s32 v58, v4;
	_ =	sdelay $0x3  }
0x1a1: {  	[tilespmem:v5+s28+$0x0] =	vst.idx.msk $0xffff, v3  }
0x1a2: {  	v5 =	vor.u32 $0x3, v2;
	v3 =	vld.idx.msk [tilespmem:v6+s2+$0x0], $0xffff  }
0x1a3: {  	v6 =	vadd.s32 v59, v4;
	_ =	sdelay $0x3  }
0x1a4: {  	[tilespmem:v5+s28+$0x0] =	vst.idx.msk $0xffff, v3  }
0x1a5: {  	v5 =	vor.u32 $0x4, v2;
	v3 =	vld.idx.msk [tilespmem:v6+s2+$0x0], $0xffff  }
0x1a6: {  	v6 =	vadd.s32 v60, v4;
	_ =	sdelay $0x3  }
0x1a7: {  	[tilespmem:v5+s28+$0x0] =	vst.idx.msk $0xffff, v3  }
0x1a8: {  	v5 =	vor.u32 $0x5, v2;
	v3 =	vld.idx.msk [tilespmem:v6+s2+$0x0], $0xffff  }
0x1a9: {  	v6 =	vadd.s32 v61, v4;
	_ =	sdelay $0x3  }
0x1aa: {  	[tilespmem:v5+s28+$0x0] =	vst.idx.msk $0xffff, v3  }
0x1ab: {  	v5 =	vor.u32 $0x6, v2;
	v3 =	vld.idx.msk [tilespmem:v6+s2+$0x0], $0xffff  }
0x1ac: {  	v6 =	vadd.s32 v62, v4;
	_ =	sdelay $0x3  }
0x1ad: {  	[tilespmem:v5+s28+$0x0] =	vst.idx.msk $0xffff, v3  }
0x1ae: {  	v5 =	vor.u32 $0x7, v2;
	v3 =	vld.idx.msk [tilespmem:v6+s2+$0x0], $0xffff  }
0x1af: {  	v6 =	vadd.s32 v63, v4;
	_ =	sdelay $0x3  }
0x1b0: {  	[tilespmem:v5+s28+$0x0] =	vst.idx.msk $0xffff, v3  }
0x1b1: {  	v5 =	vor.u32 $0x8, v2;
	v3 =	vld.idx.msk [tilespmem:v6+s2+$0x0], $0xffff  }
0x1b2: {  	v6 =	vadd.s32 v8, v4;
	_ =	sdelay $0x3  }
0x1b3: {  	[tilespmem:v5+s28+$0x0] =	vst.idx.msk $0xffff, v3  }
0x1b4: {  	v5 =	vor.u32 $0x9, v2;
	v3 =	vld.idx.msk [tilespmem:v6+s2+$0x0], $0xffff  }
0x1b5: {  	v6 =	vadd.s32 v9, v4;
	_ =	sdelay $0x3  }
0x1b6: {  	[tilespmem:v5+s28+$0x0] =	vst.idx.msk $0xffff, v3  }
0x1b7: {  	v5 =	vor.u32 $0xA, v2;
	v3 =	vld.idx.msk [tilespmem:v6+s2+$0x0], $0xffff  }
0x1b8: {  	v6 =	vadd.s32 v10, v4;
	_ =	sdelay $0x3  }
0x1b9: {  	[tilespmem:v5+s28+$0x0] =	vst.idx.msk $0xffff, v3  }
0x1ba: {  	v5 =	vor.u32 $0xB, v2;
	v3 =	vld.idx.msk [tilespmem:v6+s2+$0x0], $0xffff  }
0x1bb: {  	v6 =	vadd.s32 v11, v4;
	_ =	sdelay $0x3  }
0x1bc: {  	[tilespmem:v5+s28+$0x0] =	vst.idx.msk $0xffff, v3  }
0x1bd: {  	v5 =	vor.u32 $0xC, v2;
	v3 =	vld.idx.msk [tilespmem:v6+s2+$0x0], $0xffff  }
0x1be: {  	v6 =	vadd.s32 v12, v4;
	_ =	sdelay $0x3  }
0x1bf: {  	[tilespmem:v5+s28+$0x0] =	vst.idx.msk $0xffff, v3  }
0x1c0: {  	v5 =	vor.u32 $0xD, v2;
	v3 =	vld.idx.msk [tilespmem:v6+s2+$0x0], $0xffff  }
0x1c1: {  	v6 =	vadd.s32 v13, v4;
	_ =	sdelay $0x3  }
0x1c2: {  	[tilespmem:v5+s28+$0x0] =	vst.idx.msk $0xffff, v3  }
0x1c3: {  	v5 =	vor.u32 $0xE, v2;
	v3 =	vld.idx.msk [tilespmem:v6+s2+$0x0], $0xffff;
	v6 =	vor.u32 $0x180F, v1  }
0x1c4: {  	v4 =	vadd.s32 v6, v4;
	_ =	sdelay $0x3  }
0x1c5: {  	[tilespmem:v5+s28+$0x0] =	vst.idx.msk $0xffff, v3  }
0x1c6: {  	v2 =	vor.u32 $0xF, v2;
	v3 =	vld.idx.msk [tilespmem:v4+s2+$0x0], $0xffff;
	_ =	sdelay $0x3  }
0x1c7: {  	s12 =	sadd.s32 $0xFFFFFFD0, s8  }
0x1c8: {  	[tilespmem:v2+s28+$0x0] =	vst.idx.msk $0xffff, v3;
	v2 =	vor.u32 s12, v0  }
0x1c9: {  	v3 =	vmulhi.u32 $0x4EC4EC4F, v2;
	v4 =	vld [tilespmem:s0+$0x0];
	_ =	sdelay $0x1  }
0x1ca: {  	v5 =	vshrl.u32 v3, $0x3  }
0x1cb: {  	v5 =	vmul.u32 $0xFFFFFFE6, v5  }
0x1cc: {  	v6 =	vor.u32 $0x2000, v1  }
0x1cd: {  	v2 =	vadd.s32 v2, v5;
	v5 =	vadd.s32 v6, v4  }
0x1ce: {  	v6 =	vshll.u32 v2, $0x4;
	v2 =	vshll.u32 v2, $0x7  }
0x1cf: {  	v7 =	vshll.u32 v3, $0x6;
	v6 =	vand.u32 $0x70, v6;
	v2 =	vand.u32 $0xC00, v2  }
0x1d0: {  	v3 =	vshll.u32 v3, $0x4;
	v7 =	vand.u32 $0x7FFFF000, v7;
	v2 =	vor.u32 v6, v2  }
0x1d1: {  	v3 =	vand.u32 $0x380, v3;
	v2 =	vor.u32 v7, v2  }
0x1d2: {  	v5 =	vld.idx.msk [tilespmem:v5+s2+$0x0], $0xffff;
	v2 =	vor.u32 v3, v2;
	v3 =	vor.u32 $0x2001, v1  }
0x1d3: {  	v3 =	vadd.s32 v3, v4;
	_ =	sdelay $0x3  }
0x1d4: {  	[tilespmem:v2+s28+$0x0] =	vst.idx.msk $0xffff, v5  }
0x1d5: {  	v6 =	vor.u32 $0x2002, v1;
	v5 =	vor.u32 $0x1, v2;
	v3 =	vld.idx.msk [tilespmem:v3+s2+$0x0], $0xffff  }
0x1d6: {  	v6 =	vadd.s32 v6, v4;
	_ =	sdelay $0x3  }
0x1d7: {  	[tilespmem:v5+s28+$0x0] =	vst.idx.msk $0xffff, v3  }
0x1d8: {  	v5 =	vor.u32 $0x2, v2;
	v3 =	vld.idx.msk [tilespmem:v6+s2+$0x0], $0xffff;
	v6 =	vor.u32 $0x2003, v1  }
0x1d9: {  	v6 =	vadd.s32 v6, v4;
	_ =	sdelay $0x3  }
0x1da: {  	[tilespmem:v5+s28+$0x0] =	vst.idx.msk $0xffff, v3  }
0x1db: {  	v5 =	vor.u32 $0x3, v2;
	v3 =	vld.idx.msk [tilespmem:v6+s2+$0x0], $0xffff;
	v6 =	vor.u32 $0x2004, v1  }
0x1dc: {  	v6 =	vadd.s32 v6, v4;
	_ =	sdelay $0x3  }
0x1dd: {  	[tilespmem:v5+s28+$0x0] =	vst.idx.msk $0xffff, v3  }
0x1de: {  	v5 =	vor.u32 $0x4, v2;
	v3 =	vld.idx.msk [tilespmem:v6+s2+$0x0], $0xffff;
	v6 =	vor.u32 $0x2005, v1  }
0x1df: {  	v6 =	vadd.s32 v6, v4;
	_ =	sdelay $0x3  }
0x1e0: {  	[tilespmem:v5+s28+$0x0] =	vst.idx.msk $0xffff, v3  }
0x1e1: {  	v5 =	vor.u32 $0x5, v2;
	v3 =	vld.idx.msk [tilespmem:v6+s2+$0x0], $0xffff;
	v6 =	vor.u32 $0x2006, v1  }
0x1e2: {  	v6 =	vadd.s32 v6, v4;
	_ =	sdelay $0x3  }
0x1e3: {  	[tilespmem:v5+s28+$0x0] =	vst.idx.msk $0xffff, v3  }
0x1e4: {  	v5 =	vor.u32 $0x6, v2;
	v3 =	vld.idx.msk [tilespmem:v6+s2+$0x0], $0xffff;
	v6 =	vor.u32 $0x2007, v1  }
0x1e5: {  	v6 =	vadd.s32 v6, v4;
	_ =	sdelay $0x3  }
0x1e6: {  	[tilespmem:v5+s28+$0x0] =	vst.idx.msk $0xffff, v3  }
0x1e7: {  	v5 =	vor.u32 $0x7, v2;
	v3 =	vld.idx.msk [tilespmem:v6+s2+$0x0], $0xffff;
	v6 =	vor.u32 $0x2008, v1  }
0x1e8: {  	v6 =	vadd.s32 v6, v4;
	_ =	sdelay $0x3  }
0x1e9: {  	[tilespmem:v5+s28+$0x0] =	vst.idx.msk $0xffff, v3  }
0x1ea: {  	v5 =	vor.u32 $0x8, v2;
	v3 =	vld.idx.msk [tilespmem:v6+s2+$0x0], $0xffff;
	v6 =	vor.u32 $0x2009, v1  }
0x1eb: {  	v6 =	vadd.s32 v6, v4;
	_ =	sdelay $0x3  }
0x1ec: {  	[tilespmem:v5+s28+$0x0] =	vst.idx.msk $0xffff, v3  }
0x1ed: {  	v5 =	vor.u32 $0x9, v2;
	v3 =	vld.idx.msk [tilespmem:v6+s2+$0x0], $0xffff;
	v6 =	vor.u32 $0x200A, v1  }
0x1ee: {  	v6 =	vadd.s32 v6, v4;
	_ =	sdelay $0x3  }
0x1ef: {  	[tilespmem:v5+s28+$0x0] =	vst.idx.msk $0xffff, v3  }
0x1f0: {  	v5 =	vor.u32 $0xA, v2;
	v3 =	vld.idx.msk [tilespmem:v6+s2+$0x0], $0xffff;
	v6 =	vor.u32 $0x200B, v1  }
0x1f1: {  	v6 =	vadd.s32 v6, v4;
	_ =	sdelay $0x3  }
0x1f2: {  	[tilespmem:v5+s28+$0x0] =	vst.idx.msk $0xffff, v3  }
0x1f3: {  	v5 =	vor.u32 $0xB, v2;
	v3 =	vld.idx.msk [tilespmem:v6+s2+$0x0], $0xffff;
	v6 =	vor.u32 $0x200C, v1  }
0x1f4: {  	v6 =	vadd.s32 v6, v4;
	_ =	sdelay $0x3  }
0x1f5: {  	[tilespmem:v5+s28+$0x0] =	vst.idx.msk $0xffff, v3  }
0x1f6: {  	v5 =	vor.u32 $0xC, v2;
	v3 =	vld.idx.msk [tilespmem:v6+s2+$0x0], $0xffff;
	v6 =	vor.u32 $0x200D, v1  }
0x1f7: {  	v6 =	vadd.s32 v6, v4;
	_ =	sdelay $0x3  }
0x1f8: {  	[tilespmem:v5+s28+$0x0] =	vst.idx.msk $0xffff, v3  }
0x1f9: {  	v5 =	vor.u32 $0xD, v2;
	v3 =	vld.idx.msk [tilespmem:v6+s2+$0x0], $0xffff;
	v6 =	vor.u32 $0x200E, v1  }
0x1fa: {  	v6 =	vadd.s32 v6, v4;
	_ =	sdelay $0x3  }
0x1fb: {  	[tilespmem:v5+s28+$0x0] =	vst.idx.msk $0xffff, v3  }
0x1fc: {  	v5 =	vor.u32 $0xE, v2;
	v3 =	vld.idx.msk [tilespmem:v6+s2+$0x0], $0xffff;
	v6 =	vor.u32 $0x200F, v1  }
0x1fd: {  	v4 =	vadd.s32 v6, v4;
	_ =	sdelay $0x3  }
0x1fe: {  	[tilespmem:v5+s28+$0x0] =	vst.idx.msk $0xffff, v3  }
0x1ff: {  	v2 =	vor.u32 $0xF, v2;
	v3 =	vld.idx.msk [tilespmem:v4+s2+$0x0], $0xffff;
	_ =	sdelay $0x3  }
0x200: {  	s11 =	sadd.s32 $0xFFFFFFE0, s8  }
0x201: {  	[tilespmem:v2+s28+$0x0] =	vst.idx.msk $0xffff, v3;
	v2 =	vor.u32 s11, v0  }
0x202: {  	v3 =	vmulhi.u32 $0x4EC4EC4F, v2;
	v4 =	vld [tilespmem:s0+$0x10];
	_ =	sdelay $0x1  }
0x203: {  	v5 =	vshrl.u32 v3, $0x3  }
0x204: {  	v5 =	vmul.u32 $0xFFFFFFE6, v5  }
0x205: {  	v6 =	vor.u32 $0x2800, v1  }
0x206: {  	v2 =	vadd.s32 v2, v5;
	v5 =	vadd.s32 v6, v4  }
0x207: {  	v6 =	vshll.u32 v2, $0x4;
	v2 =	vshll.u32 v2, $0x7  }
0x208: {  	v7 =	vshll.u32 v3, $0x6;
	v6 =	vand.u32 $0x70, v6;
	v2 =	vand.u32 $0xC00, v2  }
0x209: {  	v3 =	vshll.u32 v3, $0x4;
	v7 =	vand.u32 $0x7FFFF000, v7;
	v2 =	vor.u32 v6, v2  }
0x20a: {  	v3 =	vand.u32 $0x380, v3;
	v2 =	vor.u32 v7, v2  }
0x20b: {  	v5 =	vld.idx.msk [tilespmem:v5+s2+$0x0], $0xffff;
	v2 =	vor.u32 v3, v2;
	v3 =	vor.u32 $0x2801, v1  }
0x20c: {  	v3 =	vadd.s32 v3, v4;
	_ =	sdelay $0x3  }
0x20d: {  	[tilespmem:v2+s28+$0x0] =	vst.idx.msk $0xffff, v5  }
0x20e: {  	v6 =	vor.u32 $0x2802, v1;
	v5 =	vor.u32 $0x1, v2;
	v3 =	vld.idx.msk [tilespmem:v3+s2+$0x0], $0xffff  }
0x20f: {  	v6 =	vadd.s32 v6, v4;
	_ =	sdelay $0x3  }
0x210: {  	[tilespmem:v5+s28+$0x0] =	vst.idx.msk $0xffff, v3  }
0x211: {  	v5 =	vor.u32 $0x2, v2;
	v3 =	vld.idx.msk [tilespmem:v6+s2+$0x0], $0xffff;
	v6 =	vor.u32 $0x2803, v1  }
0x212: {  	v6 =	vadd.s32 v6, v4;
	_ =	sdelay $0x3  }
0x213: {  	[tilespmem:v5+s28+$0x0] =	vst.idx.msk $0xffff, v3  }
0x214: {  	v5 =	vor.u32 $0x3, v2;
	v3 =	vld.idx.msk [tilespmem:v6+s2+$0x0], $0xffff;
	v6 =	vor.u32 $0x2804, v1  }
0x215: {  	v6 =	vadd.s32 v6, v4;
	_ =	sdelay $0x3  }
0x216: {  	[tilespmem:v5+s28+$0x0] =	vst.idx.msk $0xffff, v3  }
0x217: {  	v5 =	vor.u32 $0x4, v2;
	v3 =	vld.idx.msk [tilespmem:v6+s2+$0x0], $0xffff;
	v6 =	vor.u32 $0x2805, v1  }
0x218: {  	v6 =	vadd.s32 v6, v4;
	_ =	sdelay $0x3  }
0x219: {  	[tilespmem:v5+s28+$0x0] =	vst.idx.msk $0xffff, v3  }
0x21a: {  	v5 =	vor.u32 $0x5, v2;
	v3 =	vld.idx.msk [tilespmem:v6+s2+$0x0], $0xffff;
	v6 =	vor.u32 $0x2806, v1  }
0x21b: {  	v6 =	vadd.s32 v6, v4;
	_ =	sdelay $0x3  }
0x21c: {  	[tilespmem:v5+s28+$0x0] =	vst.idx.msk $0xffff, v3  }
0x21d: {  	v5 =	vor.u32 $0x6, v2;
	v3 =	vld.idx.msk [tilespmem:v6+s2+$0x0], $0xffff;
	v6 =	vor.u32 $0x2807, v1  }
0x21e: {  	v6 =	vadd.s32 v6, v4;
	_ =	sdelay $0x3  }
0x21f: {  	[tilespmem:v5+s28+$0x0] =	vst.idx.msk $0xffff, v3  }
0x220: {  	v5 =	vor.u32 $0x7, v2;
	v3 =	vld.idx.msk [tilespmem:v6+s2+$0x0], $0xffff;
	v6 =	vor.u32 $0x2808, v1  }
0x221: {  	v6 =	vadd.s32 v6, v4;
	_ =	sdelay $0x3  }
0x222: {  	[tilespmem:v5+s28+$0x0] =	vst.idx.msk $0xffff, v3  }
0x223: {  	v5 =	vor.u32 $0x8, v2;
	v3 =	vld.idx.msk [tilespmem:v6+s2+$0x0], $0xffff;
	v6 =	vor.u32 $0x2809, v1  }
0x224: {  	v6 =	vadd.s32 v6, v4;
	_ =	sdelay $0x3  }
0x225: {  	[tilespmem:v5+s28+$0x0] =	vst.idx.msk $0xffff, v3  }
0x226: {  	v5 =	vor.u32 $0x9, v2;
	v3 =	vld.idx.msk [tilespmem:v6+s2+$0x0], $0xffff;
	v6 =	vor.u32 $0x280A, v1  }
0x227: {  	v6 =	vadd.s32 v6, v4;
	_ =	sdelay $0x3  }
0x228: {  	[tilespmem:v5+s28+$0x0] =	vst.idx.msk $0xffff, v3  }
0x229: {  	v5 =	vor.u32 $0xA, v2;
	v3 =	vld.idx.msk [tilespmem:v6+s2+$0x0], $0xffff;
	v6 =	vor.u32 $0x280B, v1  }
0x22a: {  	v6 =	vadd.s32 v6, v4;
	_ =	sdelay $0x3  }
0x22b: {  	[tilespmem:v5+s28+$0x0] =	vst.idx.msk $0xffff, v3  }
0x22c: {  	v5 =	vor.u32 $0xB, v2;
	v3 =	vld.idx.msk [tilespmem:v6+s2+$0x0], $0xffff;
	v6 =	vor.u32 $0x280C, v1  }
0x22d: {  	v6 =	vadd.s32 v6, v4;
	_ =	sdelay $0x3  }
0x22e: {  	[tilespmem:v5+s28+$0x0] =	vst.idx.msk $0xffff, v3  }
0x22f: {  	v5 =	vor.u32 $0xC, v2;
	v3 =	vld.idx.msk [tilespmem:v6+s2+$0x0], $0xffff;
	v6 =	vor.u32 $0x280D, v1  }
0x230: {  	v6 =	vadd.s32 v6, v4;
	_ =	sdelay $0x3  }
0x231: {  	[tilespmem:v5+s28+$0x0] =	vst.idx.msk $0xffff, v3  }
0x232: {  	v5 =	vor.u32 $0xD, v2;
	v3 =	vld.idx.msk [tilespmem:v6+s2+$0x0], $0xffff;
	v6 =	vor.u32 $0x280E, v1  }
0x233: {  	v6 =	vadd.s32 v6, v4;
	_ =	sdelay $0x3  }
0x234: {  	[tilespmem:v5+s28+$0x0] =	vst.idx.msk $0xffff, v3  }
0x235: {  	v5 =	vor.u32 $0xE, v2;
	v3 =	vld.idx.msk [tilespmem:v6+s2+$0x0], $0xffff;
	v6 =	vor.u32 $0x280F, v1  }
0x236: {  	v4 =	vadd.s32 v6, v4;
	_ =	sdelay $0x3  }
0x237: {  	[tilespmem:v5+s28+$0x0] =	vst.idx.msk $0xffff, v3  }
0x238: {  	v2 =	vor.u32 $0xF, v2;
	v3 =	vld.idx.msk [tilespmem:v4+s2+$0x0], $0xffff;
	_ =	sdelay $0x3  }
0x239: {  	s12 =	sadd.s32 $0xFFFFFFF0, s8  }
0x23a: {  	[tilespmem:v2+s28+$0x0] =	vst.idx.msk $0xffff, v3;
	v2 =	vor.u32 s12, v0  }
0x23b: {  	v3 =	vmulhi.u32 $0x4EC4EC4F, v2;
	v4 =	vld [tilespmem:s0+$0x20];
	_ =	sdelay $0x1  }
0x23c: {  	v5 =	vshrl.u32 v3, $0x3  }
0x23d: {  	v5 =	vmul.u32 $0xFFFFFFE6, v5  }
0x23e: {  	v6 =	vor.u32 $0x3000, v1  }
0x23f: {  	v2 =	vadd.s32 v2, v5;
	v5 =	vadd.s32 v6, v4  }
0x240: {  	v6 =	vshll.u32 v2, $0x4;
	v2 =	vshll.u32 v2, $0x7  }
0x241: {  	v7 =	vshll.u32 v3, $0x6;
	v6 =	vand.u32 $0x70, v6;
	v2 =	vand.u32 $0xC00, v2  }
0x242: {  	v3 =	vshll.u32 v3, $0x4;
	v7 =	vand.u32 $0x7FFFF000, v7;
	v2 =	vor.u32 v6, v2  }
0x243: {  	v3 =	vand.u32 $0x380, v3;
	v2 =	vor.u32 v7, v2  }
0x244: {  	v5 =	vld.idx.msk [tilespmem:v5+s2+$0x0], $0xffff;
	v2 =	vor.u32 v3, v2;
	v3 =	vor.u32 $0x3001, v1  }
0x245: {  	v3 =	vadd.s32 v3, v4;
	_ =	sdelay $0x3  }
0x246: {  	[tilespmem:v2+s28+$0x0] =	vst.idx.msk $0xffff, v5  }
0x247: {  	v6 =	vor.u32 $0x3002, v1;
	v5 =	vor.u32 $0x1, v2;
	v3 =	vld.idx.msk [tilespmem:v3+s2+$0x0], $0xffff  }
0x248: {  	v6 =	vadd.s32 v6, v4;
	_ =	sdelay $0x3  }
0x249: {  	[tilespmem:v5+s28+$0x0] =	vst.idx.msk $0xffff, v3  }
0x24a: {  	v5 =	vor.u32 $0x2, v2;
	v3 =	vld.idx.msk [tilespmem:v6+s2+$0x0], $0xffff;
	v6 =	vor.u32 $0x3003, v1  }
0x24b: {  	v6 =	vadd.s32 v6, v4;
	_ =	sdelay $0x3  }
0x24c: {  	[tilespmem:v5+s28+$0x0] =	vst.idx.msk $0xffff, v3  }
0x24d: {  	v5 =	vor.u32 $0x3, v2;
	v3 =	vld.idx.msk [tilespmem:v6+s2+$0x0], $0xffff;
	v6 =	vor.u32 $0x3004, v1  }
0x24e: {  	v6 =	vadd.s32 v6, v4;
	_ =	sdelay $0x3  }
0x24f: {  	[tilespmem:v5+s28+$0x0] =	vst.idx.msk $0xffff, v3  }
0x250: {  	v5 =	vor.u32 $0x4, v2;
	v3 =	vld.idx.msk [tilespmem:v6+s2+$0x0], $0xffff;
	v6 =	vor.u32 $0x3005, v1  }
0x251: {  	v6 =	vadd.s32 v6, v4;
	_ =	sdelay $0x3  }
0x252: {  	[tilespmem:v5+s28+$0x0] =	vst.idx.msk $0xffff, v3  }
0x253: {  	v5 =	vor.u32 $0x5, v2;
	v3 =	vld.idx.msk [tilespmem:v6+s2+$0x0], $0xffff;
	v6 =	vor.u32 $0x3006, v1  }
0x254: {  	v6 =	vadd.s32 v6, v4;
	_ =	sdelay $0x3  }
0x255: {  	[tilespmem:v5+s28+$0x0] =	vst.idx.msk $0xffff, v3  }
0x256: {  	v5 =	vor.u32 $0x6, v2;
	v3 =	vld.idx.msk [tilespmem:v6+s2+$0x0], $0xffff;
	v6 =	vor.u32 $0x3007, v1  }
0x257: {  	v6 =	vadd.s32 v6, v4;
	_ =	sdelay $0x3  }
0x258: {  	[tilespmem:v5+s28+$0x0] =	vst.idx.msk $0xffff, v3  }
0x259: {  	v5 =	vor.u32 $0x7, v2;
	v3 =	vld.idx.msk [tilespmem:v6+s2+$0x0], $0xffff;
	v6 =	vor.u32 $0x3008, v1  }
0x25a: {  	v6 =	vadd.s32 v6, v4;
	_ =	sdelay $0x3  }
0x25b: {  	[tilespmem:v5+s28+$0x0] =	vst.idx.msk $0xffff, v3  }
0x25c: {  	v5 =	vor.u32 $0x8, v2;
	v3 =	vld.idx.msk [tilespmem:v6+s2+$0x0], $0xffff;
	v6 =	vor.u32 $0x3009, v1  }
0x25d: {  	v6 =	vadd.s32 v6, v4;
	_ =	sdelay $0x3  }
0x25e: {  	[tilespmem:v5+s28+$0x0] =	vst.idx.msk $0xffff, v3  }
0x25f: {  	v5 =	vor.u32 $0x9, v2;
	v3 =	vld.idx.msk [tilespmem:v6+s2+$0x0], $0xffff;
	v6 =	vor.u32 $0x300A, v1  }
0x260: {  	v6 =	vadd.s32 v6, v4;
	_ =	sdelay $0x3  }
0x261: {  	[tilespmem:v5+s28+$0x0] =	vst.idx.msk $0xffff, v3  }
0x262: {  	v5 =	vor.u32 $0xA, v2;
	v3 =	vld.idx.msk [tilespmem:v6+s2+$0x0], $0xffff;
	v6 =	vor.u32 $0x300B, v1  }
0x263: {  	v6 =	vadd.s32 v6, v4;
	_ =	sdelay $0x3  }
0x264: {  	[tilespmem:v5+s28+$0x0] =	vst.idx.msk $0xffff, v3  }
0x265: {  	v5 =	vor.u32 $0xB, v2;
	v3 =	vld.idx.msk [tilespmem:v6+s2+$0x0], $0xffff;
	v6 =	vor.u32 $0x300C, v1  }
0x266: {  	v6 =	vadd.s32 v6, v4;
	_ =	sdelay $0x3  }
0x267: {  	[tilespmem:v5+s28+$0x0] =	vst.idx.msk $0xffff, v3  }
0x268: {  	v5 =	vor.u32 $0xC, v2;
	v3 =	vld.idx.msk [tilespmem:v6+s2+$0x0], $0xffff;
	v6 =	vor.u32 $0x300D, v1  }
0x269: {  	v6 =	vadd.s32 v6, v4;
	_ =	sdelay $0x3  }
0x26a: {  	[tilespmem:v5+s28+$0x0] =	vst.idx.msk $0xffff, v3  }
0x26b: {  	v5 =	vor.u32 $0xD, v2;
	v3 =	vld.idx.msk [tilespmem:v6+s2+$0x0], $0xffff;
	v6 =	vor.u32 $0x300E, v1  }
0x26c: {  	v6 =	vadd.s32 v6, v4;
	_ =	sdelay $0x3  }
0x26d: {  	[tilespmem:v5+s28+$0x0] =	vst.idx.msk $0xffff, v3  }
0x26e: {  	v5 =	vor.u32 $0xE, v2;
	v3 =	vld.idx.msk [tilespmem:v6+s2+$0x0], $0xffff;
	v6 =	vor.u32 $0x300F, v1  }
0x26f: {  	v4 =	vadd.s32 v6, v4;
	_ =	sdelay $0x3  }
0x270: {  	[tilespmem:v5+s28+$0x0] =	vst.idx.msk $0xffff, v3  }
0x271: {  	v2 =	vor.u32 $0xF, v2;
	v3 =	vld.idx.msk [tilespmem:v4+s2+$0x0], $0xffff;
	_ =	sdelay $0x4  }
0x272: {  	[tilespmem:v2+s28+$0x0] =	vst.idx.msk $0xffff, v3;
	v2 =	vor.u32 s8, v0  }
0x273: {  	v3 =	vmulhi.u32 $0x4EC4EC4F, v2;
	v4 =	vld [tilespmem:s0+$0x30];
	_ =	sdelay $0x1  }
0x274: {  	v5 =	vshrl.u32 v3, $0x3  }
0x275: {  	v5 =	vmul.u32 $0xFFFFFFE6, v5  }
0x276: {  	v6 =	vor.u32 $0x3800, v1  }
0x277: {  	v2 =	vadd.s32 v2, v5;
	v5 =	vadd.s32 v6, v4  }
0x278: {  	v6 =	vshll.u32 v2, $0x4;
	v2 =	vshll.u32 v2, $0x7  }
0x279: {  	v7 =	vshll.u32 v3, $0x6;
	v6 =	vand.u32 $0x70, v6;
	v2 =	vand.u32 $0xC00, v2  }
0x27a: {  	v3 =	vshll.u32 v3, $0x4;
	v2 =	vor.u32 v6, v2;
	v6 =	vand.u32 $0x7FFFF000, v7  }
0x27b: {  	v3 =	vand.u32 $0x380, v3;
	v2 =	vor.u32 v6, v2  }
0x27c: {  	v5 =	vld.idx.msk [tilespmem:v5+s2+$0x0], $0xffff;
	v2 =	vor.u32 v3, v2;
	v3 =	vor.u32 $0x3801, v1  }
0x27d: {  	v3 =	vadd.s32 v3, v4;
	_ =	sdelay $0x3  }
0x27e: {  	[tilespmem:v2+s28+$0x0] =	vst.idx.msk $0xffff, v5  }
0x27f: {  	v6 =	vor.u32 $0x3802, v1;
	v5 =	vor.u32 $0x1, v2;
	v3 =	vld.idx.msk [tilespmem:v3+s2+$0x0], $0xffff  }
0x280: {  	v6 =	vadd.s32 v6, v4;
	_ =	sdelay $0x3  }
0x281: {  	[tilespmem:v5+s28+$0x0] =	vst.idx.msk $0xffff, v3  }
0x282: {  	v5 =	vor.u32 $0x2, v2;
	v3 =	vld.idx.msk [tilespmem:v6+s2+$0x0], $0xffff;
	v6 =	vor.u32 $0x3803, v1  }
0x283: {  	v6 =	vadd.s32 v6, v4;
	_ =	sdelay $0x3  }
0x284: {  	[tilespmem:v5+s28+$0x0] =	vst.idx.msk $0xffff, v3  }
0x285: {  	v5 =	vor.u32 $0x3, v2;
	v3 =	vld.idx.msk [tilespmem:v6+s2+$0x0], $0xffff;
	v6 =	vor.u32 $0x3804, v1  }
0x286: {  	v6 =	vadd.s32 v6, v4;
	_ =	sdelay $0x3  }
0x287: {  	[tilespmem:v5+s28+$0x0] =	vst.idx.msk $0xffff, v3  }
0x288: {  	v5 =	vor.u32 $0x4, v2;
	v3 =	vld.idx.msk [tilespmem:v6+s2+$0x0], $0xffff;
	v6 =	vor.u32 $0x3805, v1  }
0x289: {  	v6 =	vadd.s32 v6, v4;
	_ =	sdelay $0x3  }
0x28a: {  	[tilespmem:v5+s28+$0x0] =	vst.idx.msk $0xffff, v3  }
0x28b: {  	v5 =	vor.u32 $0x5, v2;
	v3 =	vld.idx.msk [tilespmem:v6+s2+$0x0], $0xffff;
	v6 =	vor.u32 $0x3806, v1  }
0x28c: {  	v6 =	vadd.s32 v6, v4;
	_ =	sdelay $0x3  }
0x28d: {  	[tilespmem:v5+s28+$0x0] =	vst.idx.msk $0xffff, v3  }
0x28e: {  	v5 =	vor.u32 $0x6, v2;
	v3 =	vld.idx.msk [tilespmem:v6+s2+$0x0], $0xffff;
	v6 =	vor.u32 $0x3807, v1  }
0x28f: {  	v6 =	vadd.s32 v6, v4;
	_ =	sdelay $0x3  }
0x290: {  	[tilespmem:v5+s28+$0x0] =	vst.idx.msk $0xffff, v3  }
0x291: {  	v5 =	vor.u32 $0x7, v2;
	v3 =	vld.idx.msk [tilespmem:v6+s2+$0x0], $0xffff;
	v6 =	vor.u32 $0x3808, v1  }
0x292: {  	v6 =	vadd.s32 v6, v4;
	_ =	sdelay $0x3  }
0x293: {  	[tilespmem:v5+s28+$0x0] =	vst.idx.msk $0xffff, v3  }
0x294: {  	v5 =	vor.u32 $0x8, v2;
	v3 =	vld.idx.msk [tilespmem:v6+s2+$0x0], $0xffff;
	v6 =	vor.u32 $0x3809, v1  }
0x295: {  	v6 =	vadd.s32 v6, v4;
	_ =	sdelay $0x3  }
0x296: {  	[tilespmem:v5+s28+$0x0] =	vst.idx.msk $0xffff, v3  }
0x297: {  	v5 =	vor.u32 $0x9, v2;
	v3 =	vld.idx.msk [tilespmem:v6+s2+$0x0], $0xffff;
	v6 =	vor.u32 $0x380A, v1  }
0x298: {  	v6 =	vadd.s32 v6, v4;
	_ =	sdelay $0x3  }
0x299: {  	[tilespmem:v5+s28+$0x0] =	vst.idx.msk $0xffff, v3  }
0x29a: {  	v5 =	vor.u32 $0xA, v2;
	v3 =	vld.idx.msk [tilespmem:v6+s2+$0x0], $0xffff;
	v6 =	vor.u32 $0x380B, v1  }
0x29b: {  	v6 =	vadd.s32 v6, v4;
	_ =	sdelay $0x3  }
0x29c: {  	[tilespmem:v5+s28+$0x0] =	vst.idx.msk $0xffff, v3  }
0x29d: {  	v5 =	vor.u32 $0xB, v2;
	v3 =	vld.idx.msk [tilespmem:v6+s2+$0x0], $0xffff;
	v6 =	vor.u32 $0x380C, v1  }
0x29e: {  	v6 =	vadd.s32 v6, v4;
	_ =	sdelay $0x3  }
0x29f: {  	[tilespmem:v5+s28+$0x0] =	vst.idx.msk $0xffff, v3  }
0x2a0: {  	v5 =	vor.u32 $0xC, v2;
	v3 =	vld.idx.msk [tilespmem:v6+s2+$0x0], $0xffff;
	v6 =	vor.u32 $0x380D, v1  }
0x2a1: {  	v6 =	vadd.s32 v6, v4;
	_ =	sdelay $0x3  }
0x2a2: {  	[tilespmem:v5+s28+$0x0] =	vst.idx.msk $0xffff, v3  }
0x2a3: {  	v5 =	vor.u32 $0xD, v2;
	v3 =	vld.idx.msk [tilespmem:v6+s2+$0x0], $0xffff;
	v6 =	vor.u32 $0x380E, v1  }
0x2a4: {  	v6 =	vadd.s32 v6, v4;
	_ =	sdelay $0x3  }
0x2a5: {  	[tilespmem:v5+s28+$0x0] =	vst.idx.msk $0xffff, v3  }
0x2a6: {  	v5 =	vor.u32 $0xE, v2;
	v3 =	vld.idx.msk [tilespmem:v6+s2+$0x0], $0xffff;
	v6 =	vor.u32 $0x380F, v1  }
0x2a7: {  	v4 =	vadd.s32 v6, v4;
	_ =	sdelay $0x3  }
0x2a8: {  	s8 =	sadd.s32 $0x80, s8;
	[tilespmem:v5+s28+$0x0] =	vst.idx.msk $0xffff, v3  }
0x2a9: {  	p0 =	sne.s32 s8, $0xD70;
	v2 =	vor.u32 $0xF, v2;
	v3 =	vld.idx.msk [tilespmem:v4+s2+$0x0], $0xffff  }
.Ltmp0:
0x2aa: {  	_ = 	snop;
	(pc) =	sbr.rel @p0 .LBB2_3-.Ltmp0, $2  }
0x2ab: {  	_ =	sdelay $0x2  }
0x2ac: {  	s30 =	sadd.s32 $0x80, s30;
	s4 =	sadd.s32 $0x1, s4;
	s0 =	sadd.s32 $0x80, s0;
	[tilespmem:v2+s28+$0x0] =	vst.idx.msk $0xffff, v3  }
0x2ad: {  	s31 =	sadd.s32 $0x1, s31  }
0x2ae: {  	s0 =	sshll.u32 s1, $0xD;
	p0 =	sne.s32 s31, $0x4  }
.Ltmp1:
0x2af: {  	s30 =	simm.s32 $0x0;
	s0 =	sadd.s32 s6, s0;
	(pc) =	sbr.rel @p0 .LBB2_2-.Ltmp1, $4  }
0x2b0: {  	[hbm4b:s0+s30] =	stream.linear.scatter [tilespmem:s28], [sflag:$0x4], $0x10000, $0x38;
	[tilespmem:$0x1E000] =	vst v63  }
0x2b1: {  	_ =	swait.ge [sflag:s29], $0x10000  }
0x2b2: {  	[sflag:s29] =	ssyncset.done $0x0  }
0x2b3: {  	[sflag:s29] =	ssyncadd.s32 $0xFFFF0000  }
0x2b4: {  	s1 =	rddreg [dreg:$0x4]  }
0x2b5: {  	s0 =	rddreg [dreg:$0x3];
	s1 =	sadd.s32 $0x1, s1  }
0x2b6: {  	p0 =	sne.s32 s1, s0  }
.Ltmp2:
0x2b7: {  	_ = 	snop;
	(pc) =	sbr.rel @p0 .LBB2_1-.Ltmp2, $1  }
0x2b8: {  	_ =	sdelay $0x3  }
0x2b9: {  	_ =	sfence.sel $0x180000  }
0x2ba: {  	[bflag:$0x0] =	sbarrier.arrive $0xFFFF  }
0x2bb: {  	_ =	strace $0x90000047  }
0x2bc: {  	s0 =	stileid.u32;
	[bflag:$0x2] =	sbarrier.arrive $0xFFFF  }
0x2bd: {  	p0 =	sne.s32 s0, $0x0;
	s0 =	rddreg [dreg:$0x2]  }
0x2be: {  	s0 =	sadd.s32 @!p0 $0x100000, s0  }
0x2bf: {  	[sflag:s0] =	ssyncadd.tile.s32 @!p0 $0x1;
	_ =	shalt  }
.Lfunc_end2:
_tile_overlayer_lowered:
.L_overlay_start_2:
0x2c0: {  	(tag) =	ssettag $0x2  }
0x2c1: {  	s0 =	rddreg [dreg:$0x0];
	s2 =	stileid.u32  }
0x2c2: {  	s1 =	rddreg [dreg:$0x1];
	p0 =	sne.s32 s2, $0x0  }
0x2c3: {  	s3 =	rddreg [dreg:$0x2];
	[bflag:$0x3] =	sbarrier.arrive $0xFFFF;
	s2 =	simm.s32 @!p0 $0x1C05  }
0x2c4: {  	[timem:s3], [sflag:s2] =	dma.local @!p0 [hbm:s0], s1  }
0x2c5: {  	s0 =	simm.s32 @!p0 $0x5  }
0x2c6: {  	_ =	swait.ge @!p0 [sflag:s0], s1  }
0x2c7: {  	s1 =	ssub.s32 @!p0 $0x0, s1;
	[sflag:s0] =	ssyncset.done @!p0 $0x0  }
0x2c8: {  	[sflag:s0] =	ssyncadd.s32 @!p0 s1  }
0x2c9: {  	[bflag:$0x3] =	sbarrier.arrive $0xFFFF  }
0x2ca: {  	_ =	shalt  }

</sc_bundles>
